<compile_context>
chip_gen: v7x
topology: tpu7x:2x2x1
jax: 0.10.2.dev20260603
libtpu: 0.0.44.dev20260713+nightly
codegen_flags: <defaults>
</compile_context>

<pallas_src>
import functools

import jax
import jax.numpy as jnp
from jax import lax
from jax.experimental import pallas as pl
from jax.experimental.pallas import tpu as pltpu
from jax.experimental.pallas import tpu_sc as plsc

N = 10000
E = 320000
D = 128

NC = 2
NS = 16
NW = NC * NS

CHUNK = 128
CPT = 80
NCHUNKS = NW * CPT
E_PAD = NCHUNKS * CHUNK
NP_ = 10240
PAD_ROW = N
RPS = NP_ // NS

_MESH = plsc.VectorSubcoreMesh(core_axis_name="c", subcore_axis_name="s")



def _scalar_agg_body(gather, vals_hbm, src_hbm, dst_hbm, zeros_hbm, out_hbm,
                     sivb, divb, vbuf, acc, vsh, gsem, ssem):
    cid = lax.axis_index("c")
    sid = lax.axis_index("s")
    wid = sid * NC + cid
    c0 = wid * CPT
    r0 = sid * RPS
    pltpu.sync_copy(zeros_hbm.at[pl.ds(r0, RPS)], acc.at[pl.ds(r0, RPS)])
    pltpu.sync_copy(dst_hbm.at[pl.ds(c0, CPT)], divb)
    if gather:
        pltpu.sync_copy(src_hbm.at[pl.ds(c0, CPT)], sivb)
        pltpu.sync_copy(vals_hbm.at[pl.ds(r0, RPS)], vsh.at[pl.ds(r0, RPS)])
    else:
        for j in range(CHUNK // 16):
            vbuf[0, pl.ds(j * 16, 16)] = jnp.full((16,), 1.0, jnp.float32)
    plsc.subcore_barrier()

    def drain_g(b):
        pltpu.make_async_copy(vsh.at[sivb.at[0]], vbuf.at[b], gsem).wait()

    def drain_s(b):
        pltpu.make_async_copy(vbuf.at[b], acc.at[divb.at[0]], ssem).wait()

    if gather:
        pltpu.async_copy(vsh.at[sivb.at[0]], vbuf.at[0], gsem)

        def pair(i, carry):
            for b in (0, 1):
                c = 2 * i + b
                drain_g(b)
                pltpu.async_copy(vbuf.at[b], acc.at[divb.at[c]], ssem, add=True)

                @pl.when(c + 1 < CPT)
                def _():
                    @pl.when(c >= 1)
                    def _():
                        drain_s(1 - b)
                    pltpu.async_copy(vsh.at[sivb.at[c + 1]], vbuf.at[1 - b],
                                     gsem)

            return carry

        lax.fori_loop(0, CPT // 2, pair, 0)
        drain_s(0)
        drain_s(1)
    else:
        def body(c, carry):
            @pl.when(c >= 8)
            def _():
                drain_s(0)
            pltpu.async_copy(vbuf.at[0], acc.at[divb.at[c]], ssem, add=True)
            return carry

        lax.fori_loop(0, CPT, body, 0)
        for _ in range(8):
            drain_s(0)
    plsc.subcore_barrier()
    pltpu.sync_copy(acc.at[pl.ds(r0, RPS)], out_hbm.at[cid].at[pl.ds(r0, RPS)])


def _make_scalar_agg(gather):
    return functools.partial(
        pl.kernel,
        out_type=jax.ShapeDtypeStruct((NC, NP_), jnp.float32),
        mesh=_MESH,
        scratch_types=[
            pltpu.VMEM((CPT, CHUNK), jnp.int32),
            pltpu.VMEM((CPT, CHUNK), jnp.int32),
            pltpu.VMEM((2, CHUNK), jnp.float32),
            pltpu.VMEM_SHARED((NP_,), jnp.float32),
            pltpu.VMEM_SHARED((NP_,), jnp.float32),
            pltpu.SemaphoreType.DMA,
            pltpu.SemaphoreType.DMA,
        ],
    )(functools.partial(_scalar_agg_body, gather))


_sc_scalar_agg = _make_scalar_agg(True)
_sc_degree = _make_scalar_agg(False)


CA = 80
CB = 80
PA = CA // 2
PB = CB // 2


@functools.partial(
    pl.kernel,
    out_type=jax.ShapeDtypeStruct((NC, NP_, D), jnp.float32),
    mesh=_MESH,
    scratch_types=[
        pltpu.VMEM((PA, CHUNK), jnp.int32),
        pltpu.VMEM((PA, CHUNK), jnp.int32),
        pltpu.VMEM((2, CHUNK, D), jnp.float32),
        pltpu.VMEM_SHARED((NP_, D), jnp.float32),
        pltpu.SemaphoreType.DMA,
        pltpu.SemaphoreType.DMA,
    ],
)
def _sc_dense_agg(hs_hbm, src_hbm, dst_hbm, zeros_hbm, out_hbm,
                  sivb, divb, rows, acc, gsem, ssem):
    cid = lax.axis_index("c")
    sid = lax.axis_index("s")
    r0 = sid * RPS
    pltpu.sync_copy(zeros_hbm.at[pl.ds(r0, RPS)], acc.at[pl.ds(r0, RPS)])
    plsc.subcore_barrier()

    def drain_s(b):
        pltpu.make_async_copy(rows.at[b], acc.at[divb.at[0]], ssem).wait()

    def run(c0, HC, nph):
        for p in range(nph):
            pltpu.sync_copy(src_hbm.at[pl.ds(c0 + p * HC, HC)],
                            sivb.at[pl.ds(0, HC)])
            pltpu.sync_copy(dst_hbm.at[pl.ds(c0 + p * HC, HC)],
                            divb.at[pl.ds(0, HC)])

            def pair(i, carry):
                for b in (0, 1):
                    c = 2 * i + b

                    @pl.when(i >= 1)
                    def _():
                        drain_s(b)
                    pltpu.sync_copy(hs_hbm.at[sivb.at[c]], rows.at[b])
                    pltpu.async_copy(rows.at[b], acc.at[divb.at[c]], ssem,
                                     add=True)

                return carry

            lax.fori_loop(0, HC // 2, pair, 0)
            drain_s(0)
            drain_s(1)

    @pl.when(cid == 0)
    def _():
        run(sid * CA, PA, 2)

    @pl.when(cid == 1)
    def _():
        run(NS * CA + sid * CB, PB, 2)

    plsc.subcore_barrier()
    pltpu.sync_copy(acc.at[pl.ds(r0, RPS)], out_hbm.at[cid].at[pl.ds(r0, RPS)])



RB = 1000
GRID = N // RB


def _t0_body(x_ref, w_ref, h_ref):
    h_ref[...] = jnp.dot(x_ref[...], w_ref[...],
                         preferred_element_type=jnp.float32)


def _tc_matmul(x, W1):
    return pl.pallas_call(
        _t0_body,
        grid=(GRID,),
        in_specs=[
            pl.BlockSpec((RB, D), lambda i: (i, 0)),
            pl.BlockSpec((D, D), lambda i: (0, 0)),
        ],
        out_specs=pl.BlockSpec((RB, D), lambda i: (i, 0)),
        out_shape=jax.ShapeDtypeStruct((N, D), jnp.float32),
    )(x, W1)


def _t1_body(h_ref, degp_ref, hs_ref, dinv_ref):
    deg = degp_ref[0] + degp_ref[1]
    dinv = lax.rsqrt(deg + 1.0)
    hs_ref[...] = h_ref[...] * dinv
    dinv_ref[...] = dinv


def _tc_scale(h, degp):
    return pl.pallas_call(
        _t1_body,
        grid=(GRID,),
        in_specs=[
            pl.BlockSpec((RB, D), lambda i: (i, 0)),
            pl.BlockSpec((NC, RB, 1), lambda i: (0, i, 0)),
        ],
        out_specs=[
            pl.BlockSpec((RB, D), lambda i: (i, 0)),
            pl.BlockSpec((RB, 1), lambda i: (i, 0)),
        ],
        out_shape=[
            jax.ShapeDtypeStruct((N, D), jnp.float32),
            jax.ShapeDtypeStruct((N, 1), jnp.float32),
        ],
    )(h, degp.reshape(NC, NP_, 1))


def _t2_body(a_ref, hs_ref, dinv_ref, b1_ref, w2_ref, s_ref):
    dinv = dinv_ref[...]
    o = (a_ref[0] + a_ref[1] + hs_ref[...]) * dinv + b1_ref[...]
    o = jnp.maximum(o, 0.0)
    s_ref[...] = jnp.dot(o, w2_ref[...], preferred_element_type=jnp.float32) * dinv


def _tc_post1(aggp, hs, dinv, b1, W2):
    return pl.pallas_call(
        _t2_body,
        grid=(GRID,),
        in_specs=[
            pl.BlockSpec((NC, RB, D), lambda i: (0, i, 0)),
            pl.BlockSpec((RB, D), lambda i: (i, 0)),
            pl.BlockSpec((RB, 1), lambda i: (i, 0)),
            pl.BlockSpec((1, D), lambda i: (0, 0)),
            pl.BlockSpec((D, 1), lambda i: (0, 0)),
        ],
        out_specs=pl.BlockSpec((RB, 1), lambda i: (i, 0)),
        out_shape=jax.ShapeDtypeStruct((NP_, 1), jnp.float32),
    )(aggp, hs, dinv, b1, W2)


def _t3_body(qp_ref, s_ref, dinv_ref, b2_ref, out_ref):
    q = qp_ref[0] + qp_ref[1]
    pre = (q + s_ref[...]) * dinv_ref[...] + b2_ref[...]
    out_ref[...] = jax.nn.sigmoid(pre)


def _tc_post2(qp, s2, dinv, b2):
    return pl.pallas_call(
        _t3_body,
        grid=(GRID,),
        in_specs=[
            pl.BlockSpec((NC, RB, 1), lambda i: (0, i, 0)),
            pl.BlockSpec((RB, 1), lambda i: (i, 0)),
            pl.BlockSpec((RB, 1), lambda i: (i, 0)),
            pl.BlockSpec((1, 1), lambda i: (0, 0)),
        ],
        out_specs=pl.BlockSpec((RB, 1), lambda i: (i, 0)),
        out_shape=jax.ShapeDtypeStruct((N, 1), jnp.float32),
    )(qp.reshape(NC, NP_, 1), s2, dinv, b2)



def kernel(x, edge_index, W1, b1, W2, b2):
    npad = E_PAD - E
    pad_src = jnp.arange(npad, dtype=jnp.int32) % N
    src2d = jnp.concatenate(
        [edge_index[0].astype(jnp.int32), pad_src]).reshape(NCHUNKS, CHUNK)
    pad_dst = PAD_ROW + jnp.arange(npad, dtype=jnp.int32) % (NP_ - N)
    dst2d = jnp.concatenate(
        [edge_index[1].astype(jnp.int32), pad_dst]).reshape(NCHUNKS, CHUNK)
    zeros1 = jnp.zeros((NP_,), jnp.float32)
    zeros2 = jnp.zeros((NP_, D), jnp.float32)

    h1 = _tc_matmul(x, W1)
    degp = _sc_degree(zeros1, src2d, dst2d, zeros1)
    hs1, dinv = _tc_scale(h1, degp)
    aggp = _sc_dense_agg(hs1, src2d, dst2d, zeros2)
    s2 = _tc_post1(aggp, hs1, dinv, b1.reshape(1, D), W2)
    qp = _sc_scalar_agg(s2.reshape(NP_), src2d, dst2d, zeros1)
    out = _tc_post2(qp, s2, dinv, b2.reshape(1, 1))
    return out

# --- scband reference (transcript-rebuilt; emitter-appended) ---
"""Pipeline reference for scband-gcn-85177791415007 (READ-ONLY COPY).

The authoritative reference and input builder live on the scoring server;
editing this copy changes nothing except your own understanding.
"""

import jax, jax.numpy as jnp
import numpy as np

N_NODES = 10000
DIM_IN = 128
DIM_H = 128


def setup_inputs(seed: int = 0) -> dict:
    key = jax.random.key(seed)
    k1, k2, k3, k4, k5, k6 = jax.random.split(key, 6)
    x = jax.random.normal(k1, (N_NODES, DIM_IN), dtype=jnp.float32)
    edge_index = jax.random.randint(k2, (2, 320000), 0, N_NODES, dtype=jnp.int64)
    # GCNConv weights (glorot-ish init) and zero biases
    W1 = jax.random.normal(k3, (DIM_IN, DIM_H), dtype=jnp.float32) * (1.0 / np.sqrt(DIM_IN))
    b1 = jnp.zeros((DIM_H,), dtype=jnp.float32)
    W2 = jax.random.normal(k4, (DIM_H, 1), dtype=jnp.float32) * (1.0 / np.sqrt(DIM_H))
    b2 = jnp.zeros((1,), dtype=jnp.float32)
    return {"x": x, "edge_index": edge_index, "W1": W1, "b1": b1, "W2": W2, "b2": b2}


def _gcn_conv(x, edge_index, W, b):
    num_nodes = x.shape[0]
    src = edge_index[0]
    dst = edge_index[1]
    # add self loops (PyG GCNConv default: add_self_loops=True, normalize=True)
    loop = jnp.arange(num_nodes, dtype=src.dtype)
    src = jnp.concatenate([src, loop])
    dst = jnp.concatenate([dst, loop])
    ones = jnp.ones(src.shape[0], dtype=x.dtype)
    deg = jnp.zeros((num_nodes,), dtype=x.dtype).at[dst].add(ones)
    deg_inv_sqrt = jnp.where(deg > 0, jax.lax.rsqrt(deg), 0.0)
    norm = deg_inv_sqrt[src] * deg_inv_sqrt[dst]
    h = x @ W
    msg = h[src] * norm[:, None]
    out = jnp.zeros((num_nodes, W.shape[1]), dtype=x.dtype).at[dst].add(msg)
    return out + b


def reference(x, edge_index, W1, b1, W2, b2):
    h = _gcn_conv(x, edge_index, W1, b1)
    h = jax.nn.relu(h)
    h = _gcn_conv(h, edge_index, W2, b2)
    return jax.nn.sigmoid(h)

if __name__ == "__main__":
    import jax
    _d = setup_inputs()
    print(jax.jit(kernel)(*tuple(_d.values())))

</pallas_src>

<mosaic_0001>
#map = affine_map<(d0, d1) -> (0)>
#map1 = affine_map<(d0, d1) -> (0, 0)>
module attributes {stable_mosaic.version = 14 : i64} {
  func.func @_scalar_agg_body(%arg0: i32, %arg1: i32, %arg2: memref<10240xf32, #tpu.memory_space<hbm>>, %arg3: memref<2560x128xi32, #tpu.memory_space<hbm>>, %arg4: memref<2560x128xi32, #tpu.memory_space<hbm>>, %arg5: memref<10240xf32, #tpu.memory_space<hbm>>, %arg6: memref<2x10240xf32, #tpu.memory_space<hbm>>, %arg7: memref<80x128xi32, #tpu.memory_space<vmem>>, %arg8: memref<80x128xi32, #tpu.memory_space<vmem>>, %arg9: memref<2x128xf32, #tpu.memory_space<vmem>>, %arg10: memref<10240xf32, #tpu.memory_space<vmem_shared>>, %arg11: memref<10240xf32, #tpu.memory_space<vmem_shared>>, %arg12: memref<!tpu.dma_semaphore, #tpu.memory_space<semaphore_mem>>, %arg13: memref<!tpu.dma_semaphore, #tpu.memory_space<semaphore_mem>>) attributes {dimension_semantics = [#tpu.dimension_semantics<core_parallel>, #tpu.dimension_semantics<subcore_parallel>], iteration_bounds = array<i64: 2, 16>, scalar_prefetch = 0 : i64, scratch_operands = 7 : i64, tpu.core_type = #tpu.core_type<sc_vector_subcore>, window_params = [{transform_indices = #map}, {transform_indices = #map1}, {transform_indices = #map1}, {transform_indices = #map}, {transform_indices = #map1}]} {
    %mul3A = arith.constant 2 : i32
    %mul3A_0 = arith.muli %arg1, %mul3A : i32
    %add3A = arith.addi %mul3A_0, %arg0 : i32
    %mul3A_1 = arith.constant 80 : i32
    %mul3A_2 = arith.muli %add3A, %mul3A_1 : i32
    %mul3A_3 = arith.constant 640 : i32
    %mul3A_4 = arith.muli %arg1, %mul3A_3 : i32
    "tpu.region"() ({
      %run_scoped3A = tpu.sem_alloc : memref<!tpu.dma_semaphore, #tpu.memory_space<semaphore_mem>>
      %dma_start3A_39 = tpu.memref_slice %arg10[%mul3A_4] : memref<10240xf32, #tpu.memory_space<vmem_shared>> -> memref<640xf32, #tpu.memory_space<vmem_shared>>
      %dma_start3A_40 = tpu.memref_slice %arg5[%mul3A_4] : memref<10240xf32, #tpu.memory_space<hbm>> -> memref<640xf32, #tpu.memory_space<hbm>>
      tpu.enqueue_dma source(%dma_start3A_40 : memref<640xf32, #tpu.memory_space<hbm>>) target(%dma_start3A_39 : memref<640xf32, #tpu.memory_space<vmem_shared>>) target_semaphore(%run_scoped3A : memref<!tpu.dma_semaphore, #tpu.memory_space<semaphore_mem>>)
      %dma_wait3A_41 = tpu.memref_slice %arg10[%mul3A_4] : memref<10240xf32, #tpu.memory_space<vmem_shared>> -> memref<640xf32, #tpu.memory_space<vmem_shared>>
      %dma_wait3A_42 = tpu.memref_slice %arg5[%mul3A_4] : memref<10240xf32, #tpu.memory_space<hbm>> -> memref<640xf32, #tpu.memory_space<hbm>>
      tpu.wait_dma2 semaphore(%run_scoped3A : memref<!tpu.dma_semaphore, #tpu.memory_space<semaphore_mem>>) src(%dma_wait3A_42 : memref<640xf32, #tpu.memory_space<hbm>>) dst(%dma_wait3A_41 : memref<640xf32, #tpu.memory_space<vmem_shared>>)
      tpu.yield
    }) : () -> ()
    "tpu.region"() ({
      %run_scoped3A = tpu.sem_alloc : memref<!tpu.dma_semaphore, #tpu.memory_space<semaphore_mem>>
      %dma_start3A_39 = arith.constant 0 : i32
      %dma_start3A_40 = tpu.memref_slice %arg4[%mul3A_2, %dma_start3A_39] : memref<2560x128xi32, #tpu.memory_space<hbm>> -> memref<80x128xi32, #tpu.memory_space<hbm>>
      %dma_start3A_41 = arith.constant 0 : i32
      %dma_start3A_42 = tpu.memref_slice %arg4[%mul3A_2, %dma_start3A_41] : memref<2560x128xi32, #tpu.memory_space<hbm>> -> memref<80x128xi32, #tpu.memory_space<hbm>>
      tpu.enqueue_dma source(%dma_start3A_42 : memref<80x128xi32, #tpu.memory_space<hbm>>) target(%arg8 : memref<80x128xi32, #tpu.memory_space<vmem>>) target_semaphore(%run_scoped3A : memref<!tpu.dma_semaphore, #tpu.memory_space<semaphore_mem>>)
      %dma_wait3A_43 = arith.constant 0 : i32
      %dma_wait3A_44 = tpu.memref_slice %arg4[%mul3A_2, %dma_wait3A_43] : memref<2560x128xi32, #tpu.memory_space<hbm>> -> memref<80x128xi32, #tpu.memory_space<hbm>>
      %dma_wait3A_45 = arith.constant 0 : i32
      %dma_wait3A_46 = tpu.memref_slice %arg4[%mul3A_2, %dma_wait3A_45] : memref<2560x128xi32, #tpu.memory_space<hbm>> -> memref<80x128xi32, #tpu.memory_space<hbm>>
      tpu.wait_dma2 semaphore(%run_scoped3A : memref<!tpu.dma_semaphore, #tpu.memory_space<semaphore_mem>>) src(%dma_wait3A_46 : memref<80x128xi32, #tpu.memory_space<hbm>>) dst(%arg8 : memref<80x128xi32, #tpu.memory_space<vmem>>)
      tpu.yield
    }) : () -> ()
    "tpu.region"() ({
      %run_scoped3A = tpu.sem_alloc : memref<!tpu.dma_semaphore, #tpu.memory_space<semaphore_mem>>
      %dma_start3A_39 = arith.constant 0 : i32
      %dma_start3A_40 = tpu.memref_slice %arg3[%mul3A_2, %dma_start3A_39] : memref<2560x128xi32, #tpu.memory_space<hbm>> -> memref<80x128xi32, #tpu.memory_space<hbm>>
      %dma_start3A_41 = arith.constant 0 : i32
      %dma_start3A_42 = tpu.memref_slice %arg3[%mul3A_2, %dma_start3A_41] : memref<2560x128xi32, #tpu.memory_space<hbm>> -> memref<80x128xi32, #tpu.memory_space<hbm>>
      tpu.enqueue_dma source(%dma_start3A_42 : memref<80x128xi32, #tpu.memory_space<hbm>>) target(%arg7 : memref<80x128xi32, #tpu.memory_space<vmem>>) target_semaphore(%run_scoped3A : memref<!tpu.dma_semaphore, #tpu.memory_space<semaphore_mem>>)
      %dma_wait3A_43 = arith.constant 0 : i32
      %dma_wait3A_44 = tpu.memref_slice %arg3[%mul3A_2, %dma_wait3A_43] : memref<2560x128xi32, #tpu.memory_space<hbm>> -> memref<80x128xi32, #tpu.memory_space<hbm>>
      %dma_wait3A_45 = arith.constant 0 : i32
      %dma_wait3A_46 = tpu.memref_slice %arg3[%mul3A_2, %dma_wait3A_45] : memref<2560x128xi32, #tpu.memory_space<hbm>> -> memref<80x128xi32, #tpu.memory_space<hbm>>
      tpu.wait_dma2 semaphore(%run_scoped3A : memref<!tpu.dma_semaphore, #tpu.memory_space<semaphore_mem>>) src(%dma_wait3A_46 : memref<80x128xi32, #tpu.memory_space<hbm>>) dst(%arg7 : memref<80x128xi32, #tpu.memory_space<vmem>>)
      tpu.yield
    }) : () -> ()
    "tpu.region"() ({
      %run_scoped3A = tpu.sem_alloc : memref<!tpu.dma_semaphore, #tpu.memory_space<semaphore_mem>>
      %dma_start3A_39 = tpu.memref_slice %arg11[%mul3A_4] : memref<10240xf32, #tpu.memory_space<vmem_shared>> -> memref<640xf32, #tpu.memory_space<vmem_shared>>
      %dma_start3A_40 = tpu.memref_slice %arg2[%mul3A_4] : memref<10240xf32, #tpu.memory_space<hbm>> -> memref<640xf32, #tpu.memory_space<hbm>>
      tpu.enqueue_dma source(%dma_start3A_40 : memref<640xf32, #tpu.memory_space<hbm>>) target(%dma_start3A_39 : memref<640xf32, #tpu.memory_space<vmem_shared>>) target_semaphore(%run_scoped3A : memref<!tpu.dma_semaphore, #tpu.memory_space<semaphore_mem>>)
      %dma_wait3A_41 = tpu.memref_slice %arg11[%mul3A_4] : memref<10240xf32, #tpu.memory_space<vmem_shared>> -> memref<640xf32, #tpu.memory_space<vmem_shared>>
      %dma_wait3A_42 = tpu.memref_slice %arg2[%mul3A_4] : memref<10240xf32, #tpu.memory_space<hbm>> -> memref<640xf32, #tpu.memory_space<hbm>>
      tpu.wait_dma2 semaphore(%run_scoped3A : memref<!tpu.dma_semaphore, #tpu.memory_space<semaphore_mem>>) src(%dma_wait3A_42 : memref<640xf32, #tpu.memory_space<hbm>>) dst(%dma_wait3A_41 : memref<640xf32, #tpu.memory_space<vmem_shared>>)
      tpu.yield
    }) : () -> ()
    %barrier3A = arith.constant 0 : index
    tpu.barrier barrier_id(%barrier3A)
    %dma_start3A = arith.constant 0 : i32
    %dma_start3A_5 = arith.constant 0 : i32
    %dma_start3A_6 = arith.constant 0 : i32
    %dma_start3A_7 = tpu.memref_slice %arg9[%dma_start3A_5, %dma_start3A_6] : memref<2x128xf32, #tpu.memory_space<vmem>> -> memref<1x128xf32, #tpu.memory_space<vmem>>
    %dma_start3A_8 = tpu.memref_squeeze %dma_start3A_7 : memref<1x128xf32, #tpu.memory_space<vmem>> -> memref<128xf32, #tpu.memory_space<vmem>>
    %dma_start3A_9 = arith.constant 0 : i32
    %dma_start3A_10 = tpu.memref_slice %arg7[%dma_start3A, %dma_start3A_9] : memref<80x128xi32, #tpu.memory_space<vmem>> -> memref<1x128xi32, #tpu.memory_space<vmem>>
    %dma_start3A_11 = tpu.memref_squeeze %dma_start3A_10 : memref<1x128xi32, #tpu.memory_space<vmem>> -> memref<128xi32, #tpu.memory_space<vmem>>
    %dma_start3A_12 = arith.constant 0 : i32
    %dma_start3A_13 = tpu.memref_slice %arg11[%dma_start3A_12] : memref<10240xf32, #tpu.memory_space<vmem_shared>> -> memref<10240xf32, #tpu.memory_space<vmem_shared>>
    tpu.enqueue_indirect_dma source(%dma_start3A_13 : memref<10240xf32, #tpu.memory_space<vmem_shared>>) target(%dma_start3A_8 : memref<128xf32, #tpu.memory_space<vmem>>) offsets(%dma_start3A_11 : memref<128xi32, #tpu.memory_space<vmem>>) semaphore(%arg12 : memref<!tpu.dma_semaphore, #tpu.memory_space<semaphore_mem>>)
    %scan3A = arith.constant 0 : i32
    %scan3A_14 = arith.constant 0 : i32
    %scan3A_15 = arith.constant 40 : i32
    %scan3A_16 = arith.addi %scan3A_14, %scan3A_15 : i32
    %scan3A_17 = arith.constant 1 : i32
    scf.for %scan3A_39 = %scan3A_14 to %scan3A_16 step %scan3A_17  : i32 {
      %mul3A_40 = arith.constant 2 : i32
      %mul3A_41 = arith.muli %mul3A_40, %scan3A_39 : i32
      %add3A_42 = arith.constant 0 : i32
      %add3A_43 = arith.addi %mul3A_41, %add3A_42 : i32
      %dma_wait3A_44 = arith.constant 0 : i32
      %dma_wait3A_45 = arith.constant 0 : i32
      %dma_wait3A_46 = arith.constant 0 : i32
      %dma_wait3A_47 = tpu.memref_slice %arg9[%dma_wait3A_45, %dma_wait3A_46] : memref<2x128xf32, #tpu.memory_space<vmem>> -> memref<1x128xf32, #tpu.memory_space<vmem>>
      %dma_wait3A_48 = tpu.memref_squeeze %dma_wait3A_47 : memref<1x128xf32, #tpu.memory_space<vmem>> -> memref<128xf32, #tpu.memory_space<vmem>>
      %dma_wait3A_49 = arith.constant 0 : i32
      %dma_wait3A_50 = tpu.memref_slice %arg7[%dma_wait3A_44, %dma_wait3A_49] : memref<80x128xi32, #tpu.memory_space<vmem>> -> memref<1x128xi32, #tpu.memory_space<vmem>>
      %dma_wait3A_51 = tpu.memref_squeeze %dma_wait3A_50 : memref<1x128xi32, #tpu.memory_space<vmem>> -> memref<128xi32, #tpu.memory_space<vmem>>
      %dma_wait3A_52 = arith.constant 0 : i32
      %dma_wait3A_53 = tpu.memref_slice %arg11[%dma_wait3A_52] : memref<10240xf32, #tpu.memory_space<vmem_shared>> -> memref<10240xf32, #tpu.memory_space<vmem_shared>>
      tpu.wait_indirect_dma semaphore(%arg12 : memref<!tpu.dma_semaphore, #tpu.memory_space<semaphore_mem>>) src(%dma_wait3A_53 : memref<10240xf32, #tpu.memory_space<vmem_shared>>) dst(%dma_wait3A_48 : memref<128xf32, #tpu.memory_space<vmem>>)
      %dma_start3A_54 = arith.constant 0 : i32
      %dma_start3A_55 = arith.constant 0 : i32
      %dma_start3A_56 = tpu.memref_slice %arg9[%dma_start3A_54, %dma_start3A_55] : memref<2x128xf32, #tpu.memory_space<vmem>> -> memref<1x128xf32, #tpu.memory_space<vmem>>
      %dma_start3A_57 = tpu.memref_squeeze %dma_start3A_56 : memref<1x128xf32, #tpu.memory_space<vmem>> -> memref<128xf32, #tpu.memory_space<vmem>>
      %dma_start3A_58 = arith.constant 0 : i32
      %dma_start3A_59 = tpu.memref_slice %arg8[%add3A_43, %dma_start3A_58] : memref<80x128xi32, #tpu.memory_space<vmem>> -> memref<1x128xi32, #tpu.memory_space<vmem>>
      %dma_start3A_60 = tpu.memref_squeeze %dma_start3A_59 : memref<1x128xi32, #tpu.memory_space<vmem>> -> memref<128xi32, #tpu.memory_space<vmem>>
      %dma_start3A_61 = arith.constant 0 : i32
      %dma_start3A_62 = tpu.memref_slice %arg10[%dma_start3A_61] : memref<10240xf32, #tpu.memory_space<vmem_shared>> -> memref<10240xf32, #tpu.memory_space<vmem_shared>>
      tpu.enqueue_indirect_dma source(%dma_start3A_57 : memref<128xf32, #tpu.memory_space<vmem>>) target(%dma_start3A_62 : memref<10240xf32, #tpu.memory_space<vmem_shared>>) offsets(%dma_start3A_60 : memref<128xi32, #tpu.memory_space<vmem>>) semaphore(%arg13 : memref<!tpu.dma_semaphore, #tpu.memory_space<semaphore_mem>>) {add = true}
      %add3A_63 = arith.constant 1 : i32
      %add3A_64 = arith.addi %add3A_43, %add3A_63 : i32
      %lt3A = arith.constant 80 : i32
      %lt3A_65 = arith.cmpi slt, %add3A_64, %lt3A : i32
      %convert_element_type3A = arith.extui %lt3A_65 : i1 to i32
      %cond3A = arith.constant 0 : i32
      %cond3A_66 = arith.cmpi ne, %convert_element_type3A, %cond3A : i32
      scf.if %cond3A_66 {
        %ge3A = arith.constant 1 : i32
        %ge3A_97 = arith.cmpi sge, %add3A_43, %ge3A : i32
        %convert_element_type3A_98 = arith.extui %ge3A_97 : i1 to i32
        %cond3A_99 = arith.constant 0 : i32
        %cond3A_100 = arith.cmpi ne, %convert_element_type3A_98, %cond3A_99 : i32
        scf.if %cond3A_100 {
          %dma_wait3A_112 = arith.constant 1 : i32
          %dma_wait3A_113 = arith.constant 0 : i32
          %dma_wait3A_114 = arith.constant 0 : i32
          %dma_wait3A_115 = tpu.memref_slice %arg9[%dma_wait3A_112, %dma_wait3A_114] : memref<2x128xf32, #tpu.memory_space<vmem>> -> memref<1x128xf32, #tpu.memory_space<vmem>>
          %dma_wait3A_116 = tpu.memref_squeeze %dma_wait3A_115 : memref<1x128xf32, #tpu.memory_space<vmem>> -> memref<128xf32, #tpu.memory_space<vmem>>
          %dma_wait3A_117 = arith.constant 0 : i32
          %dma_wait3A_118 = tpu.memref_slice %arg8[%dma_wait3A_113, %dma_wait3A_117] : memref<80x128xi32, #tpu.memory_space<vmem>> -> memref<1x128xi32, #tpu.memory_space<vmem>>
          %dma_wait3A_119 = tpu.memref_squeeze %dma_wait3A_118 : memref<1x128xi32, #tpu.memory_space<vmem>> -> memref<128xi32, #tpu.memory_space<vmem>>
          %dma_wait3A_120 = arith.constant 0 : i32
          %dma_wait3A_121 = tpu.memref_slice %arg10[%dma_wait3A_120] : memref<10240xf32, #tpu.memory_space<vmem_shared>> -> memref<10240xf32, #tpu.memory_space<vmem_shared>>
          tpu.wait_indirect_dma semaphore(%arg13 : memref<!tpu.dma_semaphore, #tpu.memory_space<semaphore_mem>>) src(%dma_wait3A_116 : memref<128xf32, #tpu.memory_space<vmem>>) dst(%dma_wait3A_121 : memref<10240xf32, #tpu.memory_space<vmem_shared>>)
        } else {
        }
        %add3A_101 = arith.constant 1 : i32
        %add3A_102 = arith.addi %add3A_43, %add3A_101 : i32
        %dma_start3A_103 = arith.constant 1 : i32
        %dma_start3A_104 = arith.constant 0 : i32
        %dma_start3A_105 = tpu.memref_slice %arg9[%dma_start3A_103, %dma_start3A_104] : memref<2x128xf32, #tpu.memory_space<vmem>> -> memref<1x128xf32, #tpu.memory_space<vmem>>
        %dma_start3A_106 = tpu.memref_squeeze %dma_start3A_105 : memref<1x128xf32, #tpu.memory_space<vmem>> -> memref<128xf32, #tpu.memory_space<vmem>>
        %dma_start3A_107 = arith.constant 0 : i32
        %dma_start3A_108 = tpu.memref_slice %arg7[%add3A_102, %dma_start3A_107] : memref<80x128xi32, #tpu.memory_space<vmem>> -> memref<1x128xi32, #tpu.memory_space<vmem>>
        %dma_start3A_109 = tpu.memref_squeeze %dma_start3A_108 : memref<1x128xi32, #tpu.memory_space<vmem>> -> memref<128xi32, #tpu.memory_space<vmem>>
        %dma_start3A_110 = arith.constant 0 : i32
        %dma_start3A_111 = tpu.memref_slice %arg11[%dma_start3A_110] : memref<10240xf32, #tpu.memory_space<vmem_shared>> -> memref<10240xf32, #tpu.memory_space<vmem_shared>>
        tpu.enqueue_indirect_dma source(%dma_start3A_111 : memref<10240xf32, #tpu.memory_space<vmem_shared>>) target(%dma_start3A_106 : memref<128xf32, #tpu.memory_space<vmem>>) offsets(%dma_start3A_109 : memref<128xi32, #tpu.memory_space<vmem>>) semaphore(%arg12 : memref<!tpu.dma_semaphore, #tpu.memory_space<semaphore_mem>>)
      } else {
      }
      %mul3A_67 = arith.constant 2 : i32
      %mul3A_68 = arith.muli %mul3A_67, %scan3A_39 : i32
      %add3A_69 = arith.constant 1 : i32
      %add3A_70 = arith.addi %mul3A_68, %add3A_69 : i32
      %dma_wait3A_71 = arith.constant 0 : i32
      %dma_wait3A_72 = arith.constant 1 : i32
      %dma_wait3A_73 = arith.constant 0 : i32
      %dma_wait3A_74 = tpu.memref_slice %arg9[%dma_wait3A_72, %dma_wait3A_73] : memref<2x128xf32, #tpu.memory_space<vmem>> -> memref<1x128xf32, #tpu.memory_space<vmem>>
      %dma_wait3A_75 = tpu.memref_squeeze %dma_wait3A_74 : memref<1x128xf32, #tpu.memory_space<vmem>> -> memref<128xf32, #tpu.memory_space<vmem>>
      %dma_wait3A_76 = arith.constant 0 : i32
      %dma_wait3A_77 = tpu.memref_slice %arg7[%dma_wait3A_71, %dma_wait3A_76] : memref<80x128xi32, #tpu.memory_space<vmem>> -> memref<1x128xi32, #tpu.memory_space<vmem>>
      %dma_wait3A_78 = tpu.memref_squeeze %dma_wait3A_77 : memref<1x128xi32, #tpu.memory_space<vmem>> -> memref<128xi32, #tpu.memory_space<vmem>>
      %dma_wait3A_79 = arith.constant 0 : i32
      %dma_wait3A_80 = tpu.memref_slice %arg11[%dma_wait3A_79] : memref<10240xf32, #tpu.memory_space<vmem_shared>> -> memref<10240xf32, #tpu.memory_space<vmem_shared>>
      tpu.wait_indirect_dma semaphore(%arg12 : memref<!tpu.dma_semaphore, #tpu.memory_space<semaphore_mem>>) src(%dma_wait3A_80 : memref<10240xf32, #tpu.memory_space<vmem_shared>>) dst(%dma_wait3A_75 : memref<128xf32, #tpu.memory_space<vmem>>)
      %dma_start3A_81 = arith.constant 1 : i32
      %dma_start3A_82 = arith.constant 0 : i32
      %dma_start3A_83 = tpu.memref_slice %arg9[%dma_start3A_81, %dma_start3A_82] : memref<2x128xf32, #tpu.memory_space<vmem>> -> memref<1x128xf32, #tpu.memory_space<vmem>>
      %dma_start3A_84 = tpu.memref_squeeze %dma_start3A_83 : memref<1x128xf32, #tpu.memory_space<vmem>> -> memref<128xf32, #tpu.memory_space<vmem>>
      %dma_start3A_85 = arith.constant 0 : i32
      %dma_start3A_86 = tpu.memref_slice %arg8[%add3A_70, %dma_start3A_85] : memref<80x128xi32, #tpu.memory_space<vmem>> -> memref<1x128xi32, #tpu.memory_space<vmem>>
      %dma_start3A_87 = tpu.memref_squeeze %dma_start3A_86 : memref<1x128xi32, #tpu.memory_space<vmem>> -> memref<128xi32, #tpu.memory_space<vmem>>
      %dma_start3A_88 = arith.constant 0 : i32
      %dma_start3A_89 = tpu.memref_slice %arg10[%dma_start3A_88] : memref<10240xf32, #tpu.memory_space<vmem_shared>> -> memref<10240xf32, #tpu.memory_space<vmem_shared>>
      tpu.enqueue_indirect_dma source(%dma_start3A_84 : memref<128xf32, #tpu.memory_space<vmem>>) target(%dma_start3A_89 : memref<10240xf32, #tpu.memory_space<vmem_shared>>) offsets(%dma_start3A_87 : memref<128xi32, #tpu.memory_space<vmem>>) semaphore(%arg13 : memref<!tpu.dma_semaphore, #tpu.memory_space<semaphore_mem>>) {add = true}
      %add3A_90 = arith.constant 1 : i32
      %add3A_91 = arith.addi %add3A_70, %add3A_90 : i32
      %lt3A_92 = arith.constant 80 : i32
      %lt3A_93 = arith.cmpi slt, %add3A_91, %lt3A_92 : i32
      %convert_element_type3A_94 = arith.extui %lt3A_93 : i1 to i32
      %cond3A_95 = arith.constant 0 : i32
      %cond3A_96 = arith.cmpi ne, %convert_element_type3A_94, %cond3A_95 : i32
      scf.if %cond3A_96 {
        %ge3A = arith.constant 1 : i32
        %ge3A_97 = arith.cmpi sge, %add3A_70, %ge3A : i32
        %convert_element_type3A_98 = arith.extui %ge3A_97 : i1 to i32
        %cond3A_99 = arith.constant 0 : i32
        %cond3A_100 = arith.cmpi ne, %convert_element_type3A_98, %cond3A_99 : i32
        scf.if %cond3A_100 {
          %dma_wait3A_112 = arith.constant 0 : i32
          %dma_wait3A_113 = arith.constant 0 : i32
          %dma_wait3A_114 = arith.constant 0 : i32
          %dma_wait3A_115 = tpu.memref_slice %arg9[%dma_wait3A_112, %dma_wait3A_114] : memref<2x128xf32, #tpu.memory_space<vmem>> -> memref<1x128xf32, #tpu.memory_space<vmem>>
          %dma_wait3A_116 = tpu.memref_squeeze %dma_wait3A_115 : memref<1x128xf32, #tpu.memory_space<vmem>> -> memref<128xf32, #tpu.memory_space<vmem>>
          %dma_wait3A_117 = arith.constant 0 : i32
          %dma_wait3A_118 = tpu.memref_slice %arg8[%dma_wait3A_113, %dma_wait3A_117] : memref<80x128xi32, #tpu.memory_space<vmem>> -> memref<1x128xi32, #tpu.memory_space<vmem>>
          %dma_wait3A_119 = tpu.memref_squeeze %dma_wait3A_118 : memref<1x128xi32, #tpu.memory_space<vmem>> -> memref<128xi32, #tpu.memory_space<vmem>>
          %dma_wait3A_120 = arith.constant 0 : i32
          %dma_wait3A_121 = tpu.memref_slice %arg10[%dma_wait3A_120] : memref<10240xf32, #tpu.memory_space<vmem_shared>> -> memref<10240xf32, #tpu.memory_space<vmem_shared>>
          tpu.wait_indirect_dma semaphore(%arg13 : memref<!tpu.dma_semaphore, #tpu.memory_space<semaphore_mem>>) src(%dma_wait3A_116 : memref<128xf32, #tpu.memory_space<vmem>>) dst(%dma_wait3A_121 : memref<10240xf32, #tpu.memory_space<vmem_shared>>)
        } else {
        }
        %add3A_101 = arith.constant 1 : i32
        %add3A_102 = arith.addi %add3A_70, %add3A_101 : i32
        %dma_start3A_103 = arith.constant 0 : i32
        %dma_start3A_104 = arith.constant 0 : i32
        %dma_start3A_105 = tpu.memref_slice %arg9[%dma_start3A_103, %dma_start3A_104] : memref<2x128xf32, #tpu.memory_space<vmem>> -> memref<1x128xf32, #tpu.memory_space<vmem>>
        %dma_start3A_106 = tpu.memref_squeeze %dma_start3A_105 : memref<1x128xf32, #tpu.memory_space<vmem>> -> memref<128xf32, #tpu.memory_space<vmem>>
        %dma_start3A_107 = arith.constant 0 : i32
        %dma_start3A_108 = tpu.memref_slice %arg7[%add3A_102, %dma_start3A_107] : memref<80x128xi32, #tpu.memory_space<vmem>> -> memref<1x128xi32, #tpu.memory_space<vmem>>
        %dma_start3A_109 = tpu.memref_squeeze %dma_start3A_108 : memref<1x128xi32, #tpu.memory_space<vmem>> -> memref<128xi32, #tpu.memory_space<vmem>>
        %dma_start3A_110 = arith.constant 0 : i32
        %dma_start3A_111 = tpu.memref_slice %arg11[%dma_start3A_110] : memref<10240xf32, #tpu.memory_space<vmem_shared>> -> memref<10240xf32, #tpu.memory_space<vmem_shared>>
        tpu.enqueue_indirect_dma source(%dma_start3A_111 : memref<10240xf32, #tpu.memory_space<vmem_shared>>) target(%dma_start3A_106 : memref<128xf32, #tpu.memory_space<vmem>>) offsets(%dma_start3A_109 : memref<128xi32, #tpu.memory_space<vmem>>) semaphore(%arg12 : memref<!tpu.dma_semaphore, #tpu.memory_space<semaphore_mem>>)
      } else {
      }
    }
    %scan3A_18 = arith.constant 40 : i32
    %dma_wait3A = arith.constant 0 : i32
    %dma_wait3A_19 = arith.constant 0 : i32
    %dma_wait3A_20 = arith.constant 0 : i32
    %dma_wait3A_21 = tpu.memref_slice %arg9[%dma_wait3A, %dma_wait3A_20] : memref<2x128xf32, #tpu.memory_space<vmem>> -> memref<1x128xf32, #tpu.memory_space<vmem>>
    %dma_wait3A_22 = tpu.memref_squeeze %dma_wait3A_21 : memref<1x128xf32, #tpu.memory_space<vmem>> -> memref<128xf32, #tpu.memory_space<vmem>>
    %dma_wait3A_23 = arith.constant 0 : i32
    %dma_wait3A_24 = tpu.memref_slice %arg8[%dma_wait3A_19, %dma_wait3A_23] : memref<80x128xi32, #tpu.memory_space<vmem>> -> memref<1x128xi32, #tpu.memory_space<vmem>>
    %dma_wait3A_25 = tpu.memref_squeeze %dma_wait3A_24 : memref<1x128xi32, #tpu.memory_space<vmem>> -> memref<128xi32, #tpu.memory_space<vmem>>
    %dma_wait3A_26 = arith.constant 0 : i32
    %dma_wait3A_27 = tpu.memref_slice %arg10[%dma_wait3A_26] : memref<10240xf32, #tpu.memory_space<vmem_shared>> -> memref<10240xf32, #tpu.memory_space<vmem_shared>>
    tpu.wait_indirect_dma semaphore(%arg13 : memref<!tpu.dma_semaphore, #tpu.memory_space<semaphore_mem>>) src(%dma_wait3A_22 : memref<128xf32, #tpu.memory_space<vmem>>) dst(%dma_wait3A_27 : memref<10240xf32, #tpu.memory_space<vmem_shared>>)
    %dma_wait3A_28 = arith.constant 1 : i32
    %dma_wait3A_29 = arith.constant 0 : i32
    %dma_wait3A_30 = arith.constant 0 : i32
    %dma_wait3A_31 = tpu.memref_slice %arg9[%dma_wait3A_28, %dma_wait3A_30] : memref<2x128xf32, #tpu.memory_space<vmem>> -> memref<1x128xf32, #tpu.memory_space<vmem>>
    %dma_wait3A_32 = tpu.memref_squeeze %dma_wait3A_31 : memref<1x128xf32, #tpu.memory_space<vmem>> -> memref<128xf32, #tpu.memory_space<vmem>>
    %dma_wait3A_33 = arith.constant 0 : i32
    %dma_wait3A_34 = tpu.memref_slice %arg8[%dma_wait3A_29, %dma_wait3A_33] : memref<80x128xi32, #tpu.memory_space<vmem>> -> memref<1x128xi32, #tpu.memory_space<vmem>>
    %dma_wait3A_35 = tpu.memref_squeeze %dma_wait3A_34 : memref<1x128xi32, #tpu.memory_space<vmem>> -> memref<128xi32, #tpu.memory_space<vmem>>
    %dma_wait3A_36 = arith.constant 0 : i32
    %dma_wait3A_37 = tpu.memref_slice %arg10[%dma_wait3A_36] : memref<10240xf32, #tpu.memory_space<vmem_shared>> -> memref<10240xf32, #tpu.memory_space<vmem_shared>>
    tpu.wait_indirect_dma semaphore(%arg13 : memref<!tpu.dma_semaphore, #tpu.memory_space<semaphore_mem>>) src(%dma_wait3A_32 : memref<128xf32, #tpu.memory_space<vmem>>) dst(%dma_wait3A_37 : memref<10240xf32, #tpu.memory_space<vmem_shared>>)
    %barrier3A_38 = arith.constant 0 : index
    tpu.barrier barrier_id(%barrier3A_38)
    "tpu.region"() ({
      %run_scoped3A = tpu.sem_alloc : memref<!tpu.dma_semaphore, #tpu.memory_space<semaphore_mem>>
      %dma_start3A_39 = arith.constant 0 : i32
      %dma_start3A_40 = tpu.memref_slice %arg6[%arg0, %dma_start3A_39] : memref<2x10240xf32, #tpu.memory_space<hbm>> -> memref<1x10240xf32, #tpu.memory_space<hbm>>
      %dma_start3A_41 = tpu.memref_squeeze %dma_start3A_40 : memref<1x10240xf32, #tpu.memory_space<hbm>> -> memref<10240xf32, #tpu.memory_space<hbm>>
      %dma_start3A_42 = tpu.memref_slice %dma_start3A_41[%mul3A_4] : memref<10240xf32, #tpu.memory_space<hbm>> -> memref<640xf32, #tpu.memory_space<hbm>>
      %dma_start3A_43 = tpu.memref_slice %arg10[%mul3A_4] : memref<10240xf32, #tpu.memory_space<vmem_shared>> -> memref<640xf32, #tpu.memory_space<vmem_shared>>
      tpu.enqueue_dma source(%dma_start3A_43 : memref<640xf32, #tpu.memory_space<vmem_shared>>) target(%dma_start3A_42 : memref<640xf32, #tpu.memory_space<hbm>>) target_semaphore(%run_scoped3A : memref<!tpu.dma_semaphore, #tpu.memory_space<semaphore_mem>>)
      %dma_wait3A_44 = arith.constant 0 : i32
      %dma_wait3A_45 = tpu.memref_slice %arg6[%arg0, %dma_wait3A_44] : memref<2x10240xf32, #tpu.memory_space<hbm>> -> memref<1x10240xf32, #tpu.memory_space<hbm>>
      %dma_wait3A_46 = tpu.memref_squeeze %dma_wait3A_45 : memref<1x10240xf32, #tpu.memory_space<hbm>> -> memref<10240xf32, #tpu.memory_space<hbm>>
      %dma_wait3A_47 = tpu.memref_slice %dma_wait3A_46[%mul3A_4] : memref<10240xf32, #tpu.memory_space<hbm>> -> memref<640xf32, #tpu.memory_space<hbm>>
      %dma_wait3A_48 = tpu.memref_slice %arg10[%mul3A_4] : memref<10240xf32, #tpu.memory_space<vmem_shared>> -> memref<640xf32, #tpu.memory_space<vmem_shared>>
      tpu.wait_dma2 semaphore(%run_scoped3A : memref<!tpu.dma_semaphore, #tpu.memory_space<semaphore_mem>>) src(%dma_wait3A_48 : memref<640xf32, #tpu.memory_space<vmem_shared>>) dst(%dma_wait3A_47 : memref<640xf32, #tpu.memory_space<hbm>>)
      tpu.yield
    }) : () -> ()
    return
  }
}

#map = affine_map<(d0, d1) -> (0)>
#map1 = affine_map<(d0, d1) -> (0, 0)>
module attributes {stable_mosaic.version = 14 : i64} {
  func.func @_scalar_agg_body(%arg0: i32, %arg1: i32, %arg2: memref<10240xf32, #tpu.memory_space<hbm>>, %arg3: memref<2560x128xi32, #tpu.memory_space<hbm>>, %arg4: memref<2560x128xi32, #tpu.memory_space<hbm>>, %arg5: memref<10240xf32, #tpu.memory_space<hbm>>, %arg6: memref<2x10240xf32, #tpu.memory_space<hbm>>, %arg7: memref<80x128xi32, #tpu.memory_space<vmem>>, %arg8: memref<80x128xi32, #tpu.memory_space<vmem>>, %arg9: memref<2x128xf32, #tpu.memory_space<vmem>>, %arg10: memref<10240xf32, #tpu.memory_space<vmem_shared>>, %arg11: memref<10240xf32, #tpu.memory_space<vmem_shared>>, %arg12: memref<!tpu.dma_semaphore, #tpu.memory_space<semaphore_mem>>, %arg13: memref<!tpu.dma_semaphore, #tpu.memory_space<semaphore_mem>>) attributes {dimension_semantics = [#tpu.dimension_semantics<core_parallel>, #tpu.dimension_semantics<subcore_parallel>], iteration_bounds = array<i64: 2, 16>, scalar_prefetch = 0 : i64, scratch_operands = 7 : i64, tpu.core_type = #tpu.core_type<sc_vector_subcore>, window_params = [{transform_indices = #map}, {transform_indices = #map1}, {transform_indices = #map1}, {transform_indices = #map}, {transform_indices = #map1}]} {
    %mul3A = arith.constant 2 : i32
    %mul3A_0 = arith.muli %arg1, %mul3A : i32
    %add3A = arith.addi %mul3A_0, %arg0 : i32
    %mul3A_1 = arith.constant 80 : i32
    %mul3A_2 = arith.muli %add3A, %mul3A_1 : i32
    %mul3A_3 = arith.constant 640 : i32
    %mul3A_4 = arith.muli %arg1, %mul3A_3 : i32
    "tpu.region"() ({
      %run_scoped3A = tpu.sem_alloc : memref<!tpu.dma_semaphore, #tpu.memory_space<semaphore_mem>>
      %dma_start3A = tpu.memref_slice %arg10[%mul3A_4] : memref<10240xf32, #tpu.memory_space<vmem_shared>> -> memref<640xf32, #tpu.memory_space<vmem_shared>>
      %dma_start3A_152 = tpu.memref_slice %arg5[%mul3A_4] : memref<10240xf32, #tpu.memory_space<hbm>> -> memref<640xf32, #tpu.memory_space<hbm>>
      tpu.enqueue_dma source(%dma_start3A_152 : memref<640xf32, #tpu.memory_space<hbm>>) target(%dma_start3A : memref<640xf32, #tpu.memory_space<vmem_shared>>) target_semaphore(%run_scoped3A : memref<!tpu.dma_semaphore, #tpu.memory_space<semaphore_mem>>)
      %dma_wait3A_153 = tpu.memref_slice %arg10[%mul3A_4] : memref<10240xf32, #tpu.memory_space<vmem_shared>> -> memref<640xf32, #tpu.memory_space<vmem_shared>>
      %dma_wait3A_154 = tpu.memref_slice %arg5[%mul3A_4] : memref<10240xf32, #tpu.memory_space<hbm>> -> memref<640xf32, #tpu.memory_space<hbm>>
      tpu.wait_dma2 semaphore(%run_scoped3A : memref<!tpu.dma_semaphore, #tpu.memory_space<semaphore_mem>>) src(%dma_wait3A_154 : memref<640xf32, #tpu.memory_space<hbm>>) dst(%dma_wait3A_153 : memref<640xf32, #tpu.memory_space<vmem_shared>>)
      tpu.yield
    }) : () -> ()
    "tpu.region"() ({
      %run_scoped3A = tpu.sem_alloc : memref<!tpu.dma_semaphore, #tpu.memory_space<semaphore_mem>>
      %dma_start3A = arith.constant 0 : i32
      %dma_start3A_152 = tpu.memref_slice %arg4[%mul3A_2, %dma_start3A] : memref<2560x128xi32, #tpu.memory_space<hbm>> -> memref<80x128xi32, #tpu.memory_space<hbm>>
      %dma_start3A_153 = arith.constant 0 : i32
      %dma_start3A_154 = tpu.memref_slice %arg4[%mul3A_2, %dma_start3A_153] : memref<2560x128xi32, #tpu.memory_space<hbm>> -> memref<80x128xi32, #tpu.memory_space<hbm>>
      tpu.enqueue_dma source(%dma_start3A_154 : memref<80x128xi32, #tpu.memory_space<hbm>>) target(%arg8 : memref<80x128xi32, #tpu.memory_space<vmem>>) target_semaphore(%run_scoped3A : memref<!tpu.dma_semaphore, #tpu.memory_space<semaphore_mem>>)
      %dma_wait3A_155 = arith.constant 0 : i32
      %dma_wait3A_156 = tpu.memref_slice %arg4[%mul3A_2, %dma_wait3A_155] : memref<2560x128xi32, #tpu.memory_space<hbm>> -> memref<80x128xi32, #tpu.memory_space<hbm>>
      %dma_wait3A_157 = arith.constant 0 : i32
      %dma_wait3A_158 = tpu.memref_slice %arg4[%mul3A_2, %dma_wait3A_157] : memref<2560x128xi32, #tpu.memory_space<hbm>> -> memref<80x128xi32, #tpu.memory_space<hbm>>
      tpu.wait_dma2 semaphore(%run_scoped3A : memref<!tpu.dma_semaphore, #tpu.memory_space<semaphore_mem>>) src(%dma_wait3A_158 : memref<80x128xi32, #tpu.memory_space<hbm>>) dst(%arg8 : memref<80x128xi32, #tpu.memory_space<vmem>>)
      tpu.yield
    }) : () -> ()
    %broadcast_in_dim3A = arith.constant 1.000000e+00 : f32
    %broadcast_in_dim3A_5 = vector.broadcast %broadcast_in_dim3A : f32 to vector<16xf32>
    %swap3A = arith.constant 0 : i32
    %swap3A_6 = arith.index_cast %swap3A : i32 to index
    %swap3A_7 = arith.constant 0 : index
    %swap3A_8 = tpu.vector_load %arg9[%swap3A_6, %swap3A_7] {strides = array<i32>} : memref<2x128xf32, #tpu.memory_space<vmem>>, vector<1x16xf32>,
    %swap3A_9 = vector.shape_cast %swap3A_8 : vector<1x16xf32> to vector<16xf32>
    %swap3A_10 = vector.shape_cast %broadcast_in_dim3A_5 : vector<16xf32> to vector<1x16xf32>
    tpu.vector_store %arg9[%swap3A_6, %swap3A_7], %swap3A_10 {strides = array<i32>} : memref<2x128xf32, #tpu.memory_space<vmem>>, vector<1x16xf32>,
    %broadcast_in_dim3A_11 = arith.constant 1.000000e+00 : f32
    %broadcast_in_dim3A_12 = vector.broadcast %broadcast_in_dim3A_11 : f32 to vector<16xf32>
    %swap3A_13 = arith.constant 0 : i32
    %swap3A_14 = arith.index_cast %swap3A_13 : i32 to index
    %swap3A_15 = arith.constant 16 : index
    %swap3A_16 = tpu.vector_load %arg9[%swap3A_14, %swap3A_15] {strides = array<i32>} : memref<2x128xf32, #tpu.memory_space<vmem>>, vector<1x16xf32>,
    %swap3A_17 = vector.shape_cast %swap3A_16 : vector<1x16xf32> to vector<16xf32>
    %swap3A_18 = vector.shape_cast %broadcast_in_dim3A_12 : vector<16xf32> to vector<1x16xf32>
    tpu.vector_store %arg9[%swap3A_14, %swap3A_15], %swap3A_18 {strides = array<i32>} : memref<2x128xf32, #tpu.memory_space<vmem>>, vector<1x16xf32>,
    %broadcast_in_dim3A_19 = arith.constant 1.000000e+00 : f32
    %broadcast_in_dim3A_20 = vector.broadcast %broadcast_in_dim3A_19 : f32 to vector<16xf32>
    %swap3A_21 = arith.constant 0 : i32
    %swap3A_22 = arith.index_cast %swap3A_21 : i32 to index
    %swap3A_23 = arith.constant 32 : index
    %swap3A_24 = tpu.vector_load %arg9[%swap3A_22, %swap3A_23] {strides = array<i32>} : memref<2x128xf32, #tpu.memory_space<vmem>>, vector<1x16xf32>,
    %swap3A_25 = vector.shape_cast %swap3A_24 : vector<1x16xf32> to vector<16xf32>
    %swap3A_26 = vector.shape_cast %broadcast_in_dim3A_20 : vector<16xf32> to vector<1x16xf32>
    tpu.vector_store %arg9[%swap3A_22, %swap3A_23], %swap3A_26 {strides = array<i32>} : memref<2x128xf32, #tpu.memory_space<vmem>>, vector<1x16xf32>,
    %broadcast_in_dim3A_27 = arith.constant 1.000000e+00 : f32
    %broadcast_in_dim3A_28 = vector.broadcast %broadcast_in_dim3A_27 : f32 to vector<16xf32>
    %swap3A_29 = arith.constant 0 : i32
    %swap3A_30 = arith.index_cast %swap3A_29 : i32 to index
    %swap3A_31 = arith.constant 48 : index
    %swap3A_32 = tpu.vector_load %arg9[%swap3A_30, %swap3A_31] {strides = array<i32>} : memref<2x128xf32, #tpu.memory_space<vmem>>, vector<1x16xf32>,
    %swap3A_33 = vector.shape_cast %swap3A_32 : vector<1x16xf32> to vector<16xf32>
    %swap3A_34 = vector.shape_cast %broadcast_in_dim3A_28 : vector<16xf32> to vector<1x16xf32>
    tpu.vector_store %arg9[%swap3A_30, %swap3A_31], %swap3A_34 {strides = array<i32>} : memref<2x128xf32, #tpu.memory_space<vmem>>, vector<1x16xf32>,
    %broadcast_in_dim3A_35 = arith.constant 1.000000e+00 : f32
    %broadcast_in_dim3A_36 = vector.broadcast %broadcast_in_dim3A_35 : f32 to vector<16xf32>
    %swap3A_37 = arith.constant 0 : i32
    %swap3A_38 = arith.index_cast %swap3A_37 : i32 to index
    %swap3A_39 = arith.constant 64 : index
    %swap3A_40 = tpu.vector_load %arg9[%swap3A_38, %swap3A_39] {strides = array<i32>} : memref<2x128xf32, #tpu.memory_space<vmem>>, vector<1x16xf32>,
    %swap3A_41 = vector.shape_cast %swap3A_40 : vector<1x16xf32> to vector<16xf32>
    %swap3A_42 = vector.shape_cast %broadcast_in_dim3A_36 : vector<16xf32> to vector<1x16xf32>
    tpu.vector_store %arg9[%swap3A_38, %swap3A_39], %swap3A_42 {strides = array<i32>} : memref<2x128xf32, #tpu.memory_space<vmem>>, vector<1x16xf32>,
    %broadcast_in_dim3A_43 = arith.constant 1.000000e+00 : f32
    %broadcast_in_dim3A_44 = vector.broadcast %broadcast_in_dim3A_43 : f32 to vector<16xf32>
    %swap3A_45 = arith.constant 0 : i32
    %swap3A_46 = arith.index_cast %swap3A_45 : i32 to index
    %swap3A_47 = arith.constant 80 : index
    %swap3A_48 = tpu.vector_load %arg9[%swap3A_46, %swap3A_47] {strides = array<i32>} : memref<2x128xf32, #tpu.memory_space<vmem>>, vector<1x16xf32>,
    %swap3A_49 = vector.shape_cast %swap3A_48 : vector<1x16xf32> to vector<16xf32>
    %swap3A_50 = vector.shape_cast %broadcast_in_dim3A_44 : vector<16xf32> to vector<1x16xf32>
    tpu.vector_store %arg9[%swap3A_46, %swap3A_47], %swap3A_50 {strides = array<i32>} : memref<2x128xf32, #tpu.memory_space<vmem>>, vector<1x16xf32>,
    %broadcast_in_dim3A_51 = arith.constant 1.000000e+00 : f32
    %broadcast_in_dim3A_52 = vector.broadcast %broadcast_in_dim3A_51 : f32 to vector<16xf32>
    %swap3A_53 = arith.constant 0 : i32
    %swap3A_54 = arith.index_cast %swap3A_53 : i32 to index
    %swap3A_55 = arith.constant 96 : index
    %swap3A_56 = tpu.vector_load %arg9[%swap3A_54, %swap3A_55] {strides = array<i32>} : memref<2x128xf32, #tpu.memory_space<vmem>>, vector<1x16xf32>,
    %swap3A_57 = vector.shape_cast %swap3A_56 : vector<1x16xf32> to vector<16xf32>
    %swap3A_58 = vector.shape_cast %broadcast_in_dim3A_52 : vector<16xf32> to vector<1x16xf32>
    tpu.vector_store %arg9[%swap3A_54, %swap3A_55], %swap3A_58 {strides = array<i32>} : memref<2x128xf32, #tpu.memory_space<vmem>>, vector<1x16xf32>,
    %broadcast_in_dim3A_59 = arith.constant 1.000000e+00 : f32
    %broadcast_in_dim3A_60 = vector.broadcast %broadcast_in_dim3A_59 : f32 to vector<16xf32>
    %swap3A_61 = arith.constant 0 : i32
    %swap3A_62 = arith.index_cast %swap3A_61 : i32 to index
    %swap3A_63 = arith.constant 112 : index
    %swap3A_64 = tpu.vector_load %arg9[%swap3A_62, %swap3A_63] {strides = array<i32>} : memref<2x128xf32, #tpu.memory_space<vmem>>, vector<1x16xf32>,
    %swap3A_65 = vector.shape_cast %swap3A_64 : vector<1x16xf32> to vector<16xf32>
    %swap3A_66 = vector.shape_cast %broadcast_in_dim3A_60 : vector<16xf32> to vector<1x16xf32>
    tpu.vector_store %arg9[%swap3A_62, %swap3A_63], %swap3A_66 {strides = array<i32>} : memref<2x128xf32, #tpu.memory_space<vmem>>, vector<1x16xf32>,
    %barrier3A = arith.constant 0 : index
    tpu.barrier barrier_id(%barrier3A)
    %scan3A = arith.constant 0 : i32
    %scan3A_67 = arith.constant 0 : i32
    %scan3A_68 = arith.constant 80 : i32
    %scan3A_69 = arith.addi %scan3A_67, %scan3A_68 : i32
    %scan3A_70 = arith.constant 1 : i32
    scf.for %scan3A_152 = %scan3A_67 to %scan3A_69 step %scan3A_70  : i32 {
      %ge3A = arith.constant 8 : i32
      %ge3A_153 = arith.cmpi sge, %scan3A_152, %ge3A : i32
      %convert_element_type3A = arith.extui %ge3A_153 : i1 to i32
      %cond3A = arith.constant 0 : i32
      %cond3A_154 = arith.cmpi ne, %convert_element_type3A, %cond3A : i32
      scf.if %cond3A_154 {
        %dma_wait3A_163 = arith.constant 0 : i32
        %dma_wait3A_164 = arith.constant 0 : i32
        %dma_wait3A_165 = arith.constant 0 : i32
        %dma_wait3A_166 = tpu.memref_slice %arg9[%dma_wait3A_163, %dma_wait3A_165] : memref<2x128xf32, #tpu.memory_space<vmem>> -> memref<1x128xf32, #tpu.memory_space<vmem>>
        %dma_wait3A_167 = tpu.memref_squeeze %dma_wait3A_166 : memref<1x128xf32, #tpu.memory_space<vmem>> -> memref<128xf32, #tpu.memory_space<vmem>>
        %dma_wait3A_168 = arith.constant 0 : i32
        %dma_wait3A_169 = tpu.memref_slice %arg8[%dma_wait3A_164, %dma_wait3A_168] : memref<80x128xi32, #tpu.memory_space<vmem>> -> memref<1x128xi32, #tpu.memory_space<vmem>>
        %dma_wait3A_170 = tpu.memref_squeeze %dma_wait3A_169 : memref<1x128xi32, #tpu.memory_space<vmem>> -> memref<128xi32, #tpu.memory_space<vmem>>
        %dma_wait3A_171 = arith.constant 0 : i32
        %dma_wait3A_172 = tpu.memref_slice %arg10[%dma_wait3A_171] : memref<10240xf32, #tpu.memory_space<vmem_shared>> -> memref<10240xf32, #tpu.memory_space<vmem_shared>>
        tpu.wait_indirect_dma semaphore(%arg13 : memref<!tpu.dma_semaphore, #tpu.memory_space<semaphore_mem>>) src(%dma_wait3A_167 : memref<128xf32, #tpu.memory_space<vmem>>) dst(%dma_wait3A_172 : memref<10240xf32, #tpu.memory_space<vmem_shared>>)
      } else {
      }
      %dma_start3A = arith.constant 0 : i32
      %dma_start3A_155 = arith.constant 0 : i32
      %dma_start3A_156 = tpu.memref_slice %arg9[%dma_start3A, %dma_start3A_155] : memref<2x128xf32, #tpu.memory_space<vmem>> -> memref<1x128xf32, #tpu.memory_space<vmem>>
      %dma_start3A_157 = tpu.memref_squeeze %dma_start3A_156 : memref<1x128xf32, #tpu.memory_space<vmem>> -> memref<128xf32, #tpu.memory_space<vmem>>
      %dma_start3A_158 = arith.constant 0 : i32
      %dma_start3A_159 = tpu.memref_slice %arg8[%scan3A_152, %dma_start3A_158] : memref<80x128xi32, #tpu.memory_space<vmem>> -> memref<1x128xi32, #tpu.memory_space<vmem>>
      %dma_start3A_160 = tpu.memref_squeeze %dma_start3A_159 : memref<1x128xi32, #tpu.memory_space<vmem>> -> memref<128xi32, #tpu.memory_space<vmem>>
      %dma_start3A_161 = arith.constant 0 : i32
      %dma_start3A_162 = tpu.memref_slice %arg10[%dma_start3A_161] : memref<10240xf32, #tpu.memory_space<vmem_shared>> -> memref<10240xf32, #tpu.memory_space<vmem_shared>>
      tpu.enqueue_indirect_dma source(%dma_start3A_157 : memref<128xf32, #tpu.memory_space<vmem>>) target(%dma_start3A_162 : memref<10240xf32, #tpu.memory_space<vmem_shared>>) offsets(%dma_start3A_160 : memref<128xi32, #tpu.memory_space<vmem>>) semaphore(%arg13 : memref<!tpu.dma_semaphore, #tpu.memory_space<semaphore_mem>>) {add = true}
    }
    %scan3A_71 = arith.constant 80 : i32
    %dma_wait3A = arith.constant 0 : i32
    %dma_wait3A_72 = arith.constant 0 : i32
    %dma_wait3A_73 = arith.constant 0 : i32
    %dma_wait3A_74 = tpu.memref_slice %arg9[%dma_wait3A, %dma_wait3A_73] : memref<2x128xf32, #tpu.memory_space<vmem>> -> memref<1x128xf32, #tpu.memory_space<vmem>>
    %dma_wait3A_75 = tpu.memref_squeeze %dma_wait3A_74 : memref<1x128xf32, #tpu.memory_space<vmem>> -> memref<128xf32, #tpu.memory_space<vmem>>
    %dma_wait3A_76 = arith.constant 0 : i32
    %dma_wait3A_77 = tpu.memref_slice %arg8[%dma_wait3A_72, %dma_wait3A_76] : memref<80x128xi32, #tpu.memory_space<vmem>> -> memref<1x128xi32, #tpu.memory_space<vmem>>
    %dma_wait3A_78 = tpu.memref_squeeze %dma_wait3A_77 : memref<1x128xi32, #tpu.memory_space<vmem>> -> memref<128xi32, #tpu.memory_space<vmem>>
    %dma_wait3A_79 = arith.constant 0 : i32
    %dma_wait3A_80 = tpu.memref_slice %arg10[%dma_wait3A_79] : memref<10240xf32, #tpu.memory_space<vmem_shared>> -> memref<10240xf32, #tpu.memory_space<vmem_shared>>
    tpu.wait_indirect_dma semaphore(%arg13 : memref<!tpu.dma_semaphore, #tpu.memory_space<semaphore_mem>>) src(%dma_wait3A_75 : memref<128xf32, #tpu.memory_space<vmem>>) dst(%dma_wait3A_80 : memref<10240xf32, #tpu.memory_space<vmem_shared>>)
    %dma_wait3A_81 = arith.constant 0 : i32
    %dma_wait3A_82 = arith.constant 0 : i32
    %dma_wait3A_83 = arith.constant 0 : i32
    %dma_wait3A_84 = tpu.memref_slice %arg9[%dma_wait3A_81, %dma_wait3A_83] : memref<2x128xf32, #tpu.memory_space<vmem>> -> memref<1x128xf32, #tpu.memory_space<vmem>>
    %dma_wait3A_85 = tpu.memref_squeeze %dma_wait3A_84 : memref<1x128xf32, #tpu.memory_space<vmem>> -> memref<128xf32, #tpu.memory_space<vmem>>
    %dma_wait3A_86 = arith.constant 0 : i32
    %dma_wait3A_87 = tpu.memref_slice %arg8[%dma_wait3A_82, %dma_wait3A_86] : memref<80x128xi32, #tpu.memory_space<vmem>> -> memref<1x128xi32, #tpu.memory_space<vmem>>
    %dma_wait3A_88 = tpu.memref_squeeze %dma_wait3A_87 : memref<1x128xi32, #tpu.memory_space<vmem>> -> memref<128xi32, #tpu.memory_space<vmem>>
    %dma_wait3A_89 = arith.constant 0 : i32
    %dma_wait3A_90 = tpu.memref_slice %arg10[%dma_wait3A_89] : memref<10240xf32, #tpu.memory_space<vmem_shared>> -> memref<10240xf32, #tpu.memory_space<vmem_shared>>
    tpu.wait_indirect_dma semaphore(%arg13 : memref<!tpu.dma_semaphore, #tpu.memory_space<semaphore_mem>>) src(%dma_wait3A_85 : memref<128xf32, #tpu.memory_space<vmem>>) dst(%dma_wait3A_90 : memref<10240xf32, #tpu.memory_space<vmem_shared>>)
    %dma_wait3A_91 = arith.constant 0 : i32
    %dma_wait3A_92 = arith.constant 0 : i32
    %dma_wait3A_93 = arith.constant 0 : i32
    %dma_wait3A_94 = tpu.memref_slice %arg9[%dma_wait3A_91, %dma_wait3A_93] : memref<2x128xf32, #tpu.memory_space<vmem>> -> memref<1x128xf32, #tpu.memory_space<vmem>>
    %dma_wait3A_95 = tpu.memref_squeeze %dma_wait3A_94 : memref<1x128xf32, #tpu.memory_space<vmem>> -> memref<128xf32, #tpu.memory_space<vmem>>
    %dma_wait3A_96 = arith.constant 0 : i32
    %dma_wait3A_97 = tpu.memref_slice %arg8[%dma_wait3A_92, %dma_wait3A_96] : memref<80x128xi32, #tpu.memory_space<vmem>> -> memref<1x128xi32, #tpu.memory_space<vmem>>
    %dma_wait3A_98 = tpu.memref_squeeze %dma_wait3A_97 : memref<1x128xi32, #tpu.memory_space<vmem>> -> memref<128xi32, #tpu.memory_space<vmem>>
    %dma_wait3A_99 = arith.constant 0 : i32
    %dma_wait3A_100 = tpu.memref_slice %arg10[%dma_wait3A_99] : memref<10240xf32, #tpu.memory_space<vmem_shared>> -> memref<10240xf32, #tpu.memory_space<vmem_shared>>
    tpu.wait_indirect_dma semaphore(%arg13 : memref<!tpu.dma_semaphore, #tpu.memory_space<semaphore_mem>>) src(%dma_wait3A_95 : memref<128xf32, #tpu.memory_space<vmem>>) dst(%dma_wait3A_100 : memref<10240xf32, #tpu.memory_space<vmem_shared>>)
    %dma_wait3A_101 = arith.constant 0 : i32
    %dma_wait3A_102 = arith.constant 0 : i32
    %dma_wait3A_103 = arith.constant 0 : i32
    %dma_wait3A_104 = tpu.memref_slice %arg9[%dma_wait3A_101, %dma_wait3A_103] : memref<2x128xf32, #tpu.memory_space<vmem>> -> memref<1x128xf32, #tpu.memory_space<vmem>>
    %dma_wait3A_105 = tpu.memref_squeeze %dma_wait3A_104 : memref<1x128xf32, #tpu.memory_space<vmem>> -> memref<128xf32, #tpu.memory_space<vmem>>
    %dma_wait3A_106 = arith.constant 0 : i32
    %dma_wait3A_107 = tpu.memref_slice %arg8[%dma_wait3A_102, %dma_wait3A_106] : memref<80x128xi32, #tpu.memory_space<vmem>> -> memref<1x128xi32, #tpu.memory_space<vmem>>
    %dma_wait3A_108 = tpu.memref_squeeze %dma_wait3A_107 : memref<1x128xi32, #tpu.memory_space<vmem>> -> memref<128xi32, #tpu.memory_space<vmem>>
    %dma_wait3A_109 = arith.constant 0 : i32
    %dma_wait3A_110 = tpu.memref_slice %arg10[%dma_wait3A_109] : memref<10240xf32, #tpu.memory_space<vmem_shared>> -> memref<10240xf32, #tpu.memory_space<vmem_shared>>
    tpu.wait_indirect_dma semaphore(%arg13 : memref<!tpu.dma_semaphore, #tpu.memory_space<semaphore_mem>>) src(%dma_wait3A_105 : memref<128xf32, #tpu.memory_space<vmem>>) dst(%dma_wait3A_110 : memref<10240xf32, #tpu.memory_space<vmem_shared>>)
    %dma_wait3A_111 = arith.constant 0 : i32
    %dma_wait3A_112 = arith.constant 0 : i32
    %dma_wait3A_113 = arith.constant 0 : i32
    %dma_wait3A_114 = tpu.memref_slice %arg9[%dma_wait3A_111, %dma_wait3A_113] : memref<2x128xf32, #tpu.memory_space<vmem>> -> memref<1x128xf32, #tpu.memory_space<vmem>>
    %dma_wait3A_115 = tpu.memref_squeeze %dma_wait3A_114 : memref<1x128xf32, #tpu.memory_space<vmem>> -> memref<128xf32, #tpu.memory_space<vmem>>
    %dma_wait3A_116 = arith.constant 0 : i32
    %dma_wait3A_117 = tpu.memref_slice %arg8[%dma_wait3A_112, %dma_wait3A_116] : memref<80x128xi32, #tpu.memory_space<vmem>> -> memref<1x128xi32, #tpu.memory_space<vmem>>
    %dma_wait3A_118 = tpu.memref_squeeze %dma_wait3A_117 : memref<1x128xi32, #tpu.memory_space<vmem>> -> memref<128xi32, #tpu.memory_space<vmem>>
    %dma_wait3A_119 = arith.constant 0 : i32
    %dma_wait3A_120 = tpu.memref_slice %arg10[%dma_wait3A_119] : memref<10240xf32, #tpu.memory_space<vmem_shared>> -> memref<10240xf32, #tpu.memory_space<vmem_shared>>
    tpu.wait_indirect_dma semaphore(%arg13 : memref<!tpu.dma_semaphore, #tpu.memory_space<semaphore_mem>>) src(%dma_wait3A_115 : memref<128xf32, #tpu.memory_space<vmem>>) dst(%dma_wait3A_120 : memref<10240xf32, #tpu.memory_space<vmem_shared>>)
    %dma_wait3A_121 = arith.constant 0 : i32
    %dma_wait3A_122 = arith.constant 0 : i32
    %dma_wait3A_123 = arith.constant 0 : i32
    %dma_wait3A_124 = tpu.memref_slice %arg9[%dma_wait3A_121, %dma_wait3A_123] : memref<2x128xf32, #tpu.memory_space<vmem>> -> memref<1x128xf32, #tpu.memory_space<vmem>>
    %dma_wait3A_125 = tpu.memref_squeeze %dma_wait3A_124 : memref<1x128xf32, #tpu.memory_space<vmem>> -> memref<128xf32, #tpu.memory_space<vmem>>
    %dma_wait3A_126 = arith.constant 0 : i32
    %dma_wait3A_127 = tpu.memref_slice %arg8[%dma_wait3A_122, %dma_wait3A_126] : memref<80x128xi32, #tpu.memory_space<vmem>> -> memref<1x128xi32, #tpu.memory_space<vmem>>
    %dma_wait3A_128 = tpu.memref_squeeze %dma_wait3A_127 : memref<1x128xi32, #tpu.memory_space<vmem>> -> memref<128xi32, #tpu.memory_space<vmem>>
    %dma_wait3A_129 = arith.constant 0 : i32
    %dma_wait3A_130 = tpu.memref_slice %arg10[%dma_wait3A_129] : memref<10240xf32, #tpu.memory_space<vmem_shared>> -> memref<10240xf32, #tpu.memory_space<vmem_shared>>
    tpu.wait_indirect_dma semaphore(%arg13 : memref<!tpu.dma_semaphore, #tpu.memory_space<semaphore_mem>>) src(%dma_wait3A_125 : memref<128xf32, #tpu.memory_space<vmem>>) dst(%dma_wait3A_130 : memref<10240xf32, #tpu.memory_space<vmem_shared>>)
    %dma_wait3A_131 = arith.constant 0 : i32
    %dma_wait3A_132 = arith.constant 0 : i32
    %dma_wait3A_133 = arith.constant 0 : i32
    %dma_wait3A_134 = tpu.memref_slice %arg9[%dma_wait3A_131, %dma_wait3A_133] : memref<2x128xf32, #tpu.memory_space<vmem>> -> memref<1x128xf32, #tpu.memory_space<vmem>>
    %dma_wait3A_135 = tpu.memref_squeeze %dma_wait3A_134 : memref<1x128xf32, #tpu.memory_space<vmem>> -> memref<128xf32, #tpu.memory_space<vmem>>
    %dma_wait3A_136 = arith.constant 0 : i32
    %dma_wait3A_137 = tpu.memref_slice %arg8[%dma_wait3A_132, %dma_wait3A_136] : memref<80x128xi32, #tpu.memory_space<vmem>> -> memref<1x128xi32, #tpu.memory_space<vmem>>
    %dma_wait3A_138 = tpu.memref_squeeze %dma_wait3A_137 : memref<1x128xi32, #tpu.memory_space<vmem>> -> memref<128xi32, #tpu.memory_space<vmem>>
    %dma_wait3A_139 = arith.constant 0 : i32
    %dma_wait3A_140 = tpu.memref_slice %arg10[%dma_wait3A_139] : memref<10240xf32, #tpu.memory_space<vmem_shared>> -> memref<10240xf32, #tpu.memory_space<vmem_shared>>
    tpu.wait_indirect_dma semaphore(%arg13 : memref<!tpu.dma_semaphore, #tpu.memory_space<semaphore_mem>>) src(%dma_wait3A_135 : memref<128xf32, #tpu.memory_space<vmem>>) dst(%dma_wait3A_140 : memref<10240xf32, #tpu.memory_space<vmem_shared>>)
    %dma_wait3A_141 = arith.constant 0 : i32
    %dma_wait3A_142 = arith.constant 0 : i32
    %dma_wait3A_143 = arith.constant 0 : i32
    %dma_wait3A_144 = tpu.memref_slice %arg9[%dma_wait3A_141, %dma_wait3A_143] : memref<2x128xf32, #tpu.memory_space<vmem>> -> memref<1x128xf32, #tpu.memory_space<vmem>>
    %dma_wait3A_145 = tpu.memref_squeeze %dma_wait3A_144 : memref<1x128xf32, #tpu.memory_space<vmem>> -> memref<128xf32, #tpu.memory_space<vmem>>
    %dma_wait3A_146 = arith.constant 0 : i32
    %dma_wait3A_147 = tpu.memref_slice %arg8[%dma_wait3A_142, %dma_wait3A_146] : memref<80x128xi32, #tpu.memory_space<vmem>> -> memref<1x128xi32, #tpu.memory_space<vmem>>
    %dma_wait3A_148 = tpu.memref_squeeze %dma_wait3A_147 : memref<1x128xi32, #tpu.memory_space<vmem>> -> memref<128xi32, #tpu.memory_space<vmem>>
    %dma_wait3A_149 = arith.constant 0 : i32
    %dma_wait3A_150 = tpu.memref_slice %arg10[%dma_wait3A_149] : memref<10240xf32, #tpu.memory_space<vmem_shared>> -> memref<10240xf32, #tpu.memory_space<vmem_shared>>
    tpu.wait_indirect_dma semaphore(%arg13 : memref<!tpu.dma_semaphore, #tpu.memory_space<semaphore_mem>>) src(%dma_wait3A_145 : memref<128xf32, #tpu.memory_space<vmem>>) dst(%dma_wait3A_150 : memref<10240xf32, #tpu.memory_space<vmem_shared>>)
    %barrier3A_151 = arith.constant 0 : index
    tpu.barrier barrier_id(%barrier3A_151)
    "tpu.region"() ({
      %run_scoped3A = tpu.sem_alloc : memref<!tpu.dma_semaphore, #tpu.memory_space<semaphore_mem>>
      %dma_start3A = arith.constant 0 : i32
      %dma_start3A_152 = tpu.memref_slice %arg6[%arg0, %dma_start3A] : memref<2x10240xf32, #tpu.memory_space<hbm>> -> memref<1x10240xf32, #tpu.memory_space<hbm>>
      %dma_start3A_153 = tpu.memref_squeeze %dma_start3A_152 : memref<1x10240xf32, #tpu.memory_space<hbm>> -> memref<10240xf32, #tpu.memory_space<hbm>>
      %dma_start3A_154 = tpu.memref_slice %dma_start3A_153[%mul3A_4] : memref<10240xf32, #tpu.memory_space<hbm>> -> memref<640xf32, #tpu.memory_space<hbm>>
      %dma_start3A_155 = tpu.memref_slice %arg10[%mul3A_4] : memref<10240xf32, #tpu.memory_space<vmem_shared>> -> memref<640xf32, #tpu.memory_space<vmem_shared>>
      tpu.enqueue_dma source(%dma_start3A_155 : memref<640xf32, #tpu.memory_space<vmem_shared>>) target(%dma_start3A_154 : memref<640xf32, #tpu.memory_space<hbm>>) target_semaphore(%run_scoped3A : memref<!tpu.dma_semaphore, #tpu.memory_space<semaphore_mem>>)
      %dma_wait3A_156 = arith.constant 0 : i32
      %dma_wait3A_157 = tpu.memref_slice %arg6[%arg0, %dma_wait3A_156] : memref<2x10240xf32, #tpu.memory_space<hbm>> -> memref<1x10240xf32, #tpu.memory_space<hbm>>
      %dma_wait3A_158 = tpu.memref_squeeze %dma_wait3A_157 : memref<1x10240xf32, #tpu.memory_space<hbm>> -> memref<10240xf32, #tpu.memory_space<hbm>>
      %dma_wait3A_159 = tpu.memref_slice %dma_wait3A_158[%mul3A_4] : memref<10240xf32, #tpu.memory_space<hbm>> -> memref<640xf32, #tpu.memory_space<hbm>>
      %dma_wait3A_160 = tpu.memref_slice %arg10[%mul3A_4] : memref<10240xf32, #tpu.memory_space<vmem_shared>> -> memref<640xf32, #tpu.memory_space<vmem_shared>>
      tpu.wait_dma2 semaphore(%run_scoped3A : memref<!tpu.dma_semaphore, #tpu.memory_space<semaphore_mem>>) src(%dma_wait3A_160 : memref<640xf32, #tpu.memory_space<vmem_shared>>) dst(%dma_wait3A_159 : memref<640xf32, #tpu.memory_space<hbm>>)
      tpu.yield
    }) : () -> ()
    return
  }
}

#map = affine_map<(d0, d1) -> (0, 0)>
#map1 = affine_map<(d0, d1) -> (0, 0, 0)>
module attributes {stable_mosaic.version = 14 : i64} {
  func.func @_sc_dense_agg(%arg0: i32, %arg1: i32, %arg2: memref<10000x128xf32, #tpu.memory_space<hbm>>, %arg3: memref<2560x128xi32, #tpu.memory_space<hbm>>, %arg4: memref<2560x128xi32, #tpu.memory_space<hbm>>, %arg5: memref<10240x128xf32, #tpu.memory_space<hbm>>, %arg6: memref<2x10240x128xf32, #tpu.memory_space<hbm>>, %arg7: memref<40x128xi32, #tpu.memory_space<vmem>>, %arg8: memref<40x128xi32, #tpu.memory_space<vmem>>, %arg9: memref<2x128x128xf32, #tpu.memory_space<vmem>>, %arg10: memref<10240x128xf32, #tpu.memory_space<vmem_shared>>, %arg11: memref<!tpu.dma_semaphore, #tpu.memory_space<semaphore_mem>>, %arg12: memref<!tpu.dma_semaphore, #tpu.memory_space<semaphore_mem>>) attributes {dimension_semantics = [#tpu.dimension_semantics<core_parallel>, #tpu.dimension_semantics<subcore_parallel>], iteration_bounds = array<i64: 2, 16>, scalar_prefetch = 0 : i64, scratch_operands = 6 : i64, tpu.core_type = #tpu.core_type<sc_vector_subcore>, window_params = [{transform_indices = #map}, {transform_indices = #map}, {transform_indices = #map}, {transform_indices = #map}, {transform_indices = #map1}]} {
    %mul3A = arith.constant 640 : i32
    %mul3A_0 = arith.muli %arg1, %mul3A : i32
    "tpu.region"() ({
      %run_scoped3A = tpu.sem_alloc : memref<!tpu.dma_semaphore, #tpu.memory_space<semaphore_mem>>
      %dma_start3A = arith.constant 0 : i32
      %dma_start3A_9 = tpu.memref_slice %arg10[%mul3A_0, %dma_start3A] : memref<10240x128xf32, #tpu.memory_space<vmem_shared>> -> memref<640x128xf32, #tpu.memory_space<vmem_shared>>
      %dma_start3A_10 = arith.constant 0 : i32
      %dma_start3A_11 = tpu.memref_slice %arg5[%mul3A_0, %dma_start3A_10] : memref<10240x128xf32, #tpu.memory_space<hbm>> -> memref<640x128xf32, #tpu.memory_space<hbm>>
      tpu.enqueue_dma source(%dma_start3A_11 : memref<640x128xf32, #tpu.memory_space<hbm>>) target(%dma_start3A_9 : memref<640x128xf32, #tpu.memory_space<vmem_shared>>) target_semaphore(%run_scoped3A : memref<!tpu.dma_semaphore, #tpu.memory_space<semaphore_mem>>)
      %dma_wait3A = arith.constant 0 : i32
      %dma_wait3A_12 = tpu.memref_slice %arg10[%mul3A_0, %dma_wait3A] : memref<10240x128xf32, #tpu.memory_space<vmem_shared>> -> memref<640x128xf32, #tpu.memory_space<vmem_shared>>
      %dma_wait3A_13 = arith.constant 0 : i32
      %dma_wait3A_14 = tpu.memref_slice %arg5[%mul3A_0, %dma_wait3A_13] : memref<10240x128xf32, #tpu.memory_space<hbm>> -> memref<640x128xf32, #tpu.memory_space<hbm>>
      tpu.wait_dma2 semaphore(%run_scoped3A : memref<!tpu.dma_semaphore, #tpu.memory_space<semaphore_mem>>) src(%dma_wait3A_14 : memref<640x128xf32, #tpu.memory_space<hbm>>) dst(%dma_wait3A_12 : memref<640x128xf32, #tpu.memory_space<vmem_shared>>)
      tpu.yield
    }) : () -> ()
    %barrier3A = arith.constant 0 : index
    tpu.barrier barrier_id(%barrier3A)
    %eq3A = arith.constant 0 : i32
    %eq3A_1 = arith.cmpi eq, %arg0, %eq3A : i32
    %convert_element_type3A = arith.extui %eq3A_1 : i1 to i32
    %cond3A = arith.constant 0 : i32
    %cond3A_2 = arith.cmpi ne, %convert_element_type3A, %cond3A : i32
    scf.if %cond3A_2 {
      %mul3A_9 = arith.constant 80 : i32
      %mul3A_10 = arith.muli %arg1, %mul3A_9 : i32
      %add3A = arith.constant 0 : i32
      %add3A_11 = arith.addi %mul3A_10, %add3A : i32
      "tpu.region"() ({
        %run_scoped3A = tpu.sem_alloc : memref<!tpu.dma_semaphore, #tpu.memory_space<semaphore_mem>>
        %dma_start3A = arith.constant 0 : i32
        %dma_start3A_76 = arith.constant 0 : i32
        %dma_start3A_77 = tpu.memref_slice %arg7[%dma_start3A, %dma_start3A_76] : memref<40x128xi32, #tpu.memory_space<vmem>> -> memref<40x128xi32, #tpu.memory_space<vmem>>
        %dma_start3A_78 = arith.constant 0 : i32
        %dma_start3A_79 = tpu.memref_slice %arg3[%add3A_11, %dma_start3A_78] : memref<2560x128xi32, #tpu.memory_space<hbm>> -> memref<40x128xi32, #tpu.memory_space<hbm>>
        %dma_start3A_80 = arith.constant 0 : i32
        %dma_start3A_81 = arith.constant 0 : i32
        %dma_start3A_82 = tpu.memref_slice %arg7[%dma_start3A_80, %dma_start3A_81] : memref<40x128xi32, #tpu.memory_space<vmem>> -> memref<40x128xi32, #tpu.memory_space<vmem>>
        %dma_start3A_83 = arith.constant 0 : i32
        %dma_start3A_84 = tpu.memref_slice %arg3[%add3A_11, %dma_start3A_83] : memref<2560x128xi32, #tpu.memory_space<hbm>> -> memref<40x128xi32, #tpu.memory_space<hbm>>
        tpu.enqueue_dma source(%dma_start3A_84 : memref<40x128xi32, #tpu.memory_space<hbm>>) target(%dma_start3A_82 : memref<40x128xi32, #tpu.memory_space<vmem>>) target_semaphore(%run_scoped3A : memref<!tpu.dma_semaphore, #tpu.memory_space<semaphore_mem>>)
        %dma_wait3A_85 = arith.constant 0 : i32
        %dma_wait3A_86 = arith.constant 0 : i32
        %dma_wait3A_87 = tpu.memref_slice %arg7[%dma_wait3A_85, %dma_wait3A_86] : memref<40x128xi32, #tpu.memory_space<vmem>> -> memref<40x128xi32, #tpu.memory_space<vmem>>
        %dma_wait3A_88 = arith.constant 0 : i32
        %dma_wait3A_89 = tpu.memref_slice %arg3[%add3A_11, %dma_wait3A_88] : memref<2560x128xi32, #tpu.memory_space<hbm>> -> memref<40x128xi32, #tpu.memory_space<hbm>>
        %dma_wait3A_90 = arith.constant 0 : i32
        %dma_wait3A_91 = arith.constant 0 : i32
        %dma_wait3A_92 = tpu.memref_slice %arg7[%dma_wait3A_90, %dma_wait3A_91] : memref<40x128xi32, #tpu.memory_space<vmem>> -> memref<40x128xi32, #tpu.memory_space<vmem>>
        %dma_wait3A_93 = arith.constant 0 : i32
        %dma_wait3A_94 = tpu.memref_slice %arg3[%add3A_11, %dma_wait3A_93] : memref<2560x128xi32, #tpu.memory_space<hbm>> -> memref<40x128xi32, #tpu.memory_space<hbm>>
        tpu.wait_dma2 semaphore(%run_scoped3A : memref<!tpu.dma_semaphore, #tpu.memory_space<semaphore_mem>>) src(%dma_wait3A_94 : memref<40x128xi32, #tpu.memory_space<hbm>>) dst(%dma_wait3A_92 : memref<40x128xi32, #tpu.memory_space<vmem>>)
        tpu.yield
      }) : () -> ()
      %add3A_12 = arith.constant 0 : i32
      %add3A_13 = arith.addi %mul3A_10, %add3A_12 : i32
      "tpu.region"() ({
        %run_scoped3A = tpu.sem_alloc : memref<!tpu.dma_semaphore, #tpu.memory_space<semaphore_mem>>
        %dma_start3A = arith.constant 0 : i32
        %dma_start3A_76 = arith.constant 0 : i32
        %dma_start3A_77 = tpu.memref_slice %arg8[%dma_start3A, %dma_start3A_76] : memref<40x128xi32, #tpu.memory_space<vmem>> -> memref<40x128xi32, #tpu.memory_space<vmem>>
        %dma_start3A_78 = arith.constant 0 : i32
        %dma_start3A_79 = tpu.memref_slice %arg4[%add3A_13, %dma_start3A_78] : memref<2560x128xi32, #tpu.memory_space<hbm>> -> memref<40x128xi32, #tpu.memory_space<hbm>>
        %dma_start3A_80 = arith.constant 0 : i32
        %dma_start3A_81 = arith.constant 0 : i32
        %dma_start3A_82 = tpu.memref_slice %arg8[%dma_start3A_80, %dma_start3A_81] : memref<40x128xi32, #tpu.memory_space<vmem>> -> memref<40x128xi32, #tpu.memory_space<vmem>>
        %dma_start3A_83 = arith.constant 0 : i32
        %dma_start3A_84 = tpu.memref_slice %arg4[%add3A_13, %dma_start3A_83] : memref<2560x128xi32, #tpu.memory_space<hbm>> -> memref<40x128xi32, #tpu.memory_space<hbm>>
        tpu.enqueue_dma source(%dma_start3A_84 : memref<40x128xi32, #tpu.memory_space<hbm>>) target(%dma_start3A_82 : memref<40x128xi32, #tpu.memory_space<vmem>>) target_semaphore(%run_scoped3A : memref<!tpu.dma_semaphore, #tpu.memory_space<semaphore_mem>>)
        %dma_wait3A_85 = arith.constant 0 : i32
        %dma_wait3A_86 = arith.constant 0 : i32
        %dma_wait3A_87 = tpu.memref_slice %arg8[%dma_wait3A_85, %dma_wait3A_86] : memref<40x128xi32, #tpu.memory_space<vmem>> -> memref<40x128xi32, #tpu.memory_space<vmem>>
        %dma_wait3A_88 = arith.constant 0 : i32
        %dma_wait3A_89 = tpu.memref_slice %arg4[%add3A_13, %dma_wait3A_88] : memref<2560x128xi32, #tpu.memory_space<hbm>> -> memref<40x128xi32, #tpu.memory_space<hbm>>
        %dma_wait3A_90 = arith.constant 0 : i32
        %dma_wait3A_91 = arith.constant 0 : i32
        %dma_wait3A_92 = tpu.memref_slice %arg8[%dma_wait3A_90, %dma_wait3A_91] : memref<40x128xi32, #tpu.memory_space<vmem>> -> memref<40x128xi32, #tpu.memory_space<vmem>>
        %dma_wait3A_93 = arith.constant 0 : i32
        %dma_wait3A_94 = tpu.memref_slice %arg4[%add3A_13, %dma_wait3A_93] : memref<2560x128xi32, #tpu.memory_space<hbm>> -> memref<40x128xi32, #tpu.memory_space<hbm>>
        tpu.wait_dma2 semaphore(%run_scoped3A : memref<!tpu.dma_semaphore, #tpu.memory_space<semaphore_mem>>) src(%dma_wait3A_94 : memref<40x128xi32, #tpu.memory_space<hbm>>) dst(%dma_wait3A_92 : memref<40x128xi32, #tpu.memory_space<vmem>>)
        tpu.yield
      }) : () -> ()
      %scan3A = arith.constant 0 : i32
      %scan3A_14 = arith.constant 0 : i32
      %scan3A_15 = arith.constant 20 : i32
      %scan3A_16 = arith.addi %scan3A_14, %scan3A_15 : i32
      %scan3A_17 = arith.constant 1 : i32
      scf.for %scan3A_76 = %scan3A_14 to %scan3A_16 step %scan3A_17  : i32 {
        %mul3A_77 = arith.constant 2 : i32
        %mul3A_78 = arith.muli %mul3A_77, %scan3A_76 : i32
        %add3A_79 = arith.constant 0 : i32
        %add3A_80 = arith.addi %mul3A_78, %add3A_79 : i32
        %ge3A = arith.constant 1 : i32
        %ge3A_81 = arith.cmpi sge, %scan3A_76, %ge3A : i32
        %convert_element_type3A_82 = arith.extui %ge3A_81 : i1 to i32
        %cond3A_83 = arith.constant 0 : i32
        %cond3A_84 = arith.cmpi ne, %convert_element_type3A_82, %cond3A_83 : i32
        scf.if %cond3A_84 {
          %dma_wait3A_116 = arith.constant 0 : i32
          %dma_wait3A_117 = arith.constant 0 : i32
          %dma_wait3A_118 = arith.constant 0 : i32
          %dma_wait3A_119 = arith.constant 0 : i32
          %dma_wait3A_120 = tpu.memref_slice %arg9[%dma_wait3A_116, %dma_wait3A_118, %dma_wait3A_119] : memref<2x128x128xf32, #tpu.memory_space<vmem>> -> memref<1x128x128xf32, #tpu.memory_space<vmem>>
          %dma_wait3A_121 = tpu.memref_squeeze %dma_wait3A_120 : memref<1x128x128xf32, #tpu.memory_space<vmem>> -> memref<128x128xf32, #tpu.memory_space<vmem>>
          %dma_wait3A_122 = arith.constant 0 : i32
          %dma_wait3A_123 = tpu.memref_slice %arg8[%dma_wait3A_117, %dma_wait3A_122] : memref<40x128xi32, #tpu.memory_space<vmem>> -> memref<1x128xi32, #tpu.memory_space<vmem>>
          %dma_wait3A_124 = tpu.memref_squeeze %dma_wait3A_123 : memref<1x128xi32, #tpu.memory_space<vmem>> -> memref<128xi32, #tpu.memory_space<vmem>>
          %dma_wait3A_125 = arith.constant 0 : i32
          %dma_wait3A_126 = arith.constant 0 : i32
          %dma_wait3A_127 = tpu.memref_slice %arg10[%dma_wait3A_125, %dma_wait3A_126] : memref<10240x128xf32, #tpu.memory_space<vmem_shared>> -> memref<10240x128xf32, #tpu.memory_space<vmem_shared>>
          tpu.wait_indirect_dma semaphore(%arg12 : memref<!tpu.dma_semaphore, #tpu.memory_space<semaphore_mem>>) src(%dma_wait3A_121 : memref<128x128xf32, #tpu.memory_space<vmem>>) dst(%dma_wait3A_127 : memref<10240x128xf32, #tpu.memory_space<vmem_shared>>)
        } else {
        }
        %run_scoped3A = arith.constant 0 : i32
        "tpu.region"() ({
          %run_scoped3A_116 = tpu.sem_alloc : memref<!tpu.dma_semaphore, #tpu.memory_space<semaphore_mem>>
          %dma_start3A_117 = arith.constant 0 : i32
          %dma_start3A_118 = arith.constant 0 : i32
          %dma_start3A_119 = tpu.memref_slice %arg9[%run_scoped3A, %dma_start3A_117, %dma_start3A_118] : memref<2x128x128xf32, #tpu.memory_space<vmem>> -> memref<1x128x128xf32, #tpu.memory_space<vmem>>
          %dma_start3A_120 = tpu.memref_squeeze %dma_start3A_119 : memref<1x128x128xf32, #tpu.memory_space<vmem>> -> memref<128x128xf32, #tpu.memory_space<vmem>>
          %dma_start3A_121 = arith.constant 0 : i32
          %dma_start3A_122 = tpu.memref_slice %arg7[%add3A_80, %dma_start3A_121] : memref<40x128xi32, #tpu.memory_space<vmem>> -> memref<1x128xi32, #tpu.memory_space<vmem>>
          %dma_start3A_123 = tpu.memref_squeeze %dma_start3A_122 : memref<1x128xi32, #tpu.memory_space<vmem>> -> memref<128xi32, #tpu.memory_space<vmem>>
          %dma_start3A_124 = arith.constant 0 : i32
          %dma_start3A_125 = arith.constant 0 : i32
          %dma_start3A_126 = tpu.memref_slice %arg2[%dma_start3A_124, %dma_start3A_125] : memref<10000x128xf32, #tpu.memory_space<hbm>> -> memref<10000x128xf32, #tpu.memory_space<hbm>>
          tpu.enqueue_indirect_dma source(%dma_start3A_126 : memref<10000x128xf32, #tpu.memory_space<hbm>>) target(%dma_start3A_120 : memref<128x128xf32, #tpu.memory_space<vmem>>) offsets(%dma_start3A_123 : memref<128xi32, #tpu.memory_space<vmem>>) semaphore(%run_scoped3A_116 : memref<!tpu.dma_semaphore, #tpu.memory_space<semaphore_mem>>)
          %dma_wait3A_127 = arith.constant 0 : i32
          %dma_wait3A_128 = arith.constant 0 : i32
          %dma_wait3A_129 = tpu.memref_slice %arg9[%run_scoped3A, %dma_wait3A_127, %dma_wait3A_128] : memref<2x128x128xf32, #tpu.memory_space<vmem>> -> memref<1x128x128xf32, #tpu.memory_space<vmem>>
          %dma_wait3A_130 = tpu.memref_squeeze %dma_wait3A_129 : memref<1x128x128xf32, #tpu.memory_space<vmem>> -> memref<128x128xf32, #tpu.memory_space<vmem>>
          %dma_wait3A_131 = arith.constant 0 : i32
          %dma_wait3A_132 = tpu.memref_slice %arg7[%add3A_80, %dma_wait3A_131] : memref<40x128xi32, #tpu.memory_space<vmem>> -> memref<1x128xi32, #tpu.memory_space<vmem>>
          %dma_wait3A_133 = tpu.memref_squeeze %dma_wait3A_132 : memref<1x128xi32, #tpu.memory_space<vmem>> -> memref<128xi32, #tpu.memory_space<vmem>>
          %dma_wait3A_134 = arith.constant 0 : i32
          %dma_wait3A_135 = arith.constant 0 : i32
          %dma_wait3A_136 = tpu.memref_slice %arg2[%dma_wait3A_134, %dma_wait3A_135] : memref<10000x128xf32, #tpu.memory_space<hbm>> -> memref<10000x128xf32, #tpu.memory_space<hbm>>
          tpu.wait_indirect_dma semaphore(%run_scoped3A_116 : memref<!tpu.dma_semaphore, #tpu.memory_space<semaphore_mem>>) src(%dma_wait3A_136 : memref<10000x128xf32, #tpu.memory_space<hbm>>) dst(%dma_wait3A_130 : memref<128x128xf32, #tpu.memory_space<vmem>>)
          tpu.yield
        }) : () -> ()
        %dma_start3A = arith.constant 0 : i32
        %dma_start3A_85 = arith.constant 0 : i32
        %dma_start3A_86 = arith.constant 0 : i32
        %dma_start3A_87 = tpu.memref_slice %arg9[%dma_start3A, %dma_start3A_85, %dma_start3A_86] : memref<2x128x128xf32, #tpu.memory_space<vmem>> -> memref<1x128x128xf32, #tpu.memory_space<vmem>>
        %dma_start3A_88 = tpu.memref_squeeze %dma_start3A_87 : memref<1x128x128xf32, #tpu.memory_space<vmem>> -> memref<128x128xf32, #tpu.memory_space<vmem>>
        %dma_start3A_89 = arith.constant 0 : i32
        %dma_start3A_90 = tpu.memref_slice %arg8[%add3A_80, %dma_start3A_89] : memref<40x128xi32, #tpu.memory_space<vmem>> -> memref<1x128xi32, #tpu.memory_space<vmem>>
        %dma_start3A_91 = tpu.memref_squeeze %dma_start3A_90 : memref<1x128xi32, #tpu.memory_space<vmem>> -> memref<128xi32, #tpu.memory_space<vmem>>
        %dma_start3A_92 = arith.constant 0 : i32
        %dma_start3A_93 = arith.constant 0 : i32
        %dma_start3A_94 = tpu.memref_slice %arg10[%dma_start3A_92, %dma_start3A_93] : memref<10240x128xf32, #tpu.memory_space<vmem_shared>> -> memref<10240x128xf32, #tpu.memory_space<vmem_shared>>
        tpu.enqueue_indirect_dma source(%dma_start3A_88 : memref<128x128xf32, #tpu.memory_space<vmem>>) target(%dma_start3A_94 : memref<10240x128xf32, #tpu.memory_space<vmem_shared>>) offsets(%dma_start3A_91 : memref<128xi32, #tpu.memory_space<vmem>>) semaphore(%arg12 : memref<!tpu.dma_semaphore, #tpu.memory_space<semaphore_mem>>) {add = true}
        %mul3A_95 = arith.constant 2 : i32
        %mul3A_96 = arith.muli %mul3A_95, %scan3A_76 : i32
        %add3A_97 = arith.constant 1 : i32
        %add3A_98 = arith.addi %mul3A_96, %add3A_97 : i32
        %ge3A_99 = arith.constant 1 : i32
        %ge3A_100 = arith.cmpi sge, %scan3A_76, %ge3A_99 : i32
        %convert_element_type3A_101 = arith.extui %ge3A_100 : i1 to i32
        %cond3A_102 = arith.constant 0 : i32
        %cond3A_103 = arith.cmpi ne, %convert_element_type3A_101, %cond3A_102 : i32
        scf.if %cond3A_103 {
          %dma_wait3A_116 = arith.constant 1 : i32
          %dma_wait3A_117 = arith.constant 0 : i32
          %dma_wait3A_118 = arith.constant 0 : i32
          %dma_wait3A_119 = arith.constant 0 : i32
          %dma_wait3A_120 = tpu.memref_slice %arg9[%dma_wait3A_116, %dma_wait3A_118, %dma_wait3A_119] : memref<2x128x128xf32, #tpu.memory_space<vmem>> -> memref<1x128x128xf32, #tpu.memory_space<vmem>>
          %dma_wait3A_121 = tpu.memref_squeeze %dma_wait3A_120 : memref<1x128x128xf32, #tpu.memory_space<vmem>> -> memref<128x128xf32, #tpu.memory_space<vmem>>
          %dma_wait3A_122 = arith.constant 0 : i32
          %dma_wait3A_123 = tpu.memref_slice %arg8[%dma_wait3A_117, %dma_wait3A_122] : memref<40x128xi32, #tpu.memory_space<vmem>> -> memref<1x128xi32, #tpu.memory_space<vmem>>
          %dma_wait3A_124 = tpu.memref_squeeze %dma_wait3A_123 : memref<1x128xi32, #tpu.memory_space<vmem>> -> memref<128xi32, #tpu.memory_space<vmem>>
          %dma_wait3A_125 = arith.constant 0 : i32
          %dma_wait3A_126 = arith.constant 0 : i32
          %dma_wait3A_127 = tpu.memref_slice %arg10[%dma_wait3A_125, %dma_wait3A_126] : memref<10240x128xf32, #tpu.memory_space<vmem_shared>> -> memref<10240x128xf32, #tpu.memory_space<vmem_shared>>
          tpu.wait_indirect_dma semaphore(%arg12 : memref<!tpu.dma_semaphore, #tpu.memory_space<semaphore_mem>>) src(%dma_wait3A_121 : memref<128x128xf32, #tpu.memory_space<vmem>>) dst(%dma_wait3A_127 : memref<10240x128xf32, #tpu.memory_space<vmem_shared>>)
        } else {
        }
        %run_scoped3A_104 = arith.constant 1 : i32
        "tpu.region"() ({
          %run_scoped3A_116 = tpu.sem_alloc : memref<!tpu.dma_semaphore, #tpu.memory_space<semaphore_mem>>
          %dma_start3A_117 = arith.constant 0 : i32
          %dma_start3A_118 = arith.constant 0 : i32
          %dma_start3A_119 = tpu.memref_slice %arg9[%run_scoped3A_104, %dma_start3A_117, %dma_start3A_118] : memref<2x128x128xf32, #tpu.memory_space<vmem>> -> memref<1x128x128xf32, #tpu.memory_space<vmem>>
          %dma_start3A_120 = tpu.memref_squeeze %dma_start3A_119 : memref<1x128x128xf32, #tpu.memory_space<vmem>> -> memref<128x128xf32, #tpu.memory_space<vmem>>
          %dma_start3A_121 = arith.constant 0 : i32
          %dma_start3A_122 = tpu.memref_slice %arg7[%add3A_98, %dma_start3A_121] : memref<40x128xi32, #tpu.memory_space<vmem>> -> memref<1x128xi32, #tpu.memory_space<vmem>>
          %dma_start3A_123 = tpu.memref_squeeze %dma_start3A_122 : memref<1x128xi32, #tpu.memory_space<vmem>> -> memref<128xi32, #tpu.memory_space<vmem>>
          %dma_start3A_124 = arith.constant 0 : i32
          %dma_start3A_125 = arith.constant 0 : i32
          %dma_start3A_126 = tpu.memref_slice %arg2[%dma_start3A_124, %dma_start3A_125] : memref<10000x128xf32, #tpu.memory_space<hbm>> -> memref<10000x128xf32, #tpu.memory_space<hbm>>
          tpu.enqueue_indirect_dma source(%dma_start3A_126 : memref<10000x128xf32, #tpu.memory_space<hbm>>) target(%dma_start3A_120 : memref<128x128xf32, #tpu.memory_space<vmem>>) offsets(%dma_start3A_123 : memref<128xi32, #tpu.memory_space<vmem>>) semaphore(%run_scoped3A_116 : memref<!tpu.dma_semaphore, #tpu.memory_space<semaphore_mem>>)
          %dma_wait3A_127 = arith.constant 0 : i32
          %dma_wait3A_128 = arith.constant 0 : i32
          %dma_wait3A_129 = tpu.memref_slice %arg9[%run_scoped3A_104, %dma_wait3A_127, %dma_wait3A_128] : memref<2x128x128xf32, #tpu.memory_space<vmem>> -> memref<1x128x128xf32, #tpu.memory_space<vmem>>
          %dma_wait3A_130 = tpu.memref_squeeze %dma_wait3A_129 : memref<1x128x128xf32, #tpu.memory_space<vmem>> -> memref<128x128xf32, #tpu.memory_space<vmem>>
          %dma_wait3A_131 = arith.constant 0 : i32
          %dma_wait3A_132 = tpu.memref_slice %arg7[%add3A_98, %dma_wait3A_131] : memref<40x128xi32, #tpu.memory_space<vmem>> -> memref<1x128xi32, #tpu.memory_space<vmem>>
          %dma_wait3A_133 = tpu.memref_squeeze %dma_wait3A_132 : memref<1x128xi32, #tpu.memory_space<vmem>> -> memref<128xi32, #tpu.memory_space<vmem>>
          %dma_wait3A_134 = arith.constant 0 : i32
          %dma_wait3A_135 = arith.constant 0 : i32
          %dma_wait3A_136 = tpu.memref_slice %arg2[%dma_wait3A_134, %dma_wait3A_135] : memref<10000x128xf32, #tpu.memory_space<hbm>> -> memref<10000x128xf32, #tpu.memory_space<hbm>>
          tpu.wait_indirect_dma semaphore(%run_scoped3A_116 : memref<!tpu.dma_semaphore, #tpu.memory_space<semaphore_mem>>) src(%dma_wait3A_136 : memref<10000x128xf32, #tpu.memory_space<hbm>>) dst(%dma_wait3A_130 : memref<128x128xf32, #tpu.memory_space<vmem>>)
          tpu.yield
        }) : () -> ()
        %dma_start3A_105 = arith.constant 1 : i32
        %dma_start3A_106 = arith.constant 0 : i32
        %dma_start3A_107 = arith.constant 0 : i32
        %dma_start3A_108 = tpu.memref_slice %arg9[%dma_start3A_105, %dma_start3A_106, %dma_start3A_107] : memref<2x128x128xf32, #tpu.memory_space<vmem>> -> memref<1x128x128xf32, #tpu.memory_space<vmem>>
        %dma_start3A_109 = tpu.memref_squeeze %dma_start3A_108 : memref<1x128x128xf32, #tpu.memory_space<vmem>> -> memref<128x128xf32, #tpu.memory_space<vmem>>
        %dma_start3A_110 = arith.constant 0 : i32
        %dma_start3A_111 = tpu.memref_slice %arg8[%add3A_98, %dma_start3A_110] : memref<40x128xi32, #tpu.memory_space<vmem>> -> memref<1x128xi32, #tpu.memory_space<vmem>>
        %dma_start3A_112 = tpu.memref_squeeze %dma_start3A_111 : memref<1x128xi32, #tpu.memory_space<vmem>> -> memref<128xi32, #tpu.memory_space<vmem>>
        %dma_start3A_113 = arith.constant 0 : i32
        %dma_start3A_114 = arith.constant 0 : i32
        %dma_start3A_115 = tpu.memref_slice %arg10[%dma_start3A_113, %dma_start3A_114] : memref<10240x128xf32, #tpu.memory_space<vmem_shared>> -> memref<10240x128xf32, #tpu.memory_space<vmem_shared>>
        tpu.enqueue_indirect_dma source(%dma_start3A_109 : memref<128x128xf32, #tpu.memory_space<vmem>>) target(%dma_start3A_115 : memref<10240x128xf32, #tpu.memory_space<vmem_shared>>) offsets(%dma_start3A_112 : memref<128xi32, #tpu.memory_space<vmem>>) semaphore(%arg12 : memref<!tpu.dma_semaphore, #tpu.memory_space<semaphore_mem>>) {add = true}
      }
      %scan3A_18 = arith.constant 20 : i32
      %dma_wait3A = arith.constant 0 : i32
      %dma_wait3A_19 = arith.constant 0 : i32
      %dma_wait3A_20 = arith.constant 0 : i32
      %dma_wait3A_21 = arith.constant 0 : i32
      %dma_wait3A_22 = tpu.memref_slice %arg9[%dma_wait3A, %dma_wait3A_20, %dma_wait3A_21] : memref<2x128x128xf32, #tpu.memory_space<vmem>> -> memref<1x128x128xf32, #tpu.memory_space<vmem>>
      %dma_wait3A_23 = tpu.memref_squeeze %dma_wait3A_22 : memref<1x128x128xf32, #tpu.memory_space<vmem>> -> memref<128x128xf32, #tpu.memory_space<vmem>>
      %dma_wait3A_24 = arith.constant 0 : i32
      %dma_wait3A_25 = tpu.memref_slice %arg8[%dma_wait3A_19, %dma_wait3A_24] : memref<40x128xi32, #tpu.memory_space<vmem>> -> memref<1x128xi32, #tpu.memory_space<vmem>>
      %dma_wait3A_26 = tpu.memref_squeeze %dma_wait3A_25 : memref<1x128xi32, #tpu.memory_space<vmem>> -> memref<128xi32, #tpu.memory_space<vmem>>
      %dma_wait3A_27 = arith.constant 0 : i32
      %dma_wait3A_28 = arith.constant 0 : i32
      %dma_wait3A_29 = tpu.memref_slice %arg10[%dma_wait3A_27, %dma_wait3A_28] : memref<10240x128xf32, #tpu.memory_space<vmem_shared>> -> memref<10240x128xf32, #tpu.memory_space<vmem_shared>>
      tpu.wait_indirect_dma semaphore(%arg12 : memref<!tpu.dma_semaphore, #tpu.memory_space<semaphore_mem>>) src(%dma_wait3A_23 : memref<128x128xf32, #tpu.memory_space<vmem>>) dst(%dma_wait3A_29 : memref<10240x128xf32, #tpu.memory_space<vmem_shared>>)
      %dma_wait3A_30 = arith.constant 1 : i32
      %dma_wait3A_31 = arith.constant 0 : i32
      %dma_wait3A_32 = arith.constant 0 : i32
      %dma_wait3A_33 = arith.constant 0 : i32
      %dma_wait3A_34 = tpu.memref_slice %arg9[%dma_wait3A_30, %dma_wait3A_32, %dma_wait3A_33] : memref<2x128x128xf32, #tpu.memory_space<vmem>> -> memref<1x128x128xf32, #tpu.memory_space<vmem>>
      %dma_wait3A_35 = tpu.memref_squeeze %dma_wait3A_34 : memref<1x128x128xf32, #tpu.memory_space<vmem>> -> memref<128x128xf32, #tpu.memory_space<vmem>>
      %dma_wait3A_36 = arith.constant 0 : i32
      %dma_wait3A_37 = tpu.memref_slice %arg8[%dma_wait3A_31, %dma_wait3A_36] : memref<40x128xi32, #tpu.memory_space<vmem>> -> memref<1x128xi32, #tpu.memory_space<vmem>>
      %dma_wait3A_38 = tpu.memref_squeeze %dma_wait3A_37 : memref<1x128xi32, #tpu.memory_space<vmem>> -> memref<128xi32, #tpu.memory_space<vmem>>
      %dma_wait3A_39 = arith.constant 0 : i32
      %dma_wait3A_40 = arith.constant 0 : i32
      %dma_wait3A_41 = tpu.memref_slice %arg10[%dma_wait3A_39, %dma_wait3A_40] : memref<10240x128xf32, #tpu.memory_space<vmem_shared>> -> memref<10240x128xf32, #tpu.memory_space<vmem_shared>>
      tpu.wait_indirect_dma semaphore(%arg12 : memref<!tpu.dma_semaphore, #tpu.memory_space<semaphore_mem>>) src(%dma_wait3A_35 : memref<128x128xf32, #tpu.memory_space<vmem>>) dst(%dma_wait3A_41 : memref<10240x128xf32, #tpu.memory_space<vmem_shared>>)
      %add3A_42 = arith.constant 40 : i32
      %add3A_43 = arith.addi %mul3A_10, %add3A_42 : i32
      "tpu.region"() ({
        %run_scoped3A = tpu.sem_alloc : memref<!tpu.dma_semaphore, #tpu.memory_space<semaphore_mem>>
        %dma_start3A = arith.constant 0 : i32
        %dma_start3A_76 = arith.constant 0 : i32
        %dma_start3A_77 = tpu.memref_slice %arg7[%dma_start3A, %dma_start3A_76] : memref<40x128xi32, #tpu.memory_space<vmem>> -> memref<40x128xi32, #tpu.memory_space<vmem>>
        %dma_start3A_78 = arith.constant 0 : i32
        %dma_start3A_79 = tpu.memref_slice %arg3[%add3A_43, %dma_start3A_78] : memref<2560x128xi32, #tpu.memory_space<hbm>> -> memref<40x128xi32, #tpu.memory_space<hbm>>
        %dma_start3A_80 = arith.constant 0 : i32
        %dma_start3A_81 = arith.constant 0 : i32
        %dma_start3A_82 = tpu.memref_slice %arg7[%dma_start3A_80, %dma_start3A_81] : memref<40x128xi32, #tpu.memory_space<vmem>> -> memref<40x128xi32, #tpu.memory_space<vmem>>
        %dma_start3A_83 = arith.constant 0 : i32
        %dma_start3A_84 = tpu.memref_slice %arg3[%add3A_43, %dma_start3A_83] : memref<2560x128xi32, #tpu.memory_space<hbm>> -> memref<40x128xi32, #tpu.memory_space<hbm>>
        tpu.enqueue_dma source(%dma_start3A_84 : memref<40x128xi32, #tpu.memory_space<hbm>>) target(%dma_start3A_82 : memref<40x128xi32, #tpu.memory_space<vmem>>) target_semaphore(%run_scoped3A : memref<!tpu.dma_semaphore, #tpu.memory_space<semaphore_mem>>)
        %dma_wait3A_85 = arith.constant 0 : i32
        %dma_wait3A_86 = arith.constant 0 : i32
        %dma_wait3A_87 = tpu.memref_slice %arg7[%dma_wait3A_85, %dma_wait3A_86] : memref<40x128xi32, #tpu.memory_space<vmem>> -> memref<40x128xi32, #tpu.memory_space<vmem>>
        %dma_wait3A_88 = arith.constant 0 : i32
        %dma_wait3A_89 = tpu.memref_slice %arg3[%add3A_43, %dma_wait3A_88] : memref<2560x128xi32, #tpu.memory_space<hbm>> -> memref<40x128xi32, #tpu.memory_space<hbm>>
        %dma_wait3A_90 = arith.constant 0 : i32
        %dma_wait3A_91 = arith.constant 0 : i32
        %dma_wait3A_92 = tpu.memref_slice %arg7[%dma_wait3A_90, %dma_wait3A_91] : memref<40x128xi32, #tpu.memory_space<vmem>> -> memref<40x128xi32, #tpu.memory_space<vmem>>
        %dma_wait3A_93 = arith.constant 0 : i32
        %dma_wait3A_94 = tpu.memref_slice %arg3[%add3A_43, %dma_wait3A_93] : memref<2560x128xi32, #tpu.memory_space<hbm>> -> memref<40x128xi32, #tpu.memory_space<hbm>>
        tpu.wait_dma2 semaphore(%run_scoped3A : memref<!tpu.dma_semaphore, #tpu.memory_space<semaphore_mem>>) src(%dma_wait3A_94 : memref<40x128xi32, #tpu.memory_space<hbm>>) dst(%dma_wait3A_92 : memref<40x128xi32, #tpu.memory_space<vmem>>)
        tpu.yield
      }) : () -> ()
      %add3A_44 = arith.constant 40 : i32
      %add3A_45 = arith.addi %mul3A_10, %add3A_44 : i32
      "tpu.region"() ({
        %run_scoped3A = tpu.sem_alloc : memref<!tpu.dma_semaphore, #tpu.memory_space<semaphore_mem>>
        %dma_start3A = arith.constant 0 : i32
        %dma_start3A_76 = arith.constant 0 : i32
        %dma_start3A_77 = tpu.memref_slice %arg8[%dma_start3A, %dma_start3A_76] : memref<40x128xi32, #tpu.memory_space<vmem>> -> memref<40x128xi32, #tpu.memory_space<vmem>>
        %dma_start3A_78 = arith.constant 0 : i32
        %dma_start3A_79 = tpu.memref_slice %arg4[%add3A_45, %dma_start3A_78] : memref<2560x128xi32, #tpu.memory_space<hbm>> -> memref<40x128xi32, #tpu.memory_space<hbm>>
        %dma_start3A_80 = arith.constant 0 : i32
        %dma_start3A_81 = arith.constant 0 : i32
        %dma_start3A_82 = tpu.memref_slice %arg8[%dma_start3A_80, %dma_start3A_81] : memref<40x128xi32, #tpu.memory_space<vmem>> -> memref<40x128xi32, #tpu.memory_space<vmem>>
        %dma_start3A_83 = arith.constant 0 : i32
        %dma_start3A_84 = tpu.memref_slice %arg4[%add3A_45, %dma_start3A_83] : memref<2560x128xi32, #tpu.memory_space<hbm>> -> memref<40x128xi32, #tpu.memory_space<hbm>>
        tpu.enqueue_dma source(%dma_start3A_84 : memref<40x128xi32, #tpu.memory_space<hbm>>) target(%dma_start3A_82 : memref<40x128xi32, #tpu.memory_space<vmem>>) target_semaphore(%run_scoped3A : memref<!tpu.dma_semaphore, #tpu.memory_space<semaphore_mem>>)
        %dma_wait3A_85 = arith.constant 0 : i32
        %dma_wait3A_86 = arith.constant 0 : i32
        %dma_wait3A_87 = tpu.memref_slice %arg8[%dma_wait3A_85, %dma_wait3A_86] : memref<40x128xi32, #tpu.memory_space<vmem>> -> memref<40x128xi32, #tpu.memory_space<vmem>>
        %dma_wait3A_88 = arith.constant 0 : i32
        %dma_wait3A_89 = tpu.memref_slice %arg4[%add3A_45, %dma_wait3A_88] : memref<2560x128xi32, #tpu.memory_space<hbm>> -> memref<40x128xi32, #tpu.memory_space<hbm>>
        %dma_wait3A_90 = arith.constant 0 : i32
        %dma_wait3A_91 = arith.constant 0 : i32
        %dma_wait3A_92 = tpu.memref_slice %arg8[%dma_wait3A_90, %dma_wait3A_91] : memref<40x128xi32, #tpu.memory_space<vmem>> -> memref<40x128xi32, #tpu.memory_space<vmem>>
        %dma_wait3A_93 = arith.constant 0 : i32
        %dma_wait3A_94 = tpu.memref_slice %arg4[%add3A_45, %dma_wait3A_93] : memref<2560x128xi32, #tpu.memory_space<hbm>> -> memref<40x128xi32, #tpu.memory_space<hbm>>
        tpu.wait_dma2 semaphore(%run_scoped3A : memref<!tpu.dma_semaphore, #tpu.memory_space<semaphore_mem>>) src(%dma_wait3A_94 : memref<40x128xi32, #tpu.memory_space<hbm>>) dst(%dma_wait3A_92 : memref<40x128xi32, #tpu.memory_space<vmem>>)
        tpu.yield
      }) : () -> ()
      %scan3A_46 = arith.constant 0 : i32
      %scan3A_47 = arith.constant 0 : i32
      %scan3A_48 = arith.constant 20 : i32
      %scan3A_49 = arith.addi %scan3A_47, %scan3A_48 : i32
      %scan3A_50 = arith.constant 1 : i32
      scf.for %scan3A_76 = %scan3A_47 to %scan3A_49 step %scan3A_50  : i32 {
        %mul3A_77 = arith.constant 2 : i32
        %mul3A_78 = arith.muli %mul3A_77, %scan3A_76 : i32
        %add3A_79 = arith.constant 0 : i32
        %add3A_80 = arith.addi %mul3A_78, %add3A_79 : i32
        %ge3A = arith.constant 1 : i32
        %ge3A_81 = arith.cmpi sge, %scan3A_76, %ge3A : i32
        %convert_element_type3A_82 = arith.extui %ge3A_81 : i1 to i32
        %cond3A_83 = arith.constant 0 : i32
        %cond3A_84 = arith.cmpi ne, %convert_element_type3A_82, %cond3A_83 : i32
        scf.if %cond3A_84 {
          %dma_wait3A_116 = arith.constant 0 : i32
          %dma_wait3A_117 = arith.constant 0 : i32
          %dma_wait3A_118 = arith.constant 0 : i32
          %dma_wait3A_119 = arith.constant 0 : i32
          %dma_wait3A_120 = tpu.memref_slice %arg9[%dma_wait3A_116, %dma_wait3A_118, %dma_wait3A_119] : memref<2x128x128xf32, #tpu.memory_space<vmem>> -> memref<1x128x128xf32, #tpu.memory_space<vmem>>
          %dma_wait3A_121 = tpu.memref_squeeze %dma_wait3A_120 : memref<1x128x128xf32, #tpu.memory_space<vmem>> -> memref<128x128xf32, #tpu.memory_space<vmem>>
          %dma_wait3A_122 = arith.constant 0 : i32
          %dma_wait3A_123 = tpu.memref_slice %arg8[%dma_wait3A_117, %dma_wait3A_122] : memref<40x128xi32, #tpu.memory_space<vmem>> -> memref<1x128xi32, #tpu.memory_space<vmem>>
          %dma_wait3A_124 = tpu.memref_squeeze %dma_wait3A_123 : memref<1x128xi32, #tpu.memory_space<vmem>> -> memref<128xi32, #tpu.memory_space<vmem>>
          %dma_wait3A_125 = arith.constant 0 : i32
          %dma_wait3A_126 = arith.constant 0 : i32
          %dma_wait3A_127 = tpu.memref_slice %arg10[%dma_wait3A_125, %dma_wait3A_126] : memref<10240x128xf32, #tpu.memory_space<vmem_shared>> -> memref<10240x128xf32, #tpu.memory_space<vmem_shared>>
          tpu.wait_indirect_dma semaphore(%arg12 : memref<!tpu.dma_semaphore, #tpu.memory_space<semaphore_mem>>) src(%dma_wait3A_121 : memref<128x128xf32, #tpu.memory_space<vmem>>) dst(%dma_wait3A_127 : memref<10240x128xf32, #tpu.memory_space<vmem_shared>>)
        } else {
        }
        %run_scoped3A = arith.constant 0 : i32
        "tpu.region"() ({
          %run_scoped3A_116 = tpu.sem_alloc : memref<!tpu.dma_semaphore, #tpu.memory_space<semaphore_mem>>
          %dma_start3A_117 = arith.constant 0 : i32
          %dma_start3A_118 = arith.constant 0 : i32
          %dma_start3A_119 = tpu.memref_slice %arg9[%run_scoped3A, %dma_start3A_117, %dma_start3A_118] : memref<2x128x128xf32, #tpu.memory_space<vmem>> -> memref<1x128x128xf32, #tpu.memory_space<vmem>>
          %dma_start3A_120 = tpu.memref_squeeze %dma_start3A_119 : memref<1x128x128xf32, #tpu.memory_space<vmem>> -> memref<128x128xf32, #tpu.memory_space<vmem>>
          %dma_start3A_121 = arith.constant 0 : i32
          %dma_start3A_122 = tpu.memref_slice %arg7[%add3A_80, %dma_start3A_121] : memref<40x128xi32, #tpu.memory_space<vmem>> -> memref<1x128xi32, #tpu.memory_space<vmem>>
          %dma_start3A_123 = tpu.memref_squeeze %dma_start3A_122 : memref<1x128xi32, #tpu.memory_space<vmem>> -> memref<128xi32, #tpu.memory_space<vmem>>
          %dma_start3A_124 = arith.constant 0 : i32
          %dma_start3A_125 = arith.constant 0 : i32
          %dma_start3A_126 = tpu.memref_slice %arg2[%dma_start3A_124, %dma_start3A_125] : memref<10000x128xf32, #tpu.memory_space<hbm>> -> memref<10000x128xf32, #tpu.memory_space<hbm>>
          tpu.enqueue_indirect_dma source(%dma_start3A_126 : memref<10000x128xf32, #tpu.memory_space<hbm>>) target(%dma_start3A_120 : memref<128x128xf32, #tpu.memory_space<vmem>>) offsets(%dma_start3A_123 : memref<128xi32, #tpu.memory_space<vmem>>) semaphore(%run_scoped3A_116 : memref<!tpu.dma_semaphore, #tpu.memory_space<semaphore_mem>>)
          %dma_wait3A_127 = arith.constant 0 : i32
          %dma_wait3A_128 = arith.constant 0 : i32
          %dma_wait3A_129 = tpu.memref_slice %arg9[%run_scoped3A, %dma_wait3A_127, %dma_wait3A_128] : memref<2x128x128xf32, #tpu.memory_space<vmem>> -> memref<1x128x128xf32, #tpu.memory_space<vmem>>
          %dma_wait3A_130 = tpu.memref_squeeze %dma_wait3A_129 : memref<1x128x128xf32, #tpu.memory_space<vmem>> -> memref<128x128xf32, #tpu.memory_space<vmem>>
          %dma_wait3A_131 = arith.constant 0 : i32
          %dma_wait3A_132 = tpu.memref_slice %arg7[%add3A_80, %dma_wait3A_131] : memref<40x128xi32, #tpu.memory_space<vmem>> -> memref<1x128xi32, #tpu.memory_space<vmem>>
          %dma_wait3A_133 = tpu.memref_squeeze %dma_wait3A_132 : memref<1x128xi32, #tpu.memory_space<vmem>> -> memref<128xi32, #tpu.memory_space<vmem>>
          %dma_wait3A_134 = arith.constant 0 : i32
          %dma_wait3A_135 = arith.constant 0 : i32
          %dma_wait3A_136 = tpu.memref_slice %arg2[%dma_wait3A_134, %dma_wait3A_135] : memref<10000x128xf32, #tpu.memory_space<hbm>> -> memref<10000x128xf32, #tpu.memory_space<hbm>>
          tpu.wait_indirect_dma semaphore(%run_scoped3A_116 : memref<!tpu.dma_semaphore, #tpu.memory_space<semaphore_mem>>) src(%dma_wait3A_136 : memref<10000x128xf32, #tpu.memory_space<hbm>>) dst(%dma_wait3A_130 : memref<128x128xf32, #tpu.memory_space<vmem>>)
          tpu.yield
        }) : () -> ()
        %dma_start3A = arith.constant 0 : i32
        %dma_start3A_85 = arith.constant 0 : i32
        %dma_start3A_86 = arith.constant 0 : i32
        %dma_start3A_87 = tpu.memref_slice %arg9[%dma_start3A, %dma_start3A_85, %dma_start3A_86] : memref<2x128x128xf32, #tpu.memory_space<vmem>> -> memref<1x128x128xf32, #tpu.memory_space<vmem>>
        %dma_start3A_88 = tpu.memref_squeeze %dma_start3A_87 : memref<1x128x128xf32, #tpu.memory_space<vmem>> -> memref<128x128xf32, #tpu.memory_space<vmem>>
        %dma_start3A_89 = arith.constant 0 : i32
        %dma_start3A_90 = tpu.memref_slice %arg8[%add3A_80, %dma_start3A_89] : memref<40x128xi32, #tpu.memory_space<vmem>> -> memref<1x128xi32, #tpu.memory_space<vmem>>
        %dma_start3A_91 = tpu.memref_squeeze %dma_start3A_90 : memref<1x128xi32, #tpu.memory_space<vmem>> -> memref<128xi32, #tpu.memory_space<vmem>>
        %dma_start3A_92 = arith.constant 0 : i32
        %dma_start3A_93 = arith.constant 0 : i32
        %dma_start3A_94 = tpu.memref_slice %arg10[%dma_start3A_92, %dma_start3A_93] : memref<10240x128xf32, #tpu.memory_space<vmem_shared>> -> memref<10240x128xf32, #tpu.memory_space<vmem_shared>>
        tpu.enqueue_indirect_dma source(%dma_start3A_88 : memref<128x128xf32, #tpu.memory_space<vmem>>) target(%dma_start3A_94 : memref<10240x128xf32, #tpu.memory_space<vmem_shared>>) offsets(%dma_start3A_91 : memref<128xi32, #tpu.memory_space<vmem>>) semaphore(%arg12 : memref<!tpu.dma_semaphore, #tpu.memory_space<semaphore_mem>>) {add = true}
        %mul3A_95 = arith.constant 2 : i32
        %mul3A_96 = arith.muli %mul3A_95, %scan3A_76 : i32
        %add3A_97 = arith.constant 1 : i32
        %add3A_98 = arith.addi %mul3A_96, %add3A_97 : i32
        %ge3A_99 = arith.constant 1 : i32
        %ge3A_100 = arith.cmpi sge, %scan3A_76, %ge3A_99 : i32
        %convert_element_type3A_101 = arith.extui %ge3A_100 : i1 to i32
        %cond3A_102 = arith.constant 0 : i32
        %cond3A_103 = arith.cmpi ne, %convert_element_type3A_101, %cond3A_102 : i32
        scf.if %cond3A_103 {
          %dma_wait3A_116 = arith.constant 1 : i32
          %dma_wait3A_117 = arith.constant 0 : i32
          %dma_wait3A_118 = arith.constant 0 : i32
          %dma_wait3A_119 = arith.constant 0 : i32
          %dma_wait3A_120 = tpu.memref_slice %arg9[%dma_wait3A_116, %dma_wait3A_118, %dma_wait3A_119] : memref<2x128x128xf32, #tpu.memory_space<vmem>> -> memref<1x128x128xf32, #tpu.memory_space<vmem>>
          %dma_wait3A_121 = tpu.memref_squeeze %dma_wait3A_120 : memref<1x128x128xf32, #tpu.memory_space<vmem>> -> memref<128x128xf32, #tpu.memory_space<vmem>>
          %dma_wait3A_122 = arith.constant 0 : i32
          %dma_wait3A_123 = tpu.memref_slice %arg8[%dma_wait3A_117, %dma_wait3A_122] : memref<40x128xi32, #tpu.memory_space<vmem>> -> memref<1x128xi32, #tpu.memory_space<vmem>>
          %dma_wait3A_124 = tpu.memref_squeeze %dma_wait3A_123 : memref<1x128xi32, #tpu.memory_space<vmem>> -> memref<128xi32, #tpu.memory_space<vmem>>
          %dma_wait3A_125 = arith.constant 0 : i32
          %dma_wait3A_126 = arith.constant 0 : i32
          %dma_wait3A_127 = tpu.memref_slice %arg10[%dma_wait3A_125, %dma_wait3A_126] : memref<10240x128xf32, #tpu.memory_space<vmem_shared>> -> memref<10240x128xf32, #tpu.memory_space<vmem_shared>>
          tpu.wait_indirect_dma semaphore(%arg12 : memref<!tpu.dma_semaphore, #tpu.memory_space<semaphore_mem>>) src(%dma_wait3A_121 : memref<128x128xf32, #tpu.memory_space<vmem>>) dst(%dma_wait3A_127 : memref<10240x128xf32, #tpu.memory_space<vmem_shared>>)
        } else {
        }
        %run_scoped3A_104 = arith.constant 1 : i32
        "tpu.region"() ({
          %run_scoped3A_116 = tpu.sem_alloc : memref<!tpu.dma_semaphore, #tpu.memory_space<semaphore_mem>>
          %dma_start3A_117 = arith.constant 0 : i32
          %dma_start3A_118 = arith.constant 0 : i32
          %dma_start3A_119 = tpu.memref_slice %arg9[%run_scoped3A_104, %dma_start3A_117, %dma_start3A_118] : memref<2x128x128xf32, #tpu.memory_space<vmem>> -> memref<1x128x128xf32, #tpu.memory_space<vmem>>
          %dma_start3A_120 = tpu.memref_squeeze %dma_start3A_119 : memref<1x128x128xf32, #tpu.memory_space<vmem>> -> memref<128x128xf32, #tpu.memory_space<vmem>>
          %dma_start3A_121 = arith.constant 0 : i32
          %dma_start3A_122 = tpu.memref_slice %arg7[%add3A_98, %dma_start3A_121] : memref<40x128xi32, #tpu.memory_space<vmem>> -> memref<1x128xi32, #tpu.memory_space<vmem>>
          %dma_start3A_123 = tpu.memref_squeeze %dma_start3A_122 : memref<1x128xi32, #tpu.memory_space<vmem>> -> memref<128xi32, #tpu.memory_space<vmem>>
          %dma_start3A_124 = arith.constant 0 : i32
          %dma_start3A_125 = arith.constant 0 : i32
          %dma_start3A_126 = tpu.memref_slice %arg2[%dma_start3A_124, %dma_start3A_125] : memref<10000x128xf32, #tpu.memory_space<hbm>> -> memref<10000x128xf32, #tpu.memory_space<hbm>>
          tpu.enqueue_indirect_dma source(%dma_start3A_126 : memref<10000x128xf32, #tpu.memory_space<hbm>>) target(%dma_start3A_120 : memref<128x128xf32, #tpu.memory_space<vmem>>) offsets(%dma_start3A_123 : memref<128xi32, #tpu.memory_space<vmem>>) semaphore(%run_scoped3A_116 : memref<!tpu.dma_semaphore, #tpu.memory_space<semaphore_mem>>)
          %dma_wait3A_127 = arith.constant 0 : i32
          %dma_wait3A_128 = arith.constant 0 : i32
          %dma_wait3A_129 = tpu.memref_slice %arg9[%run_scoped3A_104, %dma_wait3A_127, %dma_wait3A_128] : memref<2x128x128xf32, #tpu.memory_space<vmem>> -> memref<1x128x128xf32, #tpu.memory_space<vmem>>
          %dma_wait3A_130 = tpu.memref_squeeze %dma_wait3A_129 : memref<1x128x128xf32, #tpu.memory_space<vmem>> -> memref<128x128xf32, #tpu.memory_space<vmem>>
          %dma_wait3A_131 = arith.constant 0 : i32
          %dma_wait3A_132 = tpu.memref_slice %arg7[%add3A_98, %dma_wait3A_131] : memref<40x128xi32, #tpu.memory_space<vmem>> -> memref<1x128xi32, #tpu.memory_space<vmem>>
          %dma_wait3A_133 = tpu.memref_squeeze %dma_wait3A_132 : memref<1x128xi32, #tpu.memory_space<vmem>> -> memref<128xi32, #tpu.memory_space<vmem>>
          %dma_wait3A_134 = arith.constant 0 : i32
          %dma_wait3A_135 = arith.constant 0 : i32
          %dma_wait3A_136 = tpu.memref_slice %arg2[%dma_wait3A_134, %dma_wait3A_135] : memref<10000x128xf32, #tpu.memory_space<hbm>> -> memref<10000x128xf32, #tpu.memory_space<hbm>>
          tpu.wait_indirect_dma semaphore(%run_scoped3A_116 : memref<!tpu.dma_semaphore, #tpu.memory_space<semaphore_mem>>) src(%dma_wait3A_136 : memref<10000x128xf32, #tpu.memory_space<hbm>>) dst(%dma_wait3A_130 : memref<128x128xf32, #tpu.memory_space<vmem>>)
          tpu.yield
        }) : () -> ()
        %dma_start3A_105 = arith.constant 1 : i32
        %dma_start3A_106 = arith.constant 0 : i32
        %dma_start3A_107 = arith.constant 0 : i32
        %dma_start3A_108 = tpu.memref_slice %arg9[%dma_start3A_105, %dma_start3A_106, %dma_start3A_107] : memref<2x128x128xf32, #tpu.memory_space<vmem>> -> memref<1x128x128xf32, #tpu.memory_space<vmem>>
        %dma_start3A_109 = tpu.memref_squeeze %dma_start3A_108 : memref<1x128x128xf32, #tpu.memory_space<vmem>> -> memref<128x128xf32, #tpu.memory_space<vmem>>
        %dma_start3A_110 = arith.constant 0 : i32
        %dma_start3A_111 = tpu.memref_slice %arg8[%add3A_98, %dma_start3A_110] : memref<40x128xi32, #tpu.memory_space<vmem>> -> memref<1x128xi32, #tpu.memory_space<vmem>>
        %dma_start3A_112 = tpu.memref_squeeze %dma_start3A_111 : memref<1x128xi32, #tpu.memory_space<vmem>> -> memref<128xi32, #tpu.memory_space<vmem>>
        %dma_start3A_113 = arith.constant 0 : i32
        %dma_start3A_114 = arith.constant 0 : i32
        %dma_start3A_115 = tpu.memref_slice %arg10[%dma_start3A_113, %dma_start3A_114] : memref<10240x128xf32, #tpu.memory_space<vmem_shared>> -> memref<10240x128xf32, #tpu.memory_space<vmem_shared>>
        tpu.enqueue_indirect_dma source(%dma_start3A_109 : memref<128x128xf32, #tpu.memory_space<vmem>>) target(%dma_start3A_115 : memref<10240x128xf32, #tpu.memory_space<vmem_shared>>) offsets(%dma_start3A_112 : memref<128xi32, #tpu.memory_space<vmem>>) semaphore(%arg12 : memref<!tpu.dma_semaphore, #tpu.memory_space<semaphore_mem>>) {add = true}
      }
      %scan3A_51 = arith.constant 20 : i32
      %dma_wait3A_52 = arith.constant 0 : i32
      %dma_wait3A_53 = arith.constant 0 : i32
      %dma_wait3A_54 = arith.constant 0 : i32
      %dma_wait3A_55 = arith.constant 0 : i32
      %dma_wait3A_56 = tpu.memref_slice %arg9[%dma_wait3A_52, %dma_wait3A_54, %dma_wait3A_55] : memref<2x128x128xf32, #tpu.memory_space<vmem>> -> memref<1x128x128xf32, #tpu.memory_space<vmem>>
      %dma_wait3A_57 = tpu.memref_squeeze %dma_wait3A_56 : memref<1x128x128xf32, #tpu.memory_space<vmem>> -> memref<128x128xf32, #tpu.memory_space<vmem>>
      %dma_wait3A_58 = arith.constant 0 : i32
      %dma_wait3A_59 = tpu.memref_slice %arg8[%dma_wait3A_53, %dma_wait3A_58] : memref<40x128xi32, #tpu.memory_space<vmem>> -> memref<1x128xi32, #tpu.memory_space<vmem>>
      %dma_wait3A_60 = tpu.memref_squeeze %dma_wait3A_59 : memref<1x128xi32, #tpu.memory_space<vmem>> -> memref<128xi32, #tpu.memory_space<vmem>>
      %dma_wait3A_61 = arith.constant 0 : i32
      %dma_wait3A_62 = arith.constant 0 : i32
      %dma_wait3A_63 = tpu.memref_slice %arg10[%dma_wait3A_61, %dma_wait3A_62] : memref<10240x128xf32, #tpu.memory_space<vmem_shared>> -> memref<10240x128xf32, #tpu.memory_space<vmem_shared>>
      tpu.wait_indirect_dma semaphore(%arg12 : memref<!tpu.dma_semaphore, #tpu.memory_space<semaphore_mem>>) src(%dma_wait3A_57 : memref<128x128xf32, #tpu.memory_space<vmem>>) dst(%dma_wait3A_63 : memref<10240x128xf32, #tpu.memory_space<vmem_shared>>)
      %dma_wait3A_64 = arith.constant 1 : i32
      %dma_wait3A_65 = arith.constant 0 : i32
      %dma_wait3A_66 = arith.constant 0 : i32
      %dma_wait3A_67 = arith.constant 0 : i32
      %dma_wait3A_68 = tpu.memref_slice %arg9[%dma_wait3A_64, %dma_wait3A_66, %dma_wait3A_67] : memref<2x128x128xf32, #tpu.memory_space<vmem>> -> memref<1x128x128xf32, #tpu.memory_space<vmem>>
      %dma_wait3A_69 = tpu.memref_squeeze %dma_wait3A_68 : memref<1x128x128xf32, #tpu.memory_space<vmem>> -> memref<128x128xf32, #tpu.memory_space<vmem>>
      %dma_wait3A_70 = arith.constant 0 : i32
      %dma_wait3A_71 = tpu.memref_slice %arg8[%dma_wait3A_65, %dma_wait3A_70] : memref<40x128xi32, #tpu.memory_space<vmem>> -> memref<1x128xi32, #tpu.memory_space<vmem>>
      %dma_wait3A_72 = tpu.memref_squeeze %dma_wait3A_71 : memref<1x128xi32, #tpu.memory_space<vmem>> -> memref<128xi32, #tpu.memory_space<vmem>>
      %dma_wait3A_73 = arith.constant 0 : i32
      %dma_wait3A_74 = arith.constant 0 : i32
      %dma_wait3A_75 = tpu.memref_slice %arg10[%dma_wait3A_73, %dma_wait3A_74] : memref<10240x128xf32, #tpu.memory_space<vmem_shared>> -> memref<10240x128xf32, #tpu.memory_space<vmem_shared>>
      tpu.wait_indirect_dma semaphore(%arg12 : memref<!tpu.dma_semaphore, #tpu.memory_space<semaphore_mem>>) src(%dma_wait3A_69 : memref<128x128xf32, #tpu.memory_space<vmem>>) dst(%dma_wait3A_75 : memref<10240x128xf32, #tpu.memory_space<vmem_shared>>)
    } else {
    }
    %eq3A_3 = arith.constant 1 : i32
    %eq3A_4 = arith.cmpi eq, %arg0, %eq3A_3 : i32
    %convert_element_type3A_5 = arith.extui %eq3A_4 : i1 to i32
    %cond3A_6 = arith.constant 0 : i32
    %cond3A_7 = arith.cmpi ne, %convert_element_type3A_5, %cond3A_6 : i32
    scf.if %cond3A_7 {
      %mul3A_9 = arith.constant 80 : i32
      %mul3A_10 = arith.muli %arg1, %mul3A_9 : i32
      %add3A = arith.constant 1280 : i32
      %add3A_11 = arith.addi %add3A, %mul3A_10 : i32
      %add3A_12 = arith.constant 0 : i32
      %add3A_13 = arith.addi %add3A_11, %add3A_12 : i32
      "tpu.region"() ({
        %run_scoped3A = tpu.sem_alloc : memref<!tpu.dma_semaphore, #tpu.memory_space<semaphore_mem>>
        %dma_start3A = arith.constant 0 : i32
        %dma_start3A_78 = arith.constant 0 : i32
        %dma_start3A_79 = tpu.memref_slice %arg7[%dma_start3A, %dma_start3A_78] : memref<40x128xi32, #tpu.memory_space<vmem>> -> memref<40x128xi32, #tpu.memory_space<vmem>>
        %dma_start3A_80 = arith.constant 0 : i32
        %dma_start3A_81 = tpu.memref_slice %arg3[%add3A_13, %dma_start3A_80] : memref<2560x128xi32, #tpu.memory_space<hbm>> -> memref<40x128xi32, #tpu.memory_space<hbm>>
        %dma_start3A_82 = arith.constant 0 : i32
        %dma_start3A_83 = arith.constant 0 : i32
        %dma_start3A_84 = tpu.memref_slice %arg7[%dma_start3A_82, %dma_start3A_83] : memref<40x128xi32, #tpu.memory_space<vmem>> -> memref<40x128xi32, #tpu.memory_space<vmem>>
        %dma_start3A_85 = arith.constant 0 : i32
        %dma_start3A_86 = tpu.memref_slice %arg3[%add3A_13, %dma_start3A_85] : memref<2560x128xi32, #tpu.memory_space<hbm>> -> memref<40x128xi32, #tpu.memory_space<hbm>>
        tpu.enqueue_dma source(%dma_start3A_86 : memref<40x128xi32, #tpu.memory_space<hbm>>) target(%dma_start3A_84 : memref<40x128xi32, #tpu.memory_space<vmem>>) target_semaphore(%run_scoped3A : memref<!tpu.dma_semaphore, #tpu.memory_space<semaphore_mem>>)
        %dma_wait3A_87 = arith.constant 0 : i32
        %dma_wait3A_88 = arith.constant 0 : i32
        %dma_wait3A_89 = tpu.memref_slice %arg7[%dma_wait3A_87, %dma_wait3A_88] : memref<40x128xi32, #tpu.memory_space<vmem>> -> memref<40x128xi32, #tpu.memory_space<vmem>>
        %dma_wait3A_90 = arith.constant 0 : i32
        %dma_wait3A_91 = tpu.memref_slice %arg3[%add3A_13, %dma_wait3A_90] : memref<2560x128xi32, #tpu.memory_space<hbm>> -> memref<40x128xi32, #tpu.memory_space<hbm>>
        %dma_wait3A_92 = arith.constant 0 : i32
        %dma_wait3A_93 = arith.constant 0 : i32
        %dma_wait3A_94 = tpu.memref_slice %arg7[%dma_wait3A_92, %dma_wait3A_93] : memref<40x128xi32, #tpu.memory_space<vmem>> -> memref<40x128xi32, #tpu.memory_space<vmem>>
        %dma_wait3A_95 = arith.constant 0 : i32
        %dma_wait3A_96 = tpu.memref_slice %arg3[%add3A_13, %dma_wait3A_95] : memref<2560x128xi32, #tpu.memory_space<hbm>> -> memref<40x128xi32, #tpu.memory_space<hbm>>
        tpu.wait_dma2 semaphore(%run_scoped3A : memref<!tpu.dma_semaphore, #tpu.memory_space<semaphore_mem>>) src(%dma_wait3A_96 : memref<40x128xi32, #tpu.memory_space<hbm>>) dst(%dma_wait3A_94 : memref<40x128xi32, #tpu.memory_space<vmem>>)
        tpu.yield
      }) : () -> ()
      %add3A_14 = arith.constant 0 : i32
      %add3A_15 = arith.addi %add3A_11, %add3A_14 : i32
      "tpu.region"() ({
        %run_scoped3A = tpu.sem_alloc : memref<!tpu.dma_semaphore, #tpu.memory_space<semaphore_mem>>
        %dma_start3A = arith.constant 0 : i32
        %dma_start3A_78 = arith.constant 0 : i32
        %dma_start3A_79 = tpu.memref_slice %arg8[%dma_start3A, %dma_start3A_78] : memref<40x128xi32, #tpu.memory_space<vmem>> -> memref<40x128xi32, #tpu.memory_space<vmem>>
        %dma_start3A_80 = arith.constant 0 : i32
        %dma_start3A_81 = tpu.memref_slice %arg4[%add3A_15, %dma_start3A_80] : memref<2560x128xi32, #tpu.memory_space<hbm>> -> memref<40x128xi32, #tpu.memory_space<hbm>>
        %dma_start3A_82 = arith.constant 0 : i32
        %dma_start3A_83 = arith.constant 0 : i32
        %dma_start3A_84 = tpu.memref_slice %arg8[%dma_start3A_82, %dma_start3A_83] : memref<40x128xi32, #tpu.memory_space<vmem>> -> memref<40x128xi32, #tpu.memory_space<vmem>>
        %dma_start3A_85 = arith.constant 0 : i32
        %dma_start3A_86 = tpu.memref_slice %arg4[%add3A_15, %dma_start3A_85] : memref<2560x128xi32, #tpu.memory_space<hbm>> -> memref<40x128xi32, #tpu.memory_space<hbm>>
        tpu.enqueue_dma source(%dma_start3A_86 : memref<40x128xi32, #tpu.memory_space<hbm>>) target(%dma_start3A_84 : memref<40x128xi32, #tpu.memory_space<vmem>>) target_semaphore(%run_scoped3A : memref<!tpu.dma_semaphore, #tpu.memory_space<semaphore_mem>>)
        %dma_wait3A_87 = arith.constant 0 : i32
        %dma_wait3A_88 = arith.constant 0 : i32
        %dma_wait3A_89 = tpu.memref_slice %arg8[%dma_wait3A_87, %dma_wait3A_88] : memref<40x128xi32, #tpu.memory_space<vmem>> -> memref<40x128xi32, #tpu.memory_space<vmem>>
        %dma_wait3A_90 = arith.constant 0 : i32
        %dma_wait3A_91 = tpu.memref_slice %arg4[%add3A_15, %dma_wait3A_90] : memref<2560x128xi32, #tpu.memory_space<hbm>> -> memref<40x128xi32, #tpu.memory_space<hbm>>
        %dma_wait3A_92 = arith.constant 0 : i32
        %dma_wait3A_93 = arith.constant 0 : i32
        %dma_wait3A_94 = tpu.memref_slice %arg8[%dma_wait3A_92, %dma_wait3A_93] : memref<40x128xi32, #tpu.memory_space<vmem>> -> memref<40x128xi32, #tpu.memory_space<vmem>>
        %dma_wait3A_95 = arith.constant 0 : i32
        %dma_wait3A_96 = tpu.memref_slice %arg4[%add3A_15, %dma_wait3A_95] : memref<2560x128xi32, #tpu.memory_space<hbm>> -> memref<40x128xi32, #tpu.memory_space<hbm>>
        tpu.wait_dma2 semaphore(%run_scoped3A : memref<!tpu.dma_semaphore, #tpu.memory_space<semaphore_mem>>) src(%dma_wait3A_96 : memref<40x128xi32, #tpu.memory_space<hbm>>) dst(%dma_wait3A_94 : memref<40x128xi32, #tpu.memory_space<vmem>>)
        tpu.yield
      }) : () -> ()
      %scan3A = arith.constant 0 : i32
      %scan3A_16 = arith.constant 0 : i32
      %scan3A_17 = arith.constant 20 : i32
      %scan3A_18 = arith.addi %scan3A_16, %scan3A_17 : i32
      %scan3A_19 = arith.constant 1 : i32
      scf.for %scan3A_78 = %scan3A_16 to %scan3A_18 step %scan3A_19  : i32 {
        %mul3A_79 = arith.constant 2 : i32
        %mul3A_80 = arith.muli %mul3A_79, %scan3A_78 : i32
        %add3A_81 = arith.constant 0 : i32
        %add3A_82 = arith.addi %mul3A_80, %add3A_81 : i32
        %ge3A = arith.constant 1 : i32
        %ge3A_83 = arith.cmpi sge, %scan3A_78, %ge3A : i32
        %convert_element_type3A_84 = arith.extui %ge3A_83 : i1 to i32
        %cond3A_85 = arith.constant 0 : i32
        %cond3A_86 = arith.cmpi ne, %convert_element_type3A_84, %cond3A_85 : i32
        scf.if %cond3A_86 {
          %dma_wait3A_118 = arith.constant 0 : i32
          %dma_wait3A_119 = arith.constant 0 : i32
          %dma_wait3A_120 = arith.constant 0 : i32
          %dma_wait3A_121 = arith.constant 0 : i32
          %dma_wait3A_122 = tpu.memref_slice %arg9[%dma_wait3A_118, %dma_wait3A_120, %dma_wait3A_121] : memref<2x128x128xf32, #tpu.memory_space<vmem>> -> memref<1x128x128xf32, #tpu.memory_space<vmem>>
          %dma_wait3A_123 = tpu.memref_squeeze %dma_wait3A_122 : memref<1x128x128xf32, #tpu.memory_space<vmem>> -> memref<128x128xf32, #tpu.memory_space<vmem>>
          %dma_wait3A_124 = arith.constant 0 : i32
          %dma_wait3A_125 = tpu.memref_slice %arg8[%dma_wait3A_119, %dma_wait3A_124] : memref<40x128xi32, #tpu.memory_space<vmem>> -> memref<1x128xi32, #tpu.memory_space<vmem>>
          %dma_wait3A_126 = tpu.memref_squeeze %dma_wait3A_125 : memref<1x128xi32, #tpu.memory_space<vmem>> -> memref<128xi32, #tpu.memory_space<vmem>>
          %dma_wait3A_127 = arith.constant 0 : i32
          %dma_wait3A_128 = arith.constant 0 : i32
          %dma_wait3A_129 = tpu.memref_slice %arg10[%dma_wait3A_127, %dma_wait3A_128] : memref<10240x128xf32, #tpu.memory_space<vmem_shared>> -> memref<10240x128xf32, #tpu.memory_space<vmem_shared>>
          tpu.wait_indirect_dma semaphore(%arg12 : memref<!tpu.dma_semaphore, #tpu.memory_space<semaphore_mem>>) src(%dma_wait3A_123 : memref<128x128xf32, #tpu.memory_space<vmem>>) dst(%dma_wait3A_129 : memref<10240x128xf32, #tpu.memory_space<vmem_shared>>)
        } else {
        }
        %run_scoped3A = arith.constant 0 : i32
        "tpu.region"() ({
          %run_scoped3A_118 = tpu.sem_alloc : memref<!tpu.dma_semaphore, #tpu.memory_space<semaphore_mem>>
          %dma_start3A_119 = arith.constant 0 : i32
          %dma_start3A_120 = arith.constant 0 : i32
          %dma_start3A_121 = tpu.memref_slice %arg9[%run_scoped3A, %dma_start3A_119, %dma_start3A_120] : memref<2x128x128xf32, #tpu.memory_space<vmem>> -> memref<1x128x128xf32, #tpu.memory_space<vmem>>
          %dma_start3A_122 = tpu.memref_squeeze %dma_start3A_121 : memref<1x128x128xf32, #tpu.memory_space<vmem>> -> memref<128x128xf32, #tpu.memory_space<vmem>>
          %dma_start3A_123 = arith.constant 0 : i32
          %dma_start3A_124 = tpu.memref_slice %arg7[%add3A_82, %dma_start3A_123] : memref<40x128xi32, #tpu.memory_space<vmem>> -> memref<1x128xi32, #tpu.memory_space<vmem>>
          %dma_start3A_125 = tpu.memref_squeeze %dma_start3A_124 : memref<1x128xi32, #tpu.memory_space<vmem>> -> memref<128xi32, #tpu.memory_space<vmem>>
          %dma_start3A_126 = arith.constant 0 : i32
          %dma_start3A_127 = arith.constant 0 : i32
          %dma_start3A_128 = tpu.memref_slice %arg2[%dma_start3A_126, %dma_start3A_127] : memref<10000x128xf32, #tpu.memory_space<hbm>> -> memref<10000x128xf32, #tpu.memory_space<hbm>>
          tpu.enqueue_indirect_dma source(%dma_start3A_128 : memref<10000x128xf32, #tpu.memory_space<hbm>>) target(%dma_start3A_122 : memref<128x128xf32, #tpu.memory_space<vmem>>) offsets(%dma_start3A_125 : memref<128xi32, #tpu.memory_space<vmem>>) semaphore(%run_scoped3A_118 : memref<!tpu.dma_semaphore, #tpu.memory_space<semaphore_mem>>)
          %dma_wait3A_129 = arith.constant 0 : i32
          %dma_wait3A_130 = arith.constant 0 : i32
          %dma_wait3A_131 = tpu.memref_slice %arg9[%run_scoped3A, %dma_wait3A_129, %dma_wait3A_130] : memref<2x128x128xf32, #tpu.memory_space<vmem>> -> memref<1x128x128xf32, #tpu.memory_space<vmem>>
          %dma_wait3A_132 = tpu.memref_squeeze %dma_wait3A_131 : memref<1x128x128xf32, #tpu.memory_space<vmem>> -> memref<128x128xf32, #tpu.memory_space<vmem>>
          %dma_wait3A_133 = arith.constant 0 : i32
          %dma_wait3A_134 = tpu.memref_slice %arg7[%add3A_82, %dma_wait3A_133] : memref<40x128xi32, #tpu.memory_space<vmem>> -> memref<1x128xi32, #tpu.memory_space<vmem>>
          %dma_wait3A_135 = tpu.memref_squeeze %dma_wait3A_134 : memref<1x128xi32, #tpu.memory_space<vmem>> -> memref<128xi32, #tpu.memory_space<vmem>>
          %dma_wait3A_136 = arith.constant 0 : i32
          %dma_wait3A_137 = arith.constant 0 : i32
          %dma_wait3A_138 = tpu.memref_slice %arg2[%dma_wait3A_136, %dma_wait3A_137] : memref<10000x128xf32, #tpu.memory_space<hbm>> -> memref<10000x128xf32, #tpu.memory_space<hbm>>
          tpu.wait_indirect_dma semaphore(%run_scoped3A_118 : memref<!tpu.dma_semaphore, #tpu.memory_space<semaphore_mem>>) src(%dma_wait3A_138 : memref<10000x128xf32, #tpu.memory_space<hbm>>) dst(%dma_wait3A_132 : memref<128x128xf32, #tpu.memory_space<vmem>>)
          tpu.yield
        }) : () -> ()
        %dma_start3A = arith.constant 0 : i32
        %dma_start3A_87 = arith.constant 0 : i32
        %dma_start3A_88 = arith.constant 0 : i32
        %dma_start3A_89 = tpu.memref_slice %arg9[%dma_start3A, %dma_start3A_87, %dma_start3A_88] : memref<2x128x128xf32, #tpu.memory_space<vmem>> -> memref<1x128x128xf32, #tpu.memory_space<vmem>>
        %dma_start3A_90 = tpu.memref_squeeze %dma_start3A_89 : memref<1x128x128xf32, #tpu.memory_space<vmem>> -> memref<128x128xf32, #tpu.memory_space<vmem>>
        %dma_start3A_91 = arith.constant 0 : i32
        %dma_start3A_92 = tpu.memref_slice %arg8[%add3A_82, %dma_start3A_91] : memref<40x128xi32, #tpu.memory_space<vmem>> -> memref<1x128xi32, #tpu.memory_space<vmem>>
        %dma_start3A_93 = tpu.memref_squeeze %dma_start3A_92 : memref<1x128xi32, #tpu.memory_space<vmem>> -> memref<128xi32, #tpu.memory_space<vmem>>
        %dma_start3A_94 = arith.constant 0 : i32
        %dma_start3A_95 = arith.constant 0 : i32
        %dma_start3A_96 = tpu.memref_slice %arg10[%dma_start3A_94, %dma_start3A_95] : memref<10240x128xf32, #tpu.memory_space<vmem_shared>> -> memref<10240x128xf32, #tpu.memory_space<vmem_shared>>
        tpu.enqueue_indirect_dma source(%dma_start3A_90 : memref<128x128xf32, #tpu.memory_space<vmem>>) target(%dma_start3A_96 : memref<10240x128xf32, #tpu.memory_space<vmem_shared>>) offsets(%dma_start3A_93 : memref<128xi32, #tpu.memory_space<vmem>>) semaphore(%arg12 : memref<!tpu.dma_semaphore, #tpu.memory_space<semaphore_mem>>) {add = true}
        %mul3A_97 = arith.constant 2 : i32
        %mul3A_98 = arith.muli %mul3A_97, %scan3A_78 : i32
        %add3A_99 = arith.constant 1 : i32
        %add3A_100 = arith.addi %mul3A_98, %add3A_99 : i32
        %ge3A_101 = arith.constant 1 : i32
        %ge3A_102 = arith.cmpi sge, %scan3A_78, %ge3A_101 : i32
        %convert_element_type3A_103 = arith.extui %ge3A_102 : i1 to i32
        %cond3A_104 = arith.constant 0 : i32
        %cond3A_105 = arith.cmpi ne, %convert_element_type3A_103, %cond3A_104 : i32
        scf.if %cond3A_105 {
          %dma_wait3A_118 = arith.constant 1 : i32
          %dma_wait3A_119 = arith.constant 0 : i32
          %dma_wait3A_120 = arith.constant 0 : i32
          %dma_wait3A_121 = arith.constant 0 : i32
          %dma_wait3A_122 = tpu.memref_slice %arg9[%dma_wait3A_118, %dma_wait3A_120, %dma_wait3A_121] : memref<2x128x128xf32, #tpu.memory_space<vmem>> -> memref<1x128x128xf32, #tpu.memory_space<vmem>>
          %dma_wait3A_123 = tpu.memref_squeeze %dma_wait3A_122 : memref<1x128x128xf32, #tpu.memory_space<vmem>> -> memref<128x128xf32, #tpu.memory_space<vmem>>
          %dma_wait3A_124 = arith.constant 0 : i32
          %dma_wait3A_125 = tpu.memref_slice %arg8[%dma_wait3A_119, %dma_wait3A_124] : memref<40x128xi32, #tpu.memory_space<vmem>> -> memref<1x128xi32, #tpu.memory_space<vmem>>
          %dma_wait3A_126 = tpu.memref_squeeze %dma_wait3A_125 : memref<1x128xi32, #tpu.memory_space<vmem>> -> memref<128xi32, #tpu.memory_space<vmem>>
          %dma_wait3A_127 = arith.constant 0 : i32
          %dma_wait3A_128 = arith.constant 0 : i32
          %dma_wait3A_129 = tpu.memref_slice %arg10[%dma_wait3A_127, %dma_wait3A_128] : memref<10240x128xf32, #tpu.memory_space<vmem_shared>> -> memref<10240x128xf32, #tpu.memory_space<vmem_shared>>
          tpu.wait_indirect_dma semaphore(%arg12 : memref<!tpu.dma_semaphore, #tpu.memory_space<semaphore_mem>>) src(%dma_wait3A_123 : memref<128x128xf32, #tpu.memory_space<vmem>>) dst(%dma_wait3A_129 : memref<10240x128xf32, #tpu.memory_space<vmem_shared>>)
        } else {
        }
        %run_scoped3A_106 = arith.constant 1 : i32
        "tpu.region"() ({
          %run_scoped3A_118 = tpu.sem_alloc : memref<!tpu.dma_semaphore, #tpu.memory_space<semaphore_mem>>
          %dma_start3A_119 = arith.constant 0 : i32
          %dma_start3A_120 = arith.constant 0 : i32
          %dma_start3A_121 = tpu.memref_slice %arg9[%run_scoped3A_106, %dma_start3A_119, %dma_start3A_120] : memref<2x128x128xf32, #tpu.memory_space<vmem>> -> memref<1x128x128xf32, #tpu.memory_space<vmem>>
          %dma_start3A_122 = tpu.memref_squeeze %dma_start3A_121 : memref<1x128x128xf32, #tpu.memory_space<vmem>> -> memref<128x128xf32, #tpu.memory_space<vmem>>
          %dma_start3A_123 = arith.constant 0 : i32
          %dma_start3A_124 = tpu.memref_slice %arg7[%add3A_100, %dma_start3A_123] : memref<40x128xi32, #tpu.memory_space<vmem>> -> memref<1x128xi32, #tpu.memory_space<vmem>>
          %dma_start3A_125 = tpu.memref_squeeze %dma_start3A_124 : memref<1x128xi32, #tpu.memory_space<vmem>> -> memref<128xi32, #tpu.memory_space<vmem>>
          %dma_start3A_126 = arith.constant 0 : i32
          %dma_start3A_127 = arith.constant 0 : i32
          %dma_start3A_128 = tpu.memref_slice %arg2[%dma_start3A_126, %dma_start3A_127] : memref<10000x128xf32, #tpu.memory_space<hbm>> -> memref<10000x128xf32, #tpu.memory_space<hbm>>
          tpu.enqueue_indirect_dma source(%dma_start3A_128 : memref<10000x128xf32, #tpu.memory_space<hbm>>) target(%dma_start3A_122 : memref<128x128xf32, #tpu.memory_space<vmem>>) offsets(%dma_start3A_125 : memref<128xi32, #tpu.memory_space<vmem>>) semaphore(%run_scoped3A_118 : memref<!tpu.dma_semaphore, #tpu.memory_space<semaphore_mem>>)
          %dma_wait3A_129 = arith.constant 0 : i32
          %dma_wait3A_130 = arith.constant 0 : i32
          %dma_wait3A_131 = tpu.memref_slice %arg9[%run_scoped3A_106, %dma_wait3A_129, %dma_wait3A_130] : memref<2x128x128xf32, #tpu.memory_space<vmem>> -> memref<1x128x128xf32, #tpu.memory_space<vmem>>
          %dma_wait3A_132 = tpu.memref_squeeze %dma_wait3A_131 : memref<1x128x128xf32, #tpu.memory_space<vmem>> -> memref<128x128xf32, #tpu.memory_space<vmem>>
          %dma_wait3A_133 = arith.constant 0 : i32
          %dma_wait3A_134 = tpu.memref_slice %arg7[%add3A_100, %dma_wait3A_133] : memref<40x128xi32, #tpu.memory_space<vmem>> -> memref<1x128xi32, #tpu.memory_space<vmem>>
          %dma_wait3A_135 = tpu.memref_squeeze %dma_wait3A_134 : memref<1x128xi32, #tpu.memory_space<vmem>> -> memref<128xi32, #tpu.memory_space<vmem>>
          %dma_wait3A_136 = arith.constant 0 : i32
          %dma_wait3A_137 = arith.constant 0 : i32
          %dma_wait3A_138 = tpu.memref_slice %arg2[%dma_wait3A_136, %dma_wait3A_137] : memref<10000x128xf32, #tpu.memory_space<hbm>> -> memref<10000x128xf32, #tpu.memory_space<hbm>>
          tpu.wait_indirect_dma semaphore(%run_scoped3A_118 : memref<!tpu.dma_semaphore, #tpu.memory_space<semaphore_mem>>) src(%dma_wait3A_138 : memref<10000x128xf32, #tpu.memory_space<hbm>>) dst(%dma_wait3A_132 : memref<128x128xf32, #tpu.memory_space<vmem>>)
          tpu.yield
        }) : () -> ()
        %dma_start3A_107 = arith.constant 1 : i32
        %dma_start3A_108 = arith.constant 0 : i32
        %dma_start3A_109 = arith.constant 0 : i32
        %dma_start3A_110 = tpu.memref_slice %arg9[%dma_start3A_107, %dma_start3A_108, %dma_start3A_109] : memref<2x128x128xf32, #tpu.memory_space<vmem>> -> memref<1x128x128xf32, #tpu.memory_space<vmem>>
        %dma_start3A_111 = tpu.memref_squeeze %dma_start3A_110 : memref<1x128x128xf32, #tpu.memory_space<vmem>> -> memref<128x128xf32, #tpu.memory_space<vmem>>
        %dma_start3A_112 = arith.constant 0 : i32
        %dma_start3A_113 = tpu.memref_slice %arg8[%add3A_100, %dma_start3A_112] : memref<40x128xi32, #tpu.memory_space<vmem>> -> memref<1x128xi32, #tpu.memory_space<vmem>>
        %dma_start3A_114 = tpu.memref_squeeze %dma_start3A_113 : memref<1x128xi32, #tpu.memory_space<vmem>> -> memref<128xi32, #tpu.memory_space<vmem>>
        %dma_start3A_115 = arith.constant 0 : i32
        %dma_start3A_116 = arith.constant 0 : i32
        %dma_start3A_117 = tpu.memref_slice %arg10[%dma_start3A_115, %dma_start3A_116] : memref<10240x128xf32, #tpu.memory_space<vmem_shared>> -> memref<10240x128xf32, #tpu.memory_space<vmem_shared>>
        tpu.enqueue_indirect_dma source(%dma_start3A_111 : memref<128x128xf32, #tpu.memory_space<vmem>>) target(%dma_start3A_117 : memref<10240x128xf32, #tpu.memory_space<vmem_shared>>) offsets(%dma_start3A_114 : memref<128xi32, #tpu.memory_space<vmem>>) semaphore(%arg12 : memref<!tpu.dma_semaphore, #tpu.memory_space<semaphore_mem>>) {add = true}
      }
      %scan3A_20 = arith.constant 20 : i32
      %dma_wait3A = arith.constant 0 : i32
      %dma_wait3A_21 = arith.constant 0 : i32
      %dma_wait3A_22 = arith.constant 0 : i32
      %dma_wait3A_23 = arith.constant 0 : i32
      %dma_wait3A_24 = tpu.memref_slice %arg9[%dma_wait3A, %dma_wait3A_22, %dma_wait3A_23] : memref<2x128x128xf32, #tpu.memory_space<vmem>> -> memref<1x128x128xf32, #tpu.memory_space<vmem>>
      %dma_wait3A_25 = tpu.memref_squeeze %dma_wait3A_24 : memref<1x128x128xf32, #tpu.memory_space<vmem>> -> memref<128x128xf32, #tpu.memory_space<vmem>>
      %dma_wait3A_26 = arith.constant 0 : i32
      %dma_wait3A_27 = tpu.memref_slice %arg8[%dma_wait3A_21, %dma_wait3A_26] : memref<40x128xi32, #tpu.memory_space<vmem>> -> memref<1x128xi32, #tpu.memory_space<vmem>>
      %dma_wait3A_28 = tpu.memref_squeeze %dma_wait3A_27 : memref<1x128xi32, #tpu.memory_space<vmem>> -> memref<128xi32, #tpu.memory_space<vmem>>
      %dma_wait3A_29 = arith.constant 0 : i32
      %dma_wait3A_30 = arith.constant 0 : i32
      %dma_wait3A_31 = tpu.memref_slice %arg10[%dma_wait3A_29, %dma_wait3A_30] : memref<10240x128xf32, #tpu.memory_space<vmem_shared>> -> memref<10240x128xf32, #tpu.memory_space<vmem_shared>>
      tpu.wait_indirect_dma semaphore(%arg12 : memref<!tpu.dma_semaphore, #tpu.memory_space<semaphore_mem>>) src(%dma_wait3A_25 : memref<128x128xf32, #tpu.memory_space<vmem>>) dst(%dma_wait3A_31 : memref<10240x128xf32, #tpu.memory_space<vmem_shared>>)
      %dma_wait3A_32 = arith.constant 1 : i32
      %dma_wait3A_33 = arith.constant 0 : i32
      %dma_wait3A_34 = arith.constant 0 : i32
      %dma_wait3A_35 = arith.constant 0 : i32
      %dma_wait3A_36 = tpu.memref_slice %arg9[%dma_wait3A_32, %dma_wait3A_34, %dma_wait3A_35] : memref<2x128x128xf32, #tpu.memory_space<vmem>> -> memref<1x128x128xf32, #tpu.memory_space<vmem>>
      %dma_wait3A_37 = tpu.memref_squeeze %dma_wait3A_36 : memref<1x128x128xf32, #tpu.memory_space<vmem>> -> memref<128x128xf32, #tpu.memory_space<vmem>>
      %dma_wait3A_38 = arith.constant 0 : i32
      %dma_wait3A_39 = tpu.memref_slice %arg8[%dma_wait3A_33, %dma_wait3A_38] : memref<40x128xi32, #tpu.memory_space<vmem>> -> memref<1x128xi32, #tpu.memory_space<vmem>>
      %dma_wait3A_40 = tpu.memref_squeeze %dma_wait3A_39 : memref<1x128xi32, #tpu.memory_space<vmem>> -> memref<128xi32, #tpu.memory_space<vmem>>
      %dma_wait3A_41 = arith.constant 0 : i32
      %dma_wait3A_42 = arith.constant 0 : i32
      %dma_wait3A_43 = tpu.memref_slice %arg10[%dma_wait3A_41, %dma_wait3A_42] : memref<10240x128xf32, #tpu.memory_space<vmem_shared>> -> memref<10240x128xf32, #tpu.memory_space<vmem_shared>>
      tpu.wait_indirect_dma semaphore(%arg12 : memref<!tpu.dma_semaphore, #tpu.memory_space<semaphore_mem>>) src(%dma_wait3A_37 : memref<128x128xf32, #tpu.memory_space<vmem>>) dst(%dma_wait3A_43 : memref<10240x128xf32, #tpu.memory_space<vmem_shared>>)
      %add3A_44 = arith.constant 40 : i32
      %add3A_45 = arith.addi %add3A_11, %add3A_44 : i32
      "tpu.region"() ({
        %run_scoped3A = tpu.sem_alloc : memref<!tpu.dma_semaphore, #tpu.memory_space<semaphore_mem>>
        %dma_start3A = arith.constant 0 : i32
        %dma_start3A_78 = arith.constant 0 : i32
        %dma_start3A_79 = tpu.memref_slice %arg7[%dma_start3A, %dma_start3A_78] : memref<40x128xi32, #tpu.memory_space<vmem>> -> memref<40x128xi32, #tpu.memory_space<vmem>>
        %dma_start3A_80 = arith.constant 0 : i32
        %dma_start3A_81 = tpu.memref_slice %arg3[%add3A_45, %dma_start3A_80] : memref<2560x128xi32, #tpu.memory_space<hbm>> -> memref<40x128xi32, #tpu.memory_space<hbm>>
        %dma_start3A_82 = arith.constant 0 : i32
        %dma_start3A_83 = arith.constant 0 : i32
        %dma_start3A_84 = tpu.memref_slice %arg7[%dma_start3A_82, %dma_start3A_83] : memref<40x128xi32, #tpu.memory_space<vmem>> -> memref<40x128xi32, #tpu.memory_space<vmem>>
        %dma_start3A_85 = arith.constant 0 : i32
        %dma_start3A_86 = tpu.memref_slice %arg3[%add3A_45, %dma_start3A_85] : memref<2560x128xi32, #tpu.memory_space<hbm>> -> memref<40x128xi32, #tpu.memory_space<hbm>>
        tpu.enqueue_dma source(%dma_start3A_86 : memref<40x128xi32, #tpu.memory_space<hbm>>) target(%dma_start3A_84 : memref<40x128xi32, #tpu.memory_space<vmem>>) target_semaphore(%run_scoped3A : memref<!tpu.dma_semaphore, #tpu.memory_space<semaphore_mem>>)
        %dma_wait3A_87 = arith.constant 0 : i32
        %dma_wait3A_88 = arith.constant 0 : i32
        %dma_wait3A_89 = tpu.memref_slice %arg7[%dma_wait3A_87, %dma_wait3A_88] : memref<40x128xi32, #tpu.memory_space<vmem>> -> memref<40x128xi32, #tpu.memory_space<vmem>>
        %dma_wait3A_90 = arith.constant 0 : i32
        %dma_wait3A_91 = tpu.memref_slice %arg3[%add3A_45, %dma_wait3A_90] : memref<2560x128xi32, #tpu.memory_space<hbm>> -> memref<40x128xi32, #tpu.memory_space<hbm>>
        %dma_wait3A_92 = arith.constant 0 : i32
        %dma_wait3A_93 = arith.constant 0 : i32
        %dma_wait3A_94 = tpu.memref_slice %arg7[%dma_wait3A_92, %dma_wait3A_93] : memref<40x128xi32, #tpu.memory_space<vmem>> -> memref<40x128xi32, #tpu.memory_space<vmem>>
        %dma_wait3A_95 = arith.constant 0 : i32
        %dma_wait3A_96 = tpu.memref_slice %arg3[%add3A_45, %dma_wait3A_95] : memref<2560x128xi32, #tpu.memory_space<hbm>> -> memref<40x128xi32, #tpu.memory_space<hbm>>
        tpu.wait_dma2 semaphore(%run_scoped3A : memref<!tpu.dma_semaphore, #tpu.memory_space<semaphore_mem>>) src(%dma_wait3A_96 : memref<40x128xi32, #tpu.memory_space<hbm>>) dst(%dma_wait3A_94 : memref<40x128xi32, #tpu.memory_space<vmem>>)
        tpu.yield
      }) : () -> ()
      %add3A_46 = arith.constant 40 : i32
      %add3A_47 = arith.addi %add3A_11, %add3A_46 : i32
      "tpu.region"() ({
        %run_scoped3A = tpu.sem_alloc : memref<!tpu.dma_semaphore, #tpu.memory_space<semaphore_mem>>
        %dma_start3A = arith.constant 0 : i32
        %dma_start3A_78 = arith.constant 0 : i32
        %dma_start3A_79 = tpu.memref_slice %arg8[%dma_start3A, %dma_start3A_78] : memref<40x128xi32, #tpu.memory_space<vmem>> -> memref<40x128xi32, #tpu.memory_space<vmem>>
        %dma_start3A_80 = arith.constant 0 : i32
        %dma_start3A_81 = tpu.memref_slice %arg4[%add3A_47, %dma_start3A_80] : memref<2560x128xi32, #tpu.memory_space<hbm>> -> memref<40x128xi32, #tpu.memory_space<hbm>>
        %dma_start3A_82 = arith.constant 0 : i32
        %dma_start3A_83 = arith.constant 0 : i32
        %dma_start3A_84 = tpu.memref_slice %arg8[%dma_start3A_82, %dma_start3A_83] : memref<40x128xi32, #tpu.memory_space<vmem>> -> memref<40x128xi32, #tpu.memory_space<vmem>>
        %dma_start3A_85 = arith.constant 0 : i32
        %dma_start3A_86 = tpu.memref_slice %arg4[%add3A_47, %dma_start3A_85] : memref<2560x128xi32, #tpu.memory_space<hbm>> -> memref<40x128xi32, #tpu.memory_space<hbm>>
        tpu.enqueue_dma source(%dma_start3A_86 : memref<40x128xi32, #tpu.memory_space<hbm>>) target(%dma_start3A_84 : memref<40x128xi32, #tpu.memory_space<vmem>>) target_semaphore(%run_scoped3A : memref<!tpu.dma_semaphore, #tpu.memory_space<semaphore_mem>>)
        %dma_wait3A_87 = arith.constant 0 : i32
        %dma_wait3A_88 = arith.constant 0 : i32
        %dma_wait3A_89 = tpu.memref_slice %arg8[%dma_wait3A_87, %dma_wait3A_88] : memref<40x128xi32, #tpu.memory_space<vmem>> -> memref<40x128xi32, #tpu.memory_space<vmem>>
        %dma_wait3A_90 = arith.constant 0 : i32
        %dma_wait3A_91 = tpu.memref_slice %arg4[%add3A_47, %dma_wait3A_90] : memref<2560x128xi32, #tpu.memory_space<hbm>> -> memref<40x128xi32, #tpu.memory_space<hbm>>
        %dma_wait3A_92 = arith.constant 0 : i32
        %dma_wait3A_93 = arith.constant 0 : i32
        %dma_wait3A_94 = tpu.memref_slice %arg8[%dma_wait3A_92, %dma_wait3A_93] : memref<40x128xi32, #tpu.memory_space<vmem>> -> memref<40x128xi32, #tpu.memory_space<vmem>>
        %dma_wait3A_95 = arith.constant 0 : i32
        %dma_wait3A_96 = tpu.memref_slice %arg4[%add3A_47, %dma_wait3A_95] : memref<2560x128xi32, #tpu.memory_space<hbm>> -> memref<40x128xi32, #tpu.memory_space<hbm>>
        tpu.wait_dma2 semaphore(%run_scoped3A : memref<!tpu.dma_semaphore, #tpu.memory_space<semaphore_mem>>) src(%dma_wait3A_96 : memref<40x128xi32, #tpu.memory_space<hbm>>) dst(%dma_wait3A_94 : memref<40x128xi32, #tpu.memory_space<vmem>>)
        tpu.yield
      }) : () -> ()
      %scan3A_48 = arith.constant 0 : i32
      %scan3A_49 = arith.constant 0 : i32
      %scan3A_50 = arith.constant 20 : i32
      %scan3A_51 = arith.addi %scan3A_49, %scan3A_50 : i32
      %scan3A_52 = arith.constant 1 : i32
      scf.for %scan3A_78 = %scan3A_49 to %scan3A_51 step %scan3A_52  : i32 {
        %mul3A_79 = arith.constant 2 : i32
        %mul3A_80 = arith.muli %mul3A_79, %scan3A_78 : i32
        %add3A_81 = arith.constant 0 : i32
        %add3A_82 = arith.addi %mul3A_80, %add3A_81 : i32
        %ge3A = arith.constant 1 : i32
        %ge3A_83 = arith.cmpi sge, %scan3A_78, %ge3A : i32
        %convert_element_type3A_84 = arith.extui %ge3A_83 : i1 to i32
        %cond3A_85 = arith.constant 0 : i32
        %cond3A_86 = arith.cmpi ne, %convert_element_type3A_84, %cond3A_85 : i32
        scf.if %cond3A_86 {
          %dma_wait3A_118 = arith.constant 0 : i32
          %dma_wait3A_119 = arith.constant 0 : i32
          %dma_wait3A_120 = arith.constant 0 : i32
          %dma_wait3A_121 = arith.constant 0 : i32
          %dma_wait3A_122 = tpu.memref_slice %arg9[%dma_wait3A_118, %dma_wait3A_120, %dma_wait3A_121] : memref<2x128x128xf32, #tpu.memory_space<vmem>> -> memref<1x128x128xf32, #tpu.memory_space<vmem>>
          %dma_wait3A_123 = tpu.memref_squeeze %dma_wait3A_122 : memref<1x128x128xf32, #tpu.memory_space<vmem>> -> memref<128x128xf32, #tpu.memory_space<vmem>>
          %dma_wait3A_124 = arith.constant 0 : i32
          %dma_wait3A_125 = tpu.memref_slice %arg8[%dma_wait3A_119, %dma_wait3A_124] : memref<40x128xi32, #tpu.memory_space<vmem>> -> memref<1x128xi32, #tpu.memory_space<vmem>>
          %dma_wait3A_126 = tpu.memref_squeeze %dma_wait3A_125 : memref<1x128xi32, #tpu.memory_space<vmem>> -> memref<128xi32, #tpu.memory_space<vmem>>
          %dma_wait3A_127 = arith.constant 0 : i32
          %dma_wait3A_128 = arith.constant 0 : i32
          %dma_wait3A_129 = tpu.memref_slice %arg10[%dma_wait3A_127, %dma_wait3A_128] : memref<10240x128xf32, #tpu.memory_space<vmem_shared>> -> memref<10240x128xf32, #tpu.memory_space<vmem_shared>>
          tpu.wait_indirect_dma semaphore(%arg12 : memref<!tpu.dma_semaphore, #tpu.memory_space<semaphore_mem>>) src(%dma_wait3A_123 : memref<128x128xf32, #tpu.memory_space<vmem>>) dst(%dma_wait3A_129 : memref<10240x128xf32, #tpu.memory_space<vmem_shared>>)
        } else {
        }
        %run_scoped3A = arith.constant 0 : i32
        "tpu.region"() ({
          %run_scoped3A_118 = tpu.sem_alloc : memref<!tpu.dma_semaphore, #tpu.memory_space<semaphore_mem>>
          %dma_start3A_119 = arith.constant 0 : i32
          %dma_start3A_120 = arith.constant 0 : i32
          %dma_start3A_121 = tpu.memref_slice %arg9[%run_scoped3A, %dma_start3A_119, %dma_start3A_120] : memref<2x128x128xf32, #tpu.memory_space<vmem>> -> memref<1x128x128xf32, #tpu.memory_space<vmem>>
          %dma_start3A_122 = tpu.memref_squeeze %dma_start3A_121 : memref<1x128x128xf32, #tpu.memory_space<vmem>> -> memref<128x128xf32, #tpu.memory_space<vmem>>
          %dma_start3A_123 = arith.constant 0 : i32
          %dma_start3A_124 = tpu.memref_slice %arg7[%add3A_82, %dma_start3A_123] : memref<40x128xi32, #tpu.memory_space<vmem>> -> memref<1x128xi32, #tpu.memory_space<vmem>>
          %dma_start3A_125 = tpu.memref_squeeze %dma_start3A_124 : memref<1x128xi32, #tpu.memory_space<vmem>> -> memref<128xi32, #tpu.memory_space<vmem>>
          %dma_start3A_126 = arith.constant 0 : i32
          %dma_start3A_127 = arith.constant 0 : i32
          %dma_start3A_128 = tpu.memref_slice %arg2[%dma_start3A_126, %dma_start3A_127] : memref<10000x128xf32, #tpu.memory_space<hbm>> -> memref<10000x128xf32, #tpu.memory_space<hbm>>
          tpu.enqueue_indirect_dma source(%dma_start3A_128 : memref<10000x128xf32, #tpu.memory_space<hbm>>) target(%dma_start3A_122 : memref<128x128xf32, #tpu.memory_space<vmem>>) offsets(%dma_start3A_125 : memref<128xi32, #tpu.memory_space<vmem>>) semaphore(%run_scoped3A_118 : memref<!tpu.dma_semaphore, #tpu.memory_space<semaphore_mem>>)
          %dma_wait3A_129 = arith.constant 0 : i32
          %dma_wait3A_130 = arith.constant 0 : i32
          %dma_wait3A_131 = tpu.memref_slice %arg9[%run_scoped3A, %dma_wait3A_129, %dma_wait3A_130] : memref<2x128x128xf32, #tpu.memory_space<vmem>> -> memref<1x128x128xf32, #tpu.memory_space<vmem>>
          %dma_wait3A_132 = tpu.memref_squeeze %dma_wait3A_131 : memref<1x128x128xf32, #tpu.memory_space<vmem>> -> memref<128x128xf32, #tpu.memory_space<vmem>>
          %dma_wait3A_133 = arith.constant 0 : i32
          %dma_wait3A_134 = tpu.memref_slice %arg7[%add3A_82, %dma_wait3A_133] : memref<40x128xi32, #tpu.memory_space<vmem>> -> memref<1x128xi32, #tpu.memory_space<vmem>>
          %dma_wait3A_135 = tpu.memref_squeeze %dma_wait3A_134 : memref<1x128xi32, #tpu.memory_space<vmem>> -> memref<128xi32, #tpu.memory_space<vmem>>
          %dma_wait3A_136 = arith.constant 0 : i32
          %dma_wait3A_137 = arith.constant 0 : i32
          %dma_wait3A_138 = tpu.memref_slice %arg2[%dma_wait3A_136, %dma_wait3A_137] : memref<10000x128xf32, #tpu.memory_space<hbm>> -> memref<10000x128xf32, #tpu.memory_space<hbm>>
          tpu.wait_indirect_dma semaphore(%run_scoped3A_118 : memref<!tpu.dma_semaphore, #tpu.memory_space<semaphore_mem>>) src(%dma_wait3A_138 : memref<10000x128xf32, #tpu.memory_space<hbm>>) dst(%dma_wait3A_132 : memref<128x128xf32, #tpu.memory_space<vmem>>)
          tpu.yield
        }) : () -> ()
        %dma_start3A = arith.constant 0 : i32
        %dma_start3A_87 = arith.constant 0 : i32
        %dma_start3A_88 = arith.constant 0 : i32
        %dma_start3A_89 = tpu.memref_slice %arg9[%dma_start3A, %dma_start3A_87, %dma_start3A_88] : memref<2x128x128xf32, #tpu.memory_space<vmem>> -> memref<1x128x128xf32, #tpu.memory_space<vmem>>
        %dma_start3A_90 = tpu.memref_squeeze %dma_start3A_89 : memref<1x128x128xf32, #tpu.memory_space<vmem>> -> memref<128x128xf32, #tpu.memory_space<vmem>>
        %dma_start3A_91 = arith.constant 0 : i32
        %dma_start3A_92 = tpu.memref_slice %arg8[%add3A_82, %dma_start3A_91] : memref<40x128xi32, #tpu.memory_space<vmem>> -> memref<1x128xi32, #tpu.memory_space<vmem>>
        %dma_start3A_93 = tpu.memref_squeeze %dma_start3A_92 : memref<1x128xi32, #tpu.memory_space<vmem>> -> memref<128xi32, #tpu.memory_space<vmem>>
        %dma_start3A_94 = arith.constant 0 : i32
        %dma_start3A_95 = arith.constant 0 : i32
        %dma_start3A_96 = tpu.memref_slice %arg10[%dma_start3A_94, %dma_start3A_95] : memref<10240x128xf32, #tpu.memory_space<vmem_shared>> -> memref<10240x128xf32, #tpu.memory_space<vmem_shared>>
        tpu.enqueue_indirect_dma source(%dma_start3A_90 : memref<128x128xf32, #tpu.memory_space<vmem>>) target(%dma_start3A_96 : memref<10240x128xf32, #tpu.memory_space<vmem_shared>>) offsets(%dma_start3A_93 : memref<128xi32, #tpu.memory_space<vmem>>) semaphore(%arg12 : memref<!tpu.dma_semaphore, #tpu.memory_space<semaphore_mem>>) {add = true}
        %mul3A_97 = arith.constant 2 : i32
        %mul3A_98 = arith.muli %mul3A_97, %scan3A_78 : i32
        %add3A_99 = arith.constant 1 : i32
        %add3A_100 = arith.addi %mul3A_98, %add3A_99 : i32
        %ge3A_101 = arith.constant 1 : i32
        %ge3A_102 = arith.cmpi sge, %scan3A_78, %ge3A_101 : i32
        %convert_element_type3A_103 = arith.extui %ge3A_102 : i1 to i32
        %cond3A_104 = arith.constant 0 : i32
        %cond3A_105 = arith.cmpi ne, %convert_element_type3A_103, %cond3A_104 : i32
        scf.if %cond3A_105 {
          %dma_wait3A_118 = arith.constant 1 : i32
          %dma_wait3A_119 = arith.constant 0 : i32
          %dma_wait3A_120 = arith.constant 0 : i32
          %dma_wait3A_121 = arith.constant 0 : i32
          %dma_wait3A_122 = tpu.memref_slice %arg9[%dma_wait3A_118, %dma_wait3A_120, %dma_wait3A_121] : memref<2x128x128xf32, #tpu.memory_space<vmem>> -> memref<1x128x128xf32, #tpu.memory_space<vmem>>
          %dma_wait3A_123 = tpu.memref_squeeze %dma_wait3A_122 : memref<1x128x128xf32, #tpu.memory_space<vmem>> -> memref<128x128xf32, #tpu.memory_space<vmem>>
          %dma_wait3A_124 = arith.constant 0 : i32
          %dma_wait3A_125 = tpu.memref_slice %arg8[%dma_wait3A_119, %dma_wait3A_124] : memref<40x128xi32, #tpu.memory_space<vmem>> -> memref<1x128xi32, #tpu.memory_space<vmem>>
          %dma_wait3A_126 = tpu.memref_squeeze %dma_wait3A_125 : memref<1x128xi32, #tpu.memory_space<vmem>> -> memref<128xi32, #tpu.memory_space<vmem>>
          %dma_wait3A_127 = arith.constant 0 : i32
          %dma_wait3A_128 = arith.constant 0 : i32
          %dma_wait3A_129 = tpu.memref_slice %arg10[%dma_wait3A_127, %dma_wait3A_128] : memref<10240x128xf32, #tpu.memory_space<vmem_shared>> -> memref<10240x128xf32, #tpu.memory_space<vmem_shared>>
          tpu.wait_indirect_dma semaphore(%arg12 : memref<!tpu.dma_semaphore, #tpu.memory_space<semaphore_mem>>) src(%dma_wait3A_123 : memref<128x128xf32, #tpu.memory_space<vmem>>) dst(%dma_wait3A_129 : memref<10240x128xf32, #tpu.memory_space<vmem_shared>>)
        } else {
        }
        %run_scoped3A_106 = arith.constant 1 : i32
        "tpu.region"() ({
          %run_scoped3A_118 = tpu.sem_alloc : memref<!tpu.dma_semaphore, #tpu.memory_space<semaphore_mem>>
          %dma_start3A_119 = arith.constant 0 : i32
          %dma_start3A_120 = arith.constant 0 : i32
          %dma_start3A_121 = tpu.memref_slice %arg9[%run_scoped3A_106, %dma_start3A_119, %dma_start3A_120] : memref<2x128x128xf32, #tpu.memory_space<vmem>> -> memref<1x128x128xf32, #tpu.memory_space<vmem>>
          %dma_start3A_122 = tpu.memref_squeeze %dma_start3A_121 : memref<1x128x128xf32, #tpu.memory_space<vmem>> -> memref<128x128xf32, #tpu.memory_space<vmem>>
          %dma_start3A_123 = arith.constant 0 : i32
          %dma_start3A_124 = tpu.memref_slice %arg7[%add3A_100, %dma_start3A_123] : memref<40x128xi32, #tpu.memory_space<vmem>> -> memref<1x128xi32, #tpu.memory_space<vmem>>
          %dma_start3A_125 = tpu.memref_squeeze %dma_start3A_124 : memref<1x128xi32, #tpu.memory_space<vmem>> -> memref<128xi32, #tpu.memory_space<vmem>>
          %dma_start3A_126 = arith.constant 0 : i32
          %dma_start3A_127 = arith.constant 0 : i32
          %dma_start3A_128 = tpu.memref_slice %arg2[%dma_start3A_126, %dma_start3A_127] : memref<10000x128xf32, #tpu.memory_space<hbm>> -> memref<10000x128xf32, #tpu.memory_space<hbm>>
          tpu.enqueue_indirect_dma source(%dma_start3A_128 : memref<10000x128xf32, #tpu.memory_space<hbm>>) target(%dma_start3A_122 : memref<128x128xf32, #tpu.memory_space<vmem>>) offsets(%dma_start3A_125 : memref<128xi32, #tpu.memory_space<vmem>>) semaphore(%run_scoped3A_118 : memref<!tpu.dma_semaphore, #tpu.memory_space<semaphore_mem>>)
          %dma_wait3A_129 = arith.constant 0 : i32
          %dma_wait3A_130 = arith.constant 0 : i32
          %dma_wait3A_131 = tpu.memref_slice %arg9[%run_scoped3A_106, %dma_wait3A_129, %dma_wait3A_130] : memref<2x128x128xf32, #tpu.memory_space<vmem>> -> memref<1x128x128xf32, #tpu.memory_space<vmem>>
          %dma_wait3A_132 = tpu.memref_squeeze %dma_wait3A_131 : memref<1x128x128xf32, #tpu.memory_space<vmem>> -> memref<128x128xf32, #tpu.memory_space<vmem>>
          %dma_wait3A_133 = arith.constant 0 : i32
          %dma_wait3A_134 = tpu.memref_slice %arg7[%add3A_100, %dma_wait3A_133] : memref<40x128xi32, #tpu.memory_space<vmem>> -> memref<1x128xi32, #tpu.memory_space<vmem>>
          %dma_wait3A_135 = tpu.memref_squeeze %dma_wait3A_134 : memref<1x128xi32, #tpu.memory_space<vmem>> -> memref<128xi32, #tpu.memory_space<vmem>>
          %dma_wait3A_136 = arith.constant 0 : i32
          %dma_wait3A_137 = arith.constant 0 : i32
          %dma_wait3A_138 = tpu.memref_slice %arg2[%dma_wait3A_136, %dma_wait3A_137] : memref<10000x128xf32, #tpu.memory_space<hbm>> -> memref<10000x128xf32, #tpu.memory_space<hbm>>
          tpu.wait_indirect_dma semaphore(%run_scoped3A_118 : memref<!tpu.dma_semaphore, #tpu.memory_space<semaphore_mem>>) src(%dma_wait3A_138 : memref<10000x128xf32, #tpu.memory_space<hbm>>) dst(%dma_wait3A_132 : memref<128x128xf32, #tpu.memory_space<vmem>>)
          tpu.yield
        }) : () -> ()
        %dma_start3A_107 = arith.constant 1 : i32
        %dma_start3A_108 = arith.constant 0 : i32
        %dma_start3A_109 = arith.constant 0 : i32
        %dma_start3A_110 = tpu.memref_slice %arg9[%dma_start3A_107, %dma_start3A_108, %dma_start3A_109] : memref<2x128x128xf32, #tpu.memory_space<vmem>> -> memref<1x128x128xf32, #tpu.memory_space<vmem>>
        %dma_start3A_111 = tpu.memref_squeeze %dma_start3A_110 : memref<1x128x128xf32, #tpu.memory_space<vmem>> -> memref<128x128xf32, #tpu.memory_space<vmem>>
        %dma_start3A_112 = arith.constant 0 : i32
        %dma_start3A_113 = tpu.memref_slice %arg8[%add3A_100, %dma_start3A_112] : memref<40x128xi32, #tpu.memory_space<vmem>> -> memref<1x128xi32, #tpu.memory_space<vmem>>
        %dma_start3A_114 = tpu.memref_squeeze %dma_start3A_113 : memref<1x128xi32, #tpu.memory_space<vmem>> -> memref<128xi32, #tpu.memory_space<vmem>>
        %dma_start3A_115 = arith.constant 0 : i32
        %dma_start3A_116 = arith.constant 0 : i32
        %dma_start3A_117 = tpu.memref_slice %arg10[%dma_start3A_115, %dma_start3A_116] : memref<10240x128xf32, #tpu.memory_space<vmem_shared>> -> memref<10240x128xf32, #tpu.memory_space<vmem_shared>>
        tpu.enqueue_indirect_dma source(%dma_start3A_111 : memref<128x128xf32, #tpu.memory_space<vmem>>) target(%dma_start3A_117 : memref<10240x128xf32, #tpu.memory_space<vmem_shared>>) offsets(%dma_start3A_114 : memref<128xi32, #tpu.memory_space<vmem>>) semaphore(%arg12 : memref<!tpu.dma_semaphore, #tpu.memory_space<semaphore_mem>>) {add = true}
      }
      %scan3A_53 = arith.constant 20 : i32
      %dma_wait3A_54 = arith.constant 0 : i32
      %dma_wait3A_55 = arith.constant 0 : i32
      %dma_wait3A_56 = arith.constant 0 : i32
      %dma_wait3A_57 = arith.constant 0 : i32
      %dma_wait3A_58 = tpu.memref_slice %arg9[%dma_wait3A_54, %dma_wait3A_56, %dma_wait3A_57] : memref<2x128x128xf32, #tpu.memory_space<vmem>> -> memref<1x128x128xf32, #tpu.memory_space<vmem>>
      %dma_wait3A_59 = tpu.memref_squeeze %dma_wait3A_58 : memref<1x128x128xf32, #tpu.memory_space<vmem>> -> memref<128x128xf32, #tpu.memory_space<vmem>>
      %dma_wait3A_60 = arith.constant 0 : i32
      %dma_wait3A_61 = tpu.memref_slice %arg8[%dma_wait3A_55, %dma_wait3A_60] : memref<40x128xi32, #tpu.memory_space<vmem>> -> memref<1x128xi32, #tpu.memory_space<vmem>>
      %dma_wait3A_62 = tpu.memref_squeeze %dma_wait3A_61 : memref<1x128xi32, #tpu.memory_space<vmem>> -> memref<128xi32, #tpu.memory_space<vmem>>
      %dma_wait3A_63 = arith.constant 0 : i32
      %dma_wait3A_64 = arith.constant 0 : i32
      %dma_wait3A_65 = tpu.memref_slice %arg10[%dma_wait3A_63, %dma_wait3A_64] : memref<10240x128xf32, #tpu.memory_space<vmem_shared>> -> memref<10240x128xf32, #tpu.memory_space<vmem_shared>>
      tpu.wait_indirect_dma semaphore(%arg12 : memref<!tpu.dma_semaphore, #tpu.memory_space<semaphore_mem>>) src(%dma_wait3A_59 : memref<128x128xf32, #tpu.memory_space<vmem>>) dst(%dma_wait3A_65 : memref<10240x128xf32, #tpu.memory_space<vmem_shared>>)
      %dma_wait3A_66 = arith.constant 1 : i32
      %dma_wait3A_67 = arith.constant 0 : i32
      %dma_wait3A_68 = arith.constant 0 : i32
      %dma_wait3A_69 = arith.constant 0 : i32
      %dma_wait3A_70 = tpu.memref_slice %arg9[%dma_wait3A_66, %dma_wait3A_68, %dma_wait3A_69] : memref<2x128x128xf32, #tpu.memory_space<vmem>> -> memref<1x128x128xf32, #tpu.memory_space<vmem>>
      %dma_wait3A_71 = tpu.memref_squeeze %dma_wait3A_70 : memref<1x128x128xf32, #tpu.memory_space<vmem>> -> memref<128x128xf32, #tpu.memory_space<vmem>>
      %dma_wait3A_72 = arith.constant 0 : i32
      %dma_wait3A_73 = tpu.memref_slice %arg8[%dma_wait3A_67, %dma_wait3A_72] : memref<40x128xi32, #tpu.memory_space<vmem>> -> memref<1x128xi32, #tpu.memory_space<vmem>>
      %dma_wait3A_74 = tpu.memref_squeeze %dma_wait3A_73 : memref<1x128xi32, #tpu.memory_space<vmem>> -> memref<128xi32, #tpu.memory_space<vmem>>
      %dma_wait3A_75 = arith.constant 0 : i32
      %dma_wait3A_76 = arith.constant 0 : i32
      %dma_wait3A_77 = tpu.memref_slice %arg10[%dma_wait3A_75, %dma_wait3A_76] : memref<10240x128xf32, #tpu.memory_space<vmem_shared>> -> memref<10240x128xf32, #tpu.memory_space<vmem_shared>>
      tpu.wait_indirect_dma semaphore(%arg12 : memref<!tpu.dma_semaphore, #tpu.memory_space<semaphore_mem>>) src(%dma_wait3A_71 : memref<128x128xf32, #tpu.memory_space<vmem>>) dst(%dma_wait3A_77 : memref<10240x128xf32, #tpu.memory_space<vmem_shared>>)
    } else {
    }
    %barrier3A_8 = arith.constant 0 : index
    tpu.barrier barrier_id(%barrier3A_8)
    "tpu.region"() ({
      %run_scoped3A = tpu.sem_alloc : memref<!tpu.dma_semaphore, #tpu.memory_space<semaphore_mem>>
      %dma_start3A = arith.constant 0 : i32
      %dma_start3A_9 = arith.constant 0 : i32
      %dma_start3A_10 = tpu.memref_slice %arg6[%arg0, %dma_start3A, %dma_start3A_9] : memref<2x10240x128xf32, #tpu.memory_space<hbm>> -> memref<1x10240x128xf32, #tpu.memory_space<hbm>>
      %dma_start3A_11 = tpu.memref_squeeze %dma_start3A_10 : memref<1x10240x128xf32, #tpu.memory_space<hbm>> -> memref<10240x128xf32, #tpu.memory_space<hbm>>
      %dma_start3A_12 = arith.constant 0 : i32
      %dma_start3A_13 = tpu.memref_slice %dma_start3A_11[%mul3A_0, %dma_start3A_12] : memref<10240x128xf32, #tpu.memory_space<hbm>> -> memref<640x128xf32, #tpu.memory_space<hbm>>
      %dma_start3A_14 = arith.constant 0 : i32
      %dma_start3A_15 = tpu.memref_slice %arg10[%mul3A_0, %dma_start3A_14] : memref<10240x128xf32, #tpu.memory_space<vmem_shared>> -> memref<640x128xf32, #tpu.memory_space<vmem_shared>>
      tpu.enqueue_dma source(%dma_start3A_15 : memref<640x128xf32, #tpu.memory_space<vmem_shared>>) target(%dma_start3A_13 : memref<640x128xf32, #tpu.memory_space<hbm>>) target_semaphore(%run_scoped3A : memref<!tpu.dma_semaphore, #tpu.memory_space<semaphore_mem>>)
      %dma_wait3A = arith.constant 0 : i32
      %dma_wait3A_16 = arith.constant 0 : i32
      %dma_wait3A_17 = tpu.memref_slice %arg6[%arg0, %dma_wait3A, %dma_wait3A_16] : memref<2x10240x128xf32, #tpu.memory_space<hbm>> -> memref<1x10240x128xf32, #tpu.memory_space<hbm>>
      %dma_wait3A_18 = tpu.memref_squeeze %dma_wait3A_17 : memref<1x10240x128xf32, #tpu.memory_space<hbm>> -> memref<10240x128xf32, #tpu.memory_space<hbm>>
      %dma_wait3A_19 = arith.constant 0 : i32
      %dma_wait3A_20 = tpu.memref_slice %dma_wait3A_18[%mul3A_0, %dma_wait3A_19] : memref<10240x128xf32, #tpu.memory_space<hbm>> -> memref<640x128xf32, #tpu.memory_space<hbm>>
      %dma_wait3A_21 = arith.constant 0 : i32
      %dma_wait3A_22 = tpu.memref_slice %arg10[%mul3A_0, %dma_wait3A_21] : memref<10240x128xf32, #tpu.memory_space<vmem_shared>> -> memref<640x128xf32, #tpu.memory_space<vmem_shared>>
      tpu.wait_dma2 semaphore(%run_scoped3A : memref<!tpu.dma_semaphore, #tpu.memory_space<semaphore_mem>>) src(%dma_wait3A_22 : memref<640x128xf32, #tpu.memory_space<vmem_shared>>) dst(%dma_wait3A_20 : memref<640x128xf32, #tpu.memory_space<hbm>>)
      tpu.yield
    }) : () -> ()
    return
  }
}

module attributes {stable_mosaic.version = 14 : i64} {
  func.func @_t0_body(%arg0: i32, %arg1: memref<1000x128xf32, #tpu.memory_space<vmem>>, %arg2: memref<128x128xf32, #tpu.memory_space<vmem>>, %arg3: memref<1000x128xf32, #tpu.memory_space<vmem>>) attributes {dimension_semantics = [#tpu.dimension_semantics<arbitrary>], iteration_bounds = array<i64: 10>, scalar_prefetch = 0 : i64, scratch_operands = 0 : i64, tpu.core_type = #tpu.core_type<tc>, window_params = [{transform_indices = @transform_0, window_bounds = array<i64: 1000, 128>}, {pipeline_mode = #tpu.pipeline_mode<synchronous>, transform_indices = @transform_1, window_bounds = array<i64: 128, 128>}, {transform_indices = @transform_2, window_bounds = array<i64: 1000, 128>}]} {
    %get3A = arith.constant 0 : index
    %get3A_0 = arith.constant 0 : index
    %get3A_1 = vector.load %arg1[%get3A, %get3A_0] : memref<1000x128xf32, #tpu.memory_space<vmem>>, vector<1000x128xf32>
    %get3A_2 = arith.constant 0 : index
    %get3A_3 = arith.constant 0 : index
    %get3A_4 = vector.load %arg2[%get3A_2, %get3A_3] : memref<128x128xf32, #tpu.memory_space<vmem>>, vector<128x128xf32>
    %dot_general3A = arith.constant dense<0.000000e+00> : vector<1000x128xf32>
    %dot_general3A_5 = tpu.matmul %get3A_1, %get3A_4, %dot_general3A {dimension_numbers = #tpu.dot_dimension_numbers<[1], [0], [0], [1], [0, 0, 1, 1], [], []>, transpose_lhs_hint = false} : vector<1000x128xf32>, vector<128x128xf32>, vector<1000x128xf32> -> vector<1000x128xf32>
    %swap3A = arith.constant 0 : index
    %swap3A_6 = arith.constant 0 : index
    %swap3A_7 = vector.load %arg3[%swap3A, %swap3A_6] : memref<1000x128xf32, #tpu.memory_space<vmem>>, vector<1000x128xf32>
    tpu.vector_store %arg3[%swap3A, %swap3A_6], %dot_general3A_5 {strides = array<i32>} : memref<1000x128xf32, #tpu.memory_space<vmem>>, vector<1000x128xf32>,
    return
  }
  func.func @transform_0(%arg0: i32) -> (i32, i32) {
    %c0_i32 = arith.constant 0 : i32
    %c0_i32_0 = arith.constant 0 : i32
    return %arg0, %c0_i32 : i32, i32
  }
  func.func @transform_1(%arg0: i32) -> (i32, i32) {
    %c0_i32 = arith.constant 0 : i32
    %c0_i32_0 = arith.constant 0 : i32
    %c0_i32_1 = arith.constant 0 : i32
    return %c0_i32, %c0_i32_0 : i32, i32
  }
  func.func @transform_2(%arg0: i32) -> (i32, i32) {
    %c0_i32 = arith.constant 0 : i32
    %c0_i32_0 = arith.constant 0 : i32
    return %arg0, %c0_i32 : i32, i32
  }
}

module attributes {stable_mosaic.version = 14 : i64} {
  func.func @_t1_body(%arg0: i32, %arg1: memref<1000x128xf32, #tpu.memory_space<vmem>>, %arg2: memref<2x1000x1xf32, #tpu.memory_space<vmem>>, %arg3: memref<1000x128xf32, #tpu.memory_space<vmem>>, %arg4: memref<1000x1xf32, #tpu.memory_space<vmem>>) attributes {dimension_semantics = [#tpu.dimension_semantics<arbitrary>], iteration_bounds = array<i64: 10>, scalar_prefetch = 0 : i64, scratch_operands = 0 : i64, tpu.core_type = #tpu.core_type<tc>, window_params = [{transform_indices = @transform_0, window_bounds = array<i64: 1000, 128>}, {transform_indices = @transform_1, window_bounds = array<i64: 2, 1000, 1>}, {transform_indices = @transform_2, window_bounds = array<i64: 1000, 128>}, {transform_indices = @transform_3, window_bounds = array<i64: 1000, 1>}]} {
    %get3A = arith.constant 0 : index
    %get3A_0 = arith.constant 0 : index
    %get3A_1 = arith.constant 0 : index
    %get3A_2 = vector.load %arg2[%get3A, %get3A_0, %get3A_1] : memref<2x1000x1xf32, #tpu.memory_space<vmem>>, vector<1x1000x1xf32>
    %get3A_3 = vector.shape_cast %get3A_2 : vector<1x1000x1xf32> to vector<1000x1xf32>
    %get3A_4 = arith.constant 1 : index
    %get3A_5 = arith.constant 0 : index
    %get3A_6 = arith.constant 0 : index
    %get3A_7 = vector.load %arg2[%get3A_4, %get3A_5, %get3A_6] : memref<2x1000x1xf32, #tpu.memory_space<vmem>>, vector<1x1000x1xf32>
    %get3A_8 = vector.shape_cast %get3A_7 : vector<1x1000x1xf32> to vector<1000x1xf32>
    %add3A = arith.addf %get3A_3, %get3A_8 : vector<1000x1xf32>
    %add3A_9 = arith.constant 1.000000e+00 : f32
    %add3A_10 = vector.broadcast %add3A_9 : f32 to vector<1000x1xf32>
    %add3A_11 = arith.addf %add3A, %add3A_10 : vector<1000x1xf32>
    %rsqrt3A = math.rsqrt %add3A_11 : vector<1000x1xf32>
    %get3A_12 = arith.constant 0 : index
    %get3A_13 = arith.constant 0 : index
    %get3A_14 = vector.load %arg1[%get3A_12, %get3A_13] : memref<1000x128xf32, #tpu.memory_space<vmem>>, vector<1000x128xf32>
    %mul3A = vector.broadcast %rsqrt3A : vector<1000x1xf32> to vector<1000x128xf32>
    %mul3A_15 = arith.mulf %get3A_14, %mul3A : vector<1000x128xf32>
    %swap3A = arith.constant 0 : index
    %swap3A_16 = arith.constant 0 : index
    %swap3A_17 = vector.load %arg3[%swap3A, %swap3A_16] : memref<1000x128xf32, #tpu.memory_space<vmem>>, vector<1000x128xf32>
    tpu.vector_store %arg3[%swap3A, %swap3A_16], %mul3A_15 {strides = array<i32>} : memref<1000x128xf32, #tpu.memory_space<vmem>>, vector<1000x128xf32>,
    %swap3A_18 = arith.constant 0 : index
    %swap3A_19 = arith.constant 0 : index
    %swap3A_20 = vector.load %arg4[%swap3A_18, %swap3A_19] : memref<1000x1xf32, #tpu.memory_space<vmem>>, vector<1000x1xf32>
    tpu.vector_store %arg4[%swap3A_18, %swap3A_19], %rsqrt3A {strides = array<i32>} : memref<1000x1xf32, #tpu.memory_space<vmem>>, vector<1000x1xf32>,
    return
  }
  func.func @transform_0(%arg0: i32) -> (i32, i32) {
    %c0_i32 = arith.constant 0 : i32
    %c0_i32_0 = arith.constant 0 : i32
    return %arg0, %c0_i32 : i32, i32
  }
  func.func @transform_1(%arg0: i32) -> (i32, i32, i32) {
    %c0_i32 = arith.constant 0 : i32
    %c0_i32_0 = arith.constant 0 : i32
    %c0_i32_1 = arith.constant 0 : i32
    return %c0_i32, %arg0, %c0_i32_0 : i32, i32, i32
  }
  func.func @transform_2(%arg0: i32) -> (i32, i32) {
    %c0_i32 = arith.constant 0 : i32
    %c0_i32_0 = arith.constant 0 : i32
    return %arg0, %c0_i32 : i32, i32
  }
  func.func @transform_3(%arg0: i32) -> (i32, i32) {
    %c0_i32 = arith.constant 0 : i32
    %c0_i32_0 = arith.constant 0 : i32
    return %arg0, %c0_i32 : i32, i32
  }
}

module attributes {stable_mosaic.version = 14 : i64} {
  func.func @_t2_body(%arg0: i32, %arg1: memref<2x1000x128xf32, #tpu.memory_space<vmem>>, %arg2: memref<1000x128xf32, #tpu.memory_space<vmem>>, %arg3: memref<1000x1xf32, #tpu.memory_space<vmem>>, %arg4: memref<1x128xf32, #tpu.memory_space<vmem>>, %arg5: memref<128x1xf32, #tpu.memory_space<vmem>>, %arg6: memref<1000x1xf32, #tpu.memory_space<vmem>>) attributes {dimension_semantics = [#tpu.dimension_semantics<arbitrary>], iteration_bounds = array<i64: 10>, scalar_prefetch = 0 : i64, scratch_operands = 0 : i64, tpu.core_type = #tpu.core_type<tc>, window_params = [{transform_indices = @transform_0, window_bounds = array<i64: 2, 1000, 128>}, {transform_indices = @transform_1, window_bounds = array<i64: 1000, 128>}, {transform_indices = @transform_2, window_bounds = array<i64: 1000, 1>}, {pipeline_mode = #tpu.pipeline_mode<synchronous>, transform_indices = @transform_3, window_bounds = array<i64: 1, 128>}, {pipeline_mode = #tpu.pipeline_mode<synchronous>, transform_indices = @transform_4, window_bounds = array<i64: 128, 1>}, {transform_indices = @transform_5, window_bounds = array<i64: 1000, 1>}]} {
    %get3A = arith.constant 0 : index
    %get3A_0 = arith.constant 0 : index
    %get3A_1 = vector.load %arg3[%get3A, %get3A_0] : memref<1000x1xf32, #tpu.memory_space<vmem>>, vector<1000x1xf32>
    %get3A_2 = arith.constant 0 : index
    %get3A_3 = arith.constant 0 : index
    %get3A_4 = arith.constant 0 : index
    %get3A_5 = vector.load %arg1[%get3A_2, %get3A_3, %get3A_4] : memref<2x1000x128xf32, #tpu.memory_space<vmem>>, vector<1x1000x128xf32>
    %get3A_6 = vector.shape_cast %get3A_5 : vector<1x1000x128xf32> to vector<1000x128xf32>
    %get3A_7 = arith.constant 1 : index
    %get3A_8 = arith.constant 0 : index
    %get3A_9 = arith.constant 0 : index
    %get3A_10 = vector.load %arg1[%get3A_7, %get3A_8, %get3A_9] : memref<2x1000x128xf32, #tpu.memory_space<vmem>>, vector<1x1000x128xf32>
    %get3A_11 = vector.shape_cast %get3A_10 : vector<1x1000x128xf32> to vector<1000x128xf32>
    %add3A = arith.addf %get3A_6, %get3A_11 : vector<1000x128xf32>
    %get3A_12 = arith.constant 0 : index
    %get3A_13 = arith.constant 0 : index
    %get3A_14 = vector.load %arg2[%get3A_12, %get3A_13] : memref<1000x128xf32, #tpu.memory_space<vmem>>, vector<1000x128xf32>
    %add3A_15 = arith.addf %add3A, %get3A_14 : vector<1000x128xf32>
    %mul3A = vector.broadcast %get3A_1 : vector<1000x1xf32> to vector<1000x128xf32>
    %mul3A_16 = arith.mulf %add3A_15, %mul3A : vector<1000x128xf32>
    %get3A_17 = arith.constant 0 : index
    %get3A_18 = arith.constant 0 : index
    %get3A_19 = vector.load %arg4[%get3A_17, %get3A_18] : memref<1x128xf32, #tpu.memory_space<vmem>>, vector<1x128xf32>
    %add3A_20 = vector.broadcast %get3A_19 : vector<1x128xf32> to vector<1000x128xf32>
    %add3A_21 = arith.addf %mul3A_16, %add3A_20 : vector<1000x128xf32>
    %max3A = arith.constant 0.000000e+00 : f32
    %max3A_22 = vector.broadcast %max3A : f32 to vector<1000x128xf32>
    %max3A_23 = arith.maximumf %add3A_21, %max3A_22 : vector<1000x128xf32>
    %get3A_24 = arith.constant 0 : index
    %get3A_25 = arith.constant 0 : index
    %get3A_26 = vector.load %arg5[%get3A_24, %get3A_25] : memref<128x1xf32, #tpu.memory_space<vmem>>, vector<128x1xf32>
    %dot_general3A = arith.constant dense<0.000000e+00> : vector<1000x1xf32>
    %dot_general3A_27 = tpu.matmul %max3A_23, %get3A_26, %dot_general3A {dimension_numbers = #tpu.dot_dimension_numbers<[1], [0], [0], [1], [0, 0, 1, 1], [], []>, transpose_lhs_hint = false} : vector<1000x128xf32>, vector<128x1xf32>, vector<1000x1xf32> -> vector<1000x1xf32>
    %mul3A_28 = arith.mulf %dot_general3A_27, %get3A_1 : vector<1000x1xf32>
    %swap3A = arith.constant 0 : index
    %swap3A_29 = arith.constant 0 : index
    %swap3A_30 = vector.load %arg6[%swap3A, %swap3A_29] : memref<1000x1xf32, #tpu.memory_space<vmem>>, vector<1000x1xf32>
    tpu.vector_store %arg6[%swap3A, %swap3A_29], %mul3A_28 {strides = array<i32>} : memref<1000x1xf32, #tpu.memory_space<vmem>>, vector<1000x1xf32>,
    return
  }
  func.func @transform_0(%arg0: i32) -> (i32, i32, i32) {
    %c0_i32 = arith.constant 0 : i32
    %c0_i32_0 = arith.constant 0 : i32
    %c0_i32_1 = arith.constant 0 : i32
    return %c0_i32, %arg0, %c0_i32_0 : i32, i32, i32
  }
  func.func @transform_1(%arg0: i32) -> (i32, i32) {
    %c0_i32 = arith.constant 0 : i32
    %c0_i32_0 = arith.constant 0 : i32
    return %arg0, %c0_i32 : i32, i32
  }
  func.func @transform_2(%arg0: i32) -> (i32, i32) {
    %c0_i32 = arith.constant 0 : i32
    %c0_i32_0 = arith.constant 0 : i32
    return %arg0, %c0_i32 : i32, i32
  }
  func.func @transform_3(%arg0: i32) -> (i32, i32) {
    %c0_i32 = arith.constant 0 : i32
    %c0_i32_0 = arith.constant 0 : i32
    %c0_i32_1 = arith.constant 0 : i32
    return %c0_i32, %c0_i32_0 : i32, i32
  }
  func.func @transform_4(%arg0: i32) -> (i32, i32) {
    %c0_i32 = arith.constant 0 : i32
    %c0_i32_0 = arith.constant 0 : i32
    %c0_i32_1 = arith.constant 0 : i32
    return %c0_i32, %c0_i32_0 : i32, i32
  }
  func.func @transform_5(%arg0: i32) -> (i32, i32) {
    %c0_i32 = arith.constant 0 : i32
    %c0_i32_0 = arith.constant 0 : i32
    return %arg0, %c0_i32 : i32, i32
  }
}

module attributes {stable_mosaic.version = 14 : i64} {
  func.func @_t3_body(%arg0: i32, %arg1: memref<2x1000x1xf32, #tpu.memory_space<vmem>>, %arg2: memref<1000x1xf32, #tpu.memory_space<vmem>>, %arg3: memref<1000x1xf32, #tpu.memory_space<vmem>>, %arg4: memref<1x1xf32, #tpu.memory_space<vmem>>, %arg5: memref<1000x1xf32, #tpu.memory_space<vmem>>) attributes {dimension_semantics = [#tpu.dimension_semantics<arbitrary>], iteration_bounds = array<i64: 10>, scalar_prefetch = 0 : i64, scratch_operands = 0 : i64, tpu.core_type = #tpu.core_type<tc>, window_params = [{transform_indices = @transform_0, window_bounds = array<i64: 2, 1000, 1>}, {transform_indices = @transform_1, window_bounds = array<i64: 1000, 1>}, {transform_indices = @transform_2, window_bounds = array<i64: 1000, 1>}, {pipeline_mode = #tpu.pipeline_mode<synchronous>, transform_indices = @transform_3, window_bounds = array<i64: 1, 1>}, {transform_indices = @transform_4, window_bounds = array<i64: 1000, 1>}]} {
    %get3A = arith.constant 0 : index
    %get3A_0 = arith.constant 0 : index
    %get3A_1 = arith.constant 0 : index
    %get3A_2 = vector.load %arg1[%get3A, %get3A_0, %get3A_1] : memref<2x1000x1xf32, #tpu.memory_space<vmem>>, vector<1x1000x1xf32>
    %get3A_3 = vector.shape_cast %get3A_2 : vector<1x1000x1xf32> to vector<1000x1xf32>
    %get3A_4 = arith.constant 1 : index
    %get3A_5 = arith.constant 0 : index
    %get3A_6 = arith.constant 0 : index
    %get3A_7 = vector.load %arg1[%get3A_4, %get3A_5, %get3A_6] : memref<2x1000x1xf32, #tpu.memory_space<vmem>>, vector<1x1000x1xf32>
    %get3A_8 = vector.shape_cast %get3A_7 : vector<1x1000x1xf32> to vector<1000x1xf32>
    %add3A = arith.addf %get3A_3, %get3A_8 : vector<1000x1xf32>
    %get3A_9 = arith.constant 0 : index
    %get3A_10 = arith.constant 0 : index
    %get3A_11 = vector.load %arg2[%get3A_9, %get3A_10] : memref<1000x1xf32, #tpu.memory_space<vmem>>, vector<1000x1xf32>
    %add3A_12 = arith.addf %add3A, %get3A_11 : vector<1000x1xf32>
    %get3A_13 = arith.constant 0 : index
    %get3A_14 = arith.constant 0 : index
    %get3A_15 = vector.load %arg3[%get3A_13, %get3A_14] : memref<1000x1xf32, #tpu.memory_space<vmem>>, vector<1000x1xf32>
    %mul3A = arith.mulf %add3A_12, %get3A_15 : vector<1000x1xf32>
    %get3A_16 = arith.constant 0 : index
    %get3A_17 = arith.constant 0 : index
    %get3A_18 = vector.load %arg4[%get3A_16, %get3A_17] : memref<1x1xf32, #tpu.memory_space<vmem>>, vector<1x1xf32>
    %add3A_19 = vector.broadcast %get3A_18 : vector<1x1xf32> to vector<1000x1xf32>
    %add3A_20 = arith.addf %mul3A, %add3A_19 : vector<1000x1xf32>
    %logistic3A = arith.negf %add3A_20 : vector<1000x1xf32>
    %logistic3A_21 = math.exp %logistic3A : vector<1000x1xf32>
    %logistic3A_22 = arith.constant 1.000000e+00 : f32
    %logistic3A_23 = vector.broadcast %logistic3A_22 : f32 to vector<1000x1xf32>
    %logistic3A_24 = arith.addf %logistic3A_23, %logistic3A_21 : vector<1000x1xf32>
    %logistic3A_25 = arith.divf %logistic3A_23, %logistic3A_24 : vector<1000x1xf32>
    %swap3A = arith.constant 0 : index
    %swap3A_26 = arith.constant 0 : index
    %swap3A_27 = vector.load %arg5[%swap3A, %swap3A_26] : memref<1000x1xf32, #tpu.memory_space<vmem>>, vector<1000x1xf32>
    tpu.vector_store %arg5[%swap3A, %swap3A_26], %logistic3A_25 {strides = array<i32>} : memref<1000x1xf32, #tpu.memory_space<vmem>>, vector<1000x1xf32>,
    return
  }
  func.func @transform_0(%arg0: i32) -> (i32, i32, i32) {
    %c0_i32 = arith.constant 0 : i32
    %c0_i32_0 = arith.constant 0 : i32
    %c0_i32_1 = arith.constant 0 : i32
    return %c0_i32, %arg0, %c0_i32_0 : i32, i32, i32
  }
  func.func @transform_1(%arg0: i32) -> (i32, i32) {
    %c0_i32 = arith.constant 0 : i32
    %c0_i32_0 = arith.constant 0 : i32
    return %arg0, %c0_i32 : i32, i32
  }
  func.func @transform_2(%arg0: i32) -> (i32, i32) {
    %c0_i32 = arith.constant 0 : i32
    %c0_i32_0 = arith.constant 0 : i32
    return %arg0, %c0_i32 : i32, i32
  }
  func.func @transform_3(%arg0: i32) -> (i32, i32) {
    %c0_i32 = arith.constant 0 : i32
    %c0_i32_0 = arith.constant 0 : i32
    %c0_i32_1 = arith.constant 0 : i32
    return %c0_i32, %c0_i32_0 : i32, i32
  }
  func.func @transform_4(%arg0: i32) -> (i32, i32) {
    %c0_i32 = arith.constant 0 : i32
    %c0_i32_0 = arith.constant 0 : i32
    return %arg0, %c0_i32 : i32, i32
  }
}

</mosaic_0001>

<sc_bundles>
// kernel: kernel.12.cloned.1.call-start
scs
__scs_entry_jumppad:
0x0: {  	(pc) =	sbr.rel $0x88, $3  }
0x1: {  	(tag) =	ssettag $0x0;
	lr =	simm.s32 $0x1  }
0x2: {  	[smem:$0x3F9B] =	sst lr;
	_ =	strace $0xD0000000  }
0x3: {  	_ = 	snop  }
0x4: {  	_ = 	snop  }
0x5: {  	_ = 	snop  }
0x6: {  	_ = 	snop  }
0x7: {  	_ = 	snop  }
__scs_overlays_trampoline_lowered:
0x8: {  	[smem:$0x3FAA] =	sst s0  }
0x9: {  	[smem:$0x3FAB] =	sst s1  }
0xa: {  	[smem:$0x3FAC] =	sst s2  }
0xb: {  	[smem:$0x3FAD] =	sst s3  }
0xc: {  	[smem:$0x3FAE] =	sst s4  }
0xd: {  	[smem:$0x3FAF] =	sst s5  }
0xe: {  	[smem:$0x3FB0] =	sst s6  }
0xf: {  	[smem:$0x3FB1] =	sst s7  }
0x10: {  	[smem:$0x3FB2] =	sst s8  }
0x11: {  	[smem:$0x3FB3] =	sst s9;
	s0 =	simm.s32 @!p0 $0x0  }
0x12: {  	s1 =	sld [smem:$0x3F99];
	s0 =	simm.s32 @p0 $0x1  }
0x13: {  	[smem:$0x3FB4] =	sst s0;
	s0 =	simm.s32 @!p1 $0x0  }
0x14: {  	s2 =	sld [smem:$0x3F98];
	s0 =	simm.s32 @p1 $0x1  }
0x15: {  	[smem:$0x3FB5] =	sst s0;
	s0 =	simm.s32 @!p2 $0x0  }
0x16: {  	s3 =	sld [smem:$0x3FDB];
	s0 =	simm.s32 @p2 $0x1  }
0x17: {  	s4 =	simm.s32 $0x1BF5;
	[smem:$0x3FB7] =	sst s0  }
0x18: {  	s0 =	sld [smem:$0x3F9A];
	_ =	swait.ge [sflag:s4], $0x0  }
0x19: {  	s7 =	sld [smem:$0x3F9B]  }
0x1a: {  	s8 =	sadd.s32 $0xFFFFE003, lr  }
0x1b: {  	s9 =	sadd.s32 $0xFFFFFEF7, lr;
	s5 =	simm.s32 $0xFFFFFFFF;
	p2 =	slt.u32 s8, $0xFFFFF086  }
0x1c: {  	p1 =	slt.u32 s9, $0xF7A;
	s5 =	simm.s32 @!p2 $0x0  }
0x1d: {  	s5 =	simm.s32 @p1 $0x1;
	p0 =	seq.s32 s7, s2  }
0x1e: {  	s7 =	smul.u32 @!p0 $0xF7A, s2;
	p2 =	seq.s32 @!p0 s5, $0x0  }
0x1f: {  	s9 =	smul.u32 $0xF7A, s1;
	s8 =	simm.s32 @!p0 $0x1BF5;
	p2 =	por !p2, p0  }
0x20: {  	[sflag:s8] =	ssyncset.s32 @!p0 $0xFFFFF086;
	s6 =	sadd.s32 @!p0 s3, s7;
	s7 =	simm.s32 @!p0 $0x108  }
0x21: {  	s3 =	sadd.s32 s3, s9;
	s6 =	sadd.s32 @!p0 $0x88, s6;
	s7 =	simm.s32 @p2 $0x1082  }
0x22: {  	[simem:s7], [sflag:s8] =	dma.local @!p0 [hbm:s6], $0xF7A  }
0x23: {  	s9 =	sor.u32 $0xD0000000, s2;
	s6 =	simm.s32 $0x108;
	_ =	swait.ge @!p0 [sflag:s8], $0x0  }
0x24: {  	s3 =	sadd.s32 $0x88, s3;
	s6 =	simm.s32 @!p1 $0x1082;
	[sflag:s4] =	ssyncset.s32 $0xFFFFF086  }
0x25: {  	[simem:s6], [sflag:s4] =	dma.local [hbm:s3], $0xF7A  }
0x26: {  	[smem:$0x3F9B] =	sst s1;
	(tag) =	ssettag s2;
	_ =	strace s9  }
0x27: {  	s1 =	sld [smem:$0x3FAB]  }
0x28: {  	s2 =	sld [smem:$0x3FAC]  }
0x29: {  	s4 =	sld [smem:$0x3FAE]  }
0x2a: {  	p0 =	seq.s32 s5, $0x0;
	s5 =	sld [smem:$0x3FAF]  }
0x2b: {  	s6 =	sld [smem:$0x3FB0]  }
0x2c: {  	s7 =	sld [smem:$0x3FB1]  }
0x2d: {  	s3 =	simm.s32 $0x108;
	s8 =	sld [smem:$0x3FB2]  }
0x2e: {  	s3 =	simm.s32 @!p0 $0x1082;
	s9 =	sld [smem:$0x3FB3]  }
0x2f: {  	lr =	sadd.s32 s0, s3;
	s0 =	sld [smem:$0x3FAA]  }
0x30: {  	s3 =	sld [smem:$0x3FAD]  }
0x31: {  	[smem:$0x3FB6] =	sst s10  }
0x32: {  	s10 =	sld [smem:$0x3FB4];
	_ =	sdelay $0x3  }
0x33: {  	p0 =	seq.s32 s10, $0x1;
	s10 =	sld [smem:$0x3FB6];
	_ =	sdelay $0x3  }
0x34: {  	[smem:$0x3FB6] =	sst s10  }
0x35: {  	s10 =	sld [smem:$0x3FB5];
	_ =	sdelay $0x3  }
0x36: {  	p1 =	seq.s32 s10, $0x1;
	s10 =	sld [smem:$0x3FB6];
	_ =	sdelay $0x3  }
0x37: {  	[smem:$0x3FB6] =	sst s10  }
0x38: {  	s10 =	sld [smem:$0x3FB7]  }
0x39: {  	_ = 	snop;
	(pc) =	sbr.ind lr, $3  }
0x3a: {  	_ = 	snop  }
0x3b: {  	_ = 	snop  }
0x3c: {  	p2 =	seq.s32 s10, $0x1;
	s10 =	sld [smem:$0x3FB6]  }
0x3d: {  	_ =	shalt  }
0x3e: {  	_ =	shalt  }
0x3f: {  	_ =	shalt  }
0x40: {  	_ =	shalt  }
0x41: {  	_ =	shalt  }
0x42: {  	_ =	shalt  }
0x43: {  	_ =	shalt  }
0x44: {  	_ =	shalt  }
0x45: {  	_ =	shalt  }
0x46: {  	_ =	shalt  }
0x47: {  	_ =	shalt  }
0x48: {  	_ =	shalt  }
0x49: {  	_ =	shalt  }
0x4a: {  	_ =	shalt  }
0x4b: {  	_ =	shalt  }
0x4c: {  	_ =	shalt  }
0x4d: {  	_ =	shalt  }
0x4e: {  	_ =	shalt  }
0x4f: {  	_ =	shalt  }
0x50: {  	_ =	shalt  }
0x51: {  	_ =	shalt  }
0x52: {  	_ =	shalt  }
0x53: {  	_ =	shalt  }
0x54: {  	_ =	shalt  }
0x55: {  	_ =	shalt  }
0x56: {  	_ =	shalt  }
0x57: {  	_ =	shalt  }
0x58: {  	_ =	shalt  }
0x59: {  	_ =	shalt  }
0x5a: {  	_ =	shalt  }
0x5b: {  	_ =	shalt  }
0x5c: {  	_ =	shalt  }
0x5d: {  	_ =	shalt  }
0x5e: {  	_ =	shalt  }
0x5f: {  	_ =	shalt  }
0x60: {  	_ =	shalt  }
0x61: {  	_ =	shalt  }
0x62: {  	_ =	shalt  }
0x63: {  	_ =	shalt  }
0x64: {  	_ =	shalt  }
0x65: {  	_ =	shalt  }
0x66: {  	_ =	shalt  }
0x67: {  	_ =	shalt  }
0x68: {  	_ =	shalt  }
0x69: {  	_ =	shalt  }
0x6a: {  	_ =	shalt  }
0x6b: {  	_ =	shalt  }
0x6c: {  	_ =	shalt  }
0x6d: {  	_ =	shalt  }
0x6e: {  	_ =	shalt  }
0x6f: {  	_ =	shalt  }
0x70: {  	_ =	shalt  }
0x71: {  	_ =	shalt  }
0x72: {  	_ =	shalt  }
0x73: {  	_ =	shalt  }
0x74: {  	_ =	shalt  }
0x75: {  	_ =	shalt  }
0x76: {  	_ =	shalt  }
0x77: {  	_ =	shalt  }
0x78: {  	_ =	shalt  }
0x79: {  	_ =	shalt  }
0x7a: {  	_ =	shalt  }
0x7b: {  	_ =	shalt  }
0x7c: {  	_ =	shalt  }
0x7d: {  	_ =	shalt  }
0x7e: {  	_ =	shalt  }
0x7f: {  	_ =	shalt  }
0x80: {  	_ =	shalt  }
0x81: {  	_ =	shalt  }
0x82: {  	_ =	shalt  }
0x83: {  	_ =	shalt  }
0x84: {  	_ =	shalt  }
0x85: {  	_ =	shalt  }
0x86: {  	_ =	shalt  }
0x87: {  	_ =	shalt  }
.Lfunc_end0:
.L_simem_size_0:
called_computation.1_lowered:
.L_overlay_start_0:
0x88: {  	s2 =	sld [smem:$0x3FD9]  }
0x89: {  	s3 =	sld [smem:$0x3FFE];
	_ =	sdelay $0x1  }
0x8a: {  	s1 =	srdreg.scid  }
0x8b: {  	s0 =	sand.u32 $0x1, s1  }
0x8c: {  	s16 =	sshll.u32 s0, $0xA;
	s2 =	sadd.s32 s3, s2  }
0x8d: {  	s2 =	sadd.s32 s2, s16  }
0x8e: {  	[smem:$0x3FC2] =	sst s2  }
0x8f: {  	_ = 	snop  }
0x90: {  	(tm) =	ssettm $0x1  }
0x91: {  	s17 =	sld [smem:$0x3FFB];
	_ =	sdelay $0x3  }
0x92: {  	_ =	strace s17  }
0x93: {  	s2 =	sld [smem:$0x3FFC];
	_ =	sdelay $0x3  }
0x94: {  	_ =	strace s2  }
0x95: {  	s2 =	sld [smem:$0x3FFD];
	_ =	sdelay $0x3  }
0x96: {  	_ =	strace s2  }
0x97: {  	_ =	strace $0x8FFFFFFF  }
0x98: {  	s18 =	sld [smem:$0x3FDB];
	_ =	sdelay $0x1  }
0x99: {  	s19 =	simm.s32 $_scs_section_size  }
0x9a: {  	s4 =	simm.s32 $_size__tile_overlayer_lowered;
	s5 =	simm.s32 $_tile_overlayer_lowered  }
0x9b: {  	s22 =	simm.s32 $0x1BFF;
	s21 =	sshll.u32 s5, $0x1;
	s2 =	sadd.s32 s19, s18  }
0x9c: {  	s6 =	simm.s32 $0x0;
	s20 =	sshll.u32 s4, $0x1;
	s4 =	sadd.s32 s21, s2  }
0x9d: {  	[timem:s6], [sflag:s22] =	dma.local [hbm:s4], s20  }
0x9e: {  	_ =	swait.ge [sflag:s22], s20  }
0x9f: {  	s3 =	ssub.s32 $0x0, s20;
	[sflag:s22] =	ssyncset.done $0x0  }
0xa0: {  	[sflag:s22] =	ssyncadd.s32 s3;
	_ =	sdelay $0x1  }
0xa1: {  	s23 =	simm.s32 $0x1B8B  }
0xa2: {  	_ =	swait.ge [sflag:s23], $0x1  }
0xa3: {  	[sflag:s23] =	ssyncset.done $0x0  }
0xa4: {  	s25 =	simm.s32 $0x1B8E;
	s24 =	sld [smem:$0x3FFE];
	[sflag:s23] =	ssyncadd.s32 $0xFFFFFFFF  }
0xa5: {  	s26 =	simm.s32 $execute0_lowered;
	[smem:$0x3FD2] =	sst s25  }
0xa6: {  	s4 =	sshll.u32 s26, $0x1;
	_ =	strace $0x80000049;
	[dreg:$0x1] =	wrdreg $0xFFFFFFFF  }
0xa7: {  	s28 =	simm.s32 $_size_execute0_lowered;
	s2 =	sadd.s32 s2, s4;
	[dreg:$0x0] =	wrdreg $0x0  }
0xa8: {  	s4 =	sshll.u32 s28, $0x1;
	[dreg:$0x2] =	wrdreg s2  }
0xa9: {  	[dreg:$0x3] =	wrdreg s4  }
0xaa: {  	[dreg:$0x4] =	wrdreg $0xC0  }
0xab: {  	_ =	task [dreg:s6], $0x5FFFF  }
0xac: {  	[dreg:$0x1] =	wrdreg $0xFFFFFFFF  }
0xad: {  	[dreg:$0x0] =	wrdreg $0x60  }
0xae: {  	[dreg:$0x2] =	wrdreg s24  }
0xaf: {  	[dreg:$0x3] =	wrdreg $0xA8000  }
0xb0: {  	[dreg:$0x4] =	wrdreg $0x9  }
0xb1: {  	_ =	task.clear_ibuf [dreg:s6], $0x5FFFF;
	_ =	strace $0x90000049  }
0xb2: {  	s29 =	simm.s32 $0x9;
	_ =	strace $0x8000004B  }
0xb3: {  	_ =	swait.ge [sflag:s29], $0x1  }
0xb4: {  	[sflag:s29] =	ssyncadd.s32 $0xFFFFFFFF  }
0xb5: {  	_ =	strace $0x9000004B  }
0xb6: {  	_ =	sfence  }
0xb7: {  	s30 =	sld [smem:$0x0];
	_ =	sdelay $0x2  }
0xb8: {  	s31 =	sshll.u32 s1, $0xD;
	s1 =	sshrl.u32 s1, $0x2  }
0xb9: {  	s3 =	sand.u32 $0x4000, s31;
	s1 =	sadd.s32 s1, s30  }
0xba: {  	s0 =	sor.u32 s3, s0;
	s1 =	sshll.u32 s1, $0x11  }
0xbb: {  	s0 =	sor.u32 s1, s0  }
0xbc: {  	s0 =	sadd.s32 $0x8F2B, s0  }
0xbd: {  	[sflag:s0] =	ssyncadd.remote.s32 $0x1  }
0xbe: {  	_ =	sfence.sel $0xFFFF  }
0xbf: {  	[dreg:$0x0] =	wrdreg $0xFFFFFFFF;
	(pc) =	sbr.abs _section_cstart, $3  }
0xc0: {  	[dreg:$0x1] =	wrdreg $0xFFFFFFFF  }
0xc1: {  	_ =	task.clear_ibuf [dreg:s6], $0x2FFFF;
	_ =	strace $0x9FFFFFFF  }
0xc2: {  	(tm) =	ssettm $0x7FFFFFFF  }
0xc3: {  	_ =	shalt  }
tec
execute0_lowered:
.L_overlay_start_1:
0x0: {  	(tag) =	ssettag $0x1  }
0x1: {  	s5 =	rddreg [dreg:$0x0]  }
0x2: {  	s2 =	rddreg [dreg:$0x1]  }
0x3: {  	s0 =	rddreg [dreg:$0x2];
	s3 =	simm.s32 $0x0  }
0x4: {  	s1 =	stileid.u32;
	s4 =	srdreg.scid;
	s20 =	simm.s32 $0x2800  }
0x5: {  	s21 =	simm.s32 $0x6800;
	s22 =	simm.s32 $0x1480;
	s23 =	simm.s32 $0x1  }
0x6: {  	[smem:$0x7FF] =	sst s3;
	s24 =	smul.u32 $0x2800, s1;
	s7 =	sand.u32 $0x1, s4  }
0x7: {  	s4 =	sadd.s32 $0x15A00, s5;
	s13 =	sadd.s32 $0x1400, s5;
	s9 =	smul.u32 $0x50000, s1  }
0x8: {  	s14 =	sadd.s32 $0xB400, s5;
	s29 =	sshll.u32 s1, $0x6;
	s30 =	smul.u32 $0x500, s1  }
0x9: {  	_ =	strace $0x8000004A;
	s6 =	smul.u32 $0x28000, s7;
	s8 =	ssub.s32 $0x2, s7  }
0xa: {  	p0 =	seq.s32 s7, $0x1;
	s10 =	sadd.s32 s24, s5;
	s11 =	sshrl.u32 s8, $0x1  }
0xb: {  	s28 =	sshrl.u32 s9, $0x2;
	s12 =	sshrl.u32 s24, $0x3;
	s7 =	sadd.s32 s13, s30  }
0xc: {  	s15 =	sadd.s32 s6, s5;
	s16 =	ssub.s32 s8, s11;
	s17 =	sadd.s32 s28, s2  }
0xd: {  	s5 =	sadd.s32 $0x3CC00, s10;
	s6 =	sor.u32 $0x1C02, s29;
	s31 =	sadd.s32 $0x280, s12  }
0xe: {  	s8 =	sadd.s32 s14, s30;
	s18 =	sadd.s32 $0x5000, s12;
	s19 =	sadd.s32 $0x5280, s12  }
.Ltmp0:
0xf: {  	s9 =	sadd.s32 s13, s31;
	s10 =	sadd.s32 s14, s31;
	(pc) =	sbr.rel .LBB2_1-.Ltmp0, $4  }
0x10: {  	s11 =	sadd.s32 s13, s18;
	s12 =	sadd.s32 s14, s18;
	s13 =	sadd.s32 s13, s19  }
0x11: {  	s14 =	sadd.s32 s14, s19;
	s25 =	sadd.s32 $0x64C00, s15;
	s15 =	smax.u32 s16, $0x1  }
0x12: {  	s16 =	sshrl.u32 s17, $0x3;
	s17 =	simm.s32 $0x2;
	s18 =	simm.s32 $0x1400  }
0x13: {  	s19 =	simm.s32 $0x80;
	s24 =	sadd.s32 s24, s25;
	s25 =	simm.s32 $0x0  }
.LBB2_11:
0x14: {  	[spmem:s2] =	stream.indirect.scatter.add.f32 [tilespmem:s21], [sflag:$0x1], $0x80, s28, s19, $0xb8;
	[tilespmem:$0x1E800] =	vst v63  }
.LBB2_12:
0x15: {  	_ =	swait.ge [sflag:s23], $0x4000  }
0x16: {  	[sflag:s23] =	ssyncset.done $0x0  }
0x17: {  	[sflag:s23] =	ssyncadd.s32 $0xFFFFC000  }
0x18: {  	_ =	swait.ge [sflag:s23], $0x4000  }
0x19: {  	s25 =	sadd.s32 $0x1, s25;
	[sflag:s23] =	ssyncset.done $0x0  }
0x1a: {  	p1 =	sne.s32 s25, s15;
	[sflag:s23] =	ssyncadd.s32 $0xFFFFC000  }
.Ltmp1:
0x1b: {  	[bflag:$0x0] =	sbarrier.arrive $0xFFFF;
	(pc) =	sbr.rel @!p1 .LBB2_13-.Ltmp1, $4  }
0x1c: {  	[hbm:s24], [sflag:s6] =	dma.local [spmem:s16], $0x2800  }
0x1d: {  	_ =	swait.ge [sflag:s17], $0x2800  }
0x1e: {  	[sflag:s17] =	ssyncset.done $0x0  }
0x1f: {  	[sflag:s17] =	ssyncadd.s32 $0xFFFFD800  }
.LBB2_1:
0x20: {  	[spmem:s16], [sflag:s6] =	dma.local [hbm:s5], $0x2800  }
.Ltmp2:
0x21: {  	_ =	swait.ge [sflag:s17], $0x2800;
	(pc) =	sbr.rel @!p0 .LBB2_2-.Ltmp2, $3  }
0x22: {  	[sflag:s17] =	ssyncset.done $0x0  }
0x23: {  	[sflag:s17] =	ssyncadd.s32 $0xFFFFD800  }
0x24: {  	[bflag:$0x0] =	sbarrier.arrive $0xFFFF;
	_ =	sdelay $0x1  }
0x25: {  	[tilespmem:s3], [sflag:$0x2] =	stream.linear.gather [hbm4b:s11+s3], $0x1400, $0x38;
	[tilespmem:$0x1E800] =	vst v63  }
0x26: {  	_ =	swait.ge [sflag:s17], $0x1400  }
0x27: {  	[sflag:s17] =	ssyncset.done $0x0  }
0x28: {  	[sflag:s17] =	ssyncadd.s32 $0xFFFFEC00  }
0x29: {  	[tilespmem:s18], [sflag:$0x2] =	stream.linear.gather [hbm4b:s12+s3], $0x1400, $0x38;
	[tilespmem:$0x1E800] =	vst v63  }
0x2a: {  	_ =	swait.ge [sflag:s17], $0x1400  }
0x2b: {  	[sflag:s17] =	ssyncset.done $0x0  }
0x2c: {  	[sflag:s17] =	ssyncadd.s32 $0xFFFFEC00  }
0x2d: {  	[tilespmem:s20], [sflag:$0x2] =	stream.indirect.gather [hbm4b:s4+s19], $0x80, s3, s19, $0xb8;
	[tilespmem:$0x1E800] =	vst v63  }
0x2e: {  	_ =	swait.ge [sflag:s17], $0x4000  }
0x2f: {  	[sflag:s17] =	ssyncset.done $0x0  }
0x30: {  	[sflag:s17] =	ssyncadd.s32 $0xFFFFC000  }
0x31: {  	[spmem:s2] =	stream.indirect.scatter.add.f32 [tilespmem:s20], [sflag:$0x1], $0x80, s18, s19, $0xb8;
	[tilespmem:$0x1E800] =	vst v63  }
0x32: {  	_ = 	snop  }
0x33: {  	[tilespmem:s21], [sflag:$0x2] =	stream.indirect.gather [hbm4b:s4+s19], $0x80, s19, s19, $0xb8;
	[tilespmem:$0x1E800] =	vst v63  }
0x34: {  	_ =	swait.ge [sflag:s17], $0x4000  }
0x35: {  	[sflag:s17] =	ssyncset.done $0x0  }
0x36: {  	[sflag:s17] =	ssyncadd.s32 $0xFFFFC000  }
0x37: {  	[spmem:s2] =	stream.indirect.scatter.add.f32 [tilespmem:s21], [sflag:$0x1], $0x80, s22, s19, $0xb8;
	[tilespmem:$0x1E800] =	vst v63  }
0x38: {  	_ =	swait.ge [sflag:s23], $0x4000  }
0x39: {  	[sflag:s23] =	ssyncset.done $0x0  }
0x3a: {  	s26 =	simm.s32 $0x100;
	[sflag:s23] =	ssyncadd.s32 $0xFFFFC000  }
0x3b: {  	[tilespmem:s20], [sflag:$0x2] =	stream.indirect.gather [hbm4b:s4+s19], $0x80, s26, s19, $0xb8;
	[tilespmem:$0x1E800] =	vst v63  }
0x3c: {  	_ =	swait.ge [sflag:s17], $0x4000  }
0x3d: {  	[sflag:s17] =	ssyncset.done $0x0  }
0x3e: {  	s30 =	simm.s32 $0x1500;
	[sflag:s17] =	ssyncadd.s32 $0xFFFFC000  }
0x3f: {  	[spmem:s2] =	stream.indirect.scatter.add.f32 [tilespmem:s20], [sflag:$0x1], $0x80, s30, s19, $0xb8;
	[tilespmem:$0x1E800] =	vst v63  }
0x40: {  	_ =	swait.ge [sflag:s23], $0x4000  }
0x41: {  	[sflag:s23] =	ssyncset.done $0x0  }
0x42: {  	s31 =	simm.s32 $0x180;
	[sflag:s23] =	ssyncadd.s32 $0xFFFFC000  }
0x43: {  	[tilespmem:s21], [sflag:$0x2] =	stream.indirect.gather [hbm4b:s4+s19], $0x80, s31, s19, $0xb8;
	[tilespmem:$0x1E800] =	vst v63  }
0x44: {  	_ =	swait.ge [sflag:s17], $0x4000  }
0x45: {  	[sflag:s17] =	ssyncset.done $0x0  }
0x46: {  	s28 =	simm.s32 $0x1580;
	s26 =	simm.s32 $0xFFFFB800;
	[sflag:s17] =	ssyncadd.s32 $0xFFFFC000  }
.LBB2_8:
0x47: {  	[spmem:s2] =	stream.indirect.scatter.add.f32 [tilespmem:s21], [sflag:$0x1], $0x80, s28, s19, $0xb8;
	[tilespmem:$0x1E800] =	vst v63  }
0x48: {  	s28 =	smov.u32 s26  }
0x49: {  	p1 =	sne.s32 s26, $0xFFFFFC00;
	s26 =	sadd.s32 $0x400, s26;
	_ =	swait.ge [sflag:s23], $0x4000  }
0x4a: {  	s28 =	sshra.s32 s28, $0x2;
	[sflag:s23] =	ssyncset.done $0x0  }
0x4b: {  	s29 =	sadd.s32 $0x1400, s28;
	[sflag:s23] =	ssyncadd.s32 $0xFFFFC000  }
0x4c: {  	[tilespmem:s20], [sflag:$0x2] =	stream.indirect.gather [hbm4b:s4+s19], $0x80, s29, s19, $0xb8;
	[tilespmem:$0x1E800] =	vst v63  }
0x4d: {  	_ =	swait.ge [sflag:s17], $0x4000  }
0x4e: {  	[sflag:s17] =	ssyncset.done $0x0  }
0x4f: {  	s29 =	sadd.s32 $0x2800, s28;
	[sflag:s17] =	ssyncadd.s32 $0xFFFFC000  }
0x50: {  	[spmem:s2] =	stream.indirect.scatter.add.f32 [tilespmem:s20], [sflag:$0x1], $0x80, s29, s19, $0xb8;
	[tilespmem:$0x1E800] =	vst v63  }
0x51: {  	_ =	swait.ge [sflag:s23], $0x4000  }
0x52: {  	[sflag:s23] =	ssyncset.done $0x0  }
.Ltmp3:
0x53: {  	s29 =	sadd.s32 $0x1480, s28;
	[sflag:s23] =	ssyncadd.s32 $0xFFFFC000;
	(pc) =	sbr.rel @p1 .LBB2_8-.Ltmp3, $4  }
0x54: {  	[tilespmem:s21], [sflag:$0x2] =	stream.indirect.gather [hbm4b:s4+s19], $0x80, s29, s19, $0xb8;
	[tilespmem:$0x1E800] =	vst v63  }
0x55: {  	_ =	swait.ge [sflag:s17], $0x4000  }
0x56: {  	[sflag:s17] =	ssyncset.done $0x0  }
0x57: {  	s28 =	sadd.s32 $0x2880, s28;
	[sflag:s17] =	ssyncadd.s32 $0xFFFFC000  }
0x58: {  	[spmem:s2] =	stream.indirect.scatter.add.f32 [tilespmem:s21], [sflag:$0x1], $0x80, s28, s19, $0xb8;
	[tilespmem:$0x1E800] =	vst v63  }
0x59: {  	_ =	swait.ge [sflag:s23], $0x4000  }
0x5a: {  	[sflag:s23] =	ssyncset.done $0x0  }
0x5b: {  	[sflag:s23] =	ssyncadd.s32 $0xFFFFC000  }
0x5c: {  	_ =	swait.ge [sflag:s23], $0x4000  }
0x5d: {  	[sflag:s23] =	ssyncset.done $0x0  }
0x5e: {  	[sflag:s23] =	ssyncadd.s32 $0xFFFFC000  }
0x5f: {  	[tilespmem:s3], [sflag:$0x2] =	stream.linear.gather [hbm4b:s13+s3], $0x1400, $0x38;
	[tilespmem:$0x1E800] =	vst v63  }
0x60: {  	_ =	swait.ge [sflag:s17], $0x1400  }
0x61: {  	[sflag:s17] =	ssyncset.done $0x0  }
0x62: {  	[sflag:s17] =	ssyncadd.s32 $0xFFFFEC00  }
0x63: {  	[tilespmem:s18], [sflag:$0x2] =	stream.linear.gather [hbm4b:s14+s3], $0x1400, $0x38;
	[tilespmem:$0x1E800] =	vst v63  }
0x64: {  	_ =	swait.ge [sflag:s17], $0x1400  }
0x65: {  	[sflag:s17] =	ssyncset.done $0x0  }
0x66: {  	[sflag:s17] =	ssyncadd.s32 $0xFFFFEC00  }
0x67: {  	[tilespmem:s20], [sflag:$0x2] =	stream.indirect.gather [hbm4b:s4+s19], $0x80, s3, s19, $0xb8;
	[tilespmem:$0x1E800] =	vst v63  }
0x68: {  	_ =	swait.ge [sflag:s17], $0x4000  }
0x69: {  	[sflag:s17] =	ssyncset.done $0x0  }
0x6a: {  	[sflag:s17] =	ssyncadd.s32 $0xFFFFC000  }
0x6b: {  	[spmem:s2] =	stream.indirect.scatter.add.f32 [tilespmem:s20], [sflag:$0x1], $0x80, s18, s19, $0xb8;
	[tilespmem:$0x1E800] =	vst v63  }
0x6c: {  	_ = 	snop  }
0x6d: {  	[tilespmem:s21], [sflag:$0x2] =	stream.indirect.gather [hbm4b:s4+s19], $0x80, s19, s19, $0xb8;
	[tilespmem:$0x1E800] =	vst v63  }
0x6e: {  	_ =	swait.ge [sflag:s17], $0x4000  }
0x6f: {  	[sflag:s17] =	ssyncset.done $0x0  }
0x70: {  	[sflag:s17] =	ssyncadd.s32 $0xFFFFC000  }
0x71: {  	[spmem:s2] =	stream.indirect.scatter.add.f32 [tilespmem:s21], [sflag:$0x1], $0x80, s22, s19, $0xb8;
	[tilespmem:$0x1E800] =	vst v63  }
0x72: {  	_ =	swait.ge [sflag:s23], $0x4000  }
0x73: {  	[sflag:s23] =	ssyncset.done $0x0  }
0x74: {  	s26 =	simm.s32 $0x100;
	[sflag:s23] =	ssyncadd.s32 $0xFFFFC000  }
0x75: {  	[tilespmem:s20], [sflag:$0x2] =	stream.indirect.gather [hbm4b:s4+s19], $0x80, s26, s19, $0xb8;
	[tilespmem:$0x1E800] =	vst v63  }
0x76: {  	_ =	swait.ge [sflag:s17], $0x4000  }
0x77: {  	[sflag:s17] =	ssyncset.done $0x0  }
0x78: {  	s30 =	simm.s32 $0x1500;
	[sflag:s17] =	ssyncadd.s32 $0xFFFFC000  }
0x79: {  	[spmem:s2] =	stream.indirect.scatter.add.f32 [tilespmem:s20], [sflag:$0x1], $0x80, s30, s19, $0xb8;
	[tilespmem:$0x1E800] =	vst v63  }
0x7a: {  	_ =	swait.ge [sflag:s23], $0x4000  }
0x7b: {  	[sflag:s23] =	ssyncset.done $0x0  }
0x7c: {  	s31 =	simm.s32 $0x180;
	[sflag:s23] =	ssyncadd.s32 $0xFFFFC000  }
0x7d: {  	[tilespmem:s21], [sflag:$0x2] =	stream.indirect.gather [hbm4b:s4+s19], $0x80, s31, s19, $0xb8;
	[tilespmem:$0x1E800] =	vst v63  }
0x7e: {  	_ =	swait.ge [sflag:s17], $0x4000  }
0x7f: {  	[sflag:s17] =	ssyncset.done $0x0  }
0x80: {  	s28 =	simm.s32 $0x1580;
	s26 =	simm.s32 $0xFFFFB800;
	[sflag:s17] =	ssyncadd.s32 $0xFFFFC000  }
.LBB2_10:
0x81: {  	[spmem:s2] =	stream.indirect.scatter.add.f32 [tilespmem:s21], [sflag:$0x1], $0x80, s28, s19, $0xb8;
	[tilespmem:$0x1E800] =	vst v63  }
0x82: {  	s28 =	smov.u32 s26  }
0x83: {  	p1 =	sne.s32 s26, $0xFFFFFC00;
	s26 =	sadd.s32 $0x400, s26;
	_ =	swait.ge [sflag:s23], $0x4000  }
0x84: {  	s28 =	sshra.s32 s28, $0x2;
	[sflag:s23] =	ssyncset.done $0x0  }
0x85: {  	s29 =	sadd.s32 $0x1400, s28;
	[sflag:s23] =	ssyncadd.s32 $0xFFFFC000  }
0x86: {  	[tilespmem:s20], [sflag:$0x2] =	stream.indirect.gather [hbm4b:s4+s19], $0x80, s29, s19, $0xb8;
	[tilespmem:$0x1E800] =	vst v63  }
0x87: {  	_ =	swait.ge [sflag:s17], $0x4000  }
0x88: {  	[sflag:s17] =	ssyncset.done $0x0  }
0x89: {  	s29 =	sadd.s32 $0x2800, s28;
	[sflag:s17] =	ssyncadd.s32 $0xFFFFC000  }
0x8a: {  	[spmem:s2] =	stream.indirect.scatter.add.f32 [tilespmem:s20], [sflag:$0x1], $0x80, s29, s19, $0xb8;
	[tilespmem:$0x1E800] =	vst v63  }
0x8b: {  	_ =	swait.ge [sflag:s23], $0x4000  }
0x8c: {  	[sflag:s23] =	ssyncset.done $0x0  }
.Ltmp4:
0x8d: {  	s29 =	sadd.s32 $0x1480, s28;
	[sflag:s23] =	ssyncadd.s32 $0xFFFFC000;
	(pc) =	sbr.rel @p1 .LBB2_10-.Ltmp4, $4  }
0x8e: {  	[tilespmem:s21], [sflag:$0x2] =	stream.indirect.gather [hbm4b:s4+s19], $0x80, s29, s19, $0xb8;
	[tilespmem:$0x1E800] =	vst v63  }
0x8f: {  	_ =	swait.ge [sflag:s17], $0x4000  }
0x90: {  	[sflag:s17] =	ssyncset.done $0x0  }
0x91: {  	s28 =	sadd.s32 $0x2880, s28;
	[sflag:s17] =	ssyncadd.s32 $0xFFFFC000  }
.Ltmp5:
0x92: {  	_ = 	snop;
	(pc) =	sbr.rel .LBB2_11-.Ltmp5, $1  }
0x93: {  	_ =	sdelay $0x3  }
.LBB2_2:
0x94: {  	[tilespmem:s3], [sflag:$0x2] =	stream.linear.gather [hbm4b:s7+s3], $0x1400, $0x38;
	[tilespmem:$0x1E800] =	vst v63  }
0x95: {  	_ =	swait.ge [sflag:s17], $0x1400  }
0x96: {  	[sflag:s17] =	ssyncset.done $0x0  }
0x97: {  	[sflag:s17] =	ssyncadd.s32 $0xFFFFEC00  }
0x98: {  	[tilespmem:s18], [sflag:$0x2] =	stream.linear.gather [hbm4b:s8+s3], $0x1400, $0x38;
	[tilespmem:$0x1E800] =	vst v63  }
0x99: {  	_ =	swait.ge [sflag:s17], $0x1400  }
0x9a: {  	[sflag:s17] =	ssyncset.done $0x0  }
0x9b: {  	[sflag:s17] =	ssyncadd.s32 $0xFFFFEC00  }
0x9c: {  	[tilespmem:s20], [sflag:$0x2] =	stream.indirect.gather [hbm4b:s4+s19], $0x80, s3, s19, $0xb8;
	[tilespmem:$0x1E800] =	vst v63  }
0x9d: {  	_ =	swait.ge [sflag:s17], $0x4000  }
0x9e: {  	[sflag:s17] =	ssyncset.done $0x0  }
0x9f: {  	[sflag:s17] =	ssyncadd.s32 $0xFFFFC000  }
0xa0: {  	[spmem:s2] =	stream.indirect.scatter.add.f32 [tilespmem:s20], [sflag:$0x1], $0x80, s18, s19, $0xb8;
	[tilespmem:$0x1E800] =	vst v63  }
0xa1: {  	_ = 	snop  }
0xa2: {  	[tilespmem:s21], [sflag:$0x2] =	stream.indirect.gather [hbm4b:s4+s19], $0x80, s19, s19, $0xb8;
	[tilespmem:$0x1E800] =	vst v63  }
0xa3: {  	_ =	swait.ge [sflag:s17], $0x4000  }
0xa4: {  	[sflag:s17] =	ssyncset.done $0x0  }
0xa5: {  	[sflag:s17] =	ssyncadd.s32 $0xFFFFC000  }
0xa6: {  	[spmem:s2] =	stream.indirect.scatter.add.f32 [tilespmem:s21], [sflag:$0x1], $0x80, s22, s19, $0xb8;
	[tilespmem:$0x1E800] =	vst v63  }
0xa7: {  	_ =	swait.ge [sflag:s23], $0x4000  }
0xa8: {  	[sflag:s23] =	ssyncset.done $0x0  }
0xa9: {  	s26 =	simm.s32 $0x100;
	[sflag:s23] =	ssyncadd.s32 $0xFFFFC000  }
0xaa: {  	[tilespmem:s20], [sflag:$0x2] =	stream.indirect.gather [hbm4b:s4+s19], $0x80, s26, s19, $0xb8;
	[tilespmem:$0x1E800] =	vst v63  }
0xab: {  	_ =	swait.ge [sflag:s17], $0x4000  }
0xac: {  	[sflag:s17] =	ssyncset.done $0x0  }
0xad: {  	s30 =	simm.s32 $0x1500;
	[sflag:s17] =	ssyncadd.s32 $0xFFFFC000  }
0xae: {  	[spmem:s2] =	stream.indirect.scatter.add.f32 [tilespmem:s20], [sflag:$0x1], $0x80, s30, s19, $0xb8;
	[tilespmem:$0x1E800] =	vst v63  }
0xaf: {  	_ =	swait.ge [sflag:s23], $0x4000  }
0xb0: {  	[sflag:s23] =	ssyncset.done $0x0  }
0xb1: {  	s31 =	simm.s32 $0x180;
	[sflag:s23] =	ssyncadd.s32 $0xFFFFC000  }
0xb2: {  	[tilespmem:s21], [sflag:$0x2] =	stream.indirect.gather [hbm4b:s4+s19], $0x80, s31, s19, $0xb8;
	[tilespmem:$0x1E800] =	vst v63  }
0xb3: {  	_ =	swait.ge [sflag:s17], $0x4000  }
0xb4: {  	[sflag:s17] =	ssyncset.done $0x0  }
0xb5: {  	s28 =	simm.s32 $0x1580;
	s26 =	simm.s32 $0xFFFFB800;
	[sflag:s17] =	ssyncadd.s32 $0xFFFFC000  }
.LBB2_3:
0xb6: {  	[spmem:s2] =	stream.indirect.scatter.add.f32 [tilespmem:s21], [sflag:$0x1], $0x80, s28, s19, $0xb8;
	[tilespmem:$0x1E800] =	vst v63  }
0xb7: {  	s28 =	smov.u32 s26  }
0xb8: {  	p1 =	sne.s32 s26, $0xFFFFFC00;
	s26 =	sadd.s32 $0x400, s26;
	_ =	swait.ge [sflag:s23], $0x4000  }
0xb9: {  	s28 =	sshra.s32 s28, $0x2;
	[sflag:s23] =	ssyncset.done $0x0  }
0xba: {  	s29 =	sadd.s32 $0x1400, s28;
	[sflag:s23] =	ssyncadd.s32 $0xFFFFC000  }
0xbb: {  	[tilespmem:s20], [sflag:$0x2] =	stream.indirect.gather [hbm4b:s4+s19], $0x80, s29, s19, $0xb8;
	[tilespmem:$0x1E800] =	vst v63  }
0xbc: {  	_ =	swait.ge [sflag:s17], $0x4000  }
0xbd: {  	[sflag:s17] =	ssyncset.done $0x0  }
0xbe: {  	s29 =	sadd.s32 $0x2800, s28;
	[sflag:s17] =	ssyncadd.s32 $0xFFFFC000  }
0xbf: {  	[spmem:s2] =	stream.indirect.scatter.add.f32 [tilespmem:s20], [sflag:$0x1], $0x80, s29, s19, $0xb8;
	[tilespmem:$0x1E800] =	vst v63  }
0xc0: {  	_ =	swait.ge [sflag:s23], $0x4000  }
0xc1: {  	[sflag:s23] =	ssyncset.done $0x0  }
.Ltmp6:
0xc2: {  	s29 =	sadd.s32 $0x1480, s28;
	[sflag:s23] =	ssyncadd.s32 $0xFFFFC000;
	(pc) =	sbr.rel @p1 .LBB2_3-.Ltmp6, $4  }
0xc3: {  	[tilespmem:s21], [sflag:$0x2] =	stream.indirect.gather [hbm4b:s4+s19], $0x80, s29, s19, $0xb8;
	[tilespmem:$0x1E800] =	vst v63  }
0xc4: {  	_ =	swait.ge [sflag:s17], $0x4000  }
0xc5: {  	[sflag:s17] =	ssyncset.done $0x0  }
0xc6: {  	s28 =	sadd.s32 $0x2880, s28;
	[sflag:s17] =	ssyncadd.s32 $0xFFFFC000  }
0xc7: {  	[spmem:s2] =	stream.indirect.scatter.add.f32 [tilespmem:s21], [sflag:$0x1], $0x80, s28, s19, $0xb8;
	[tilespmem:$0x1E800] =	vst v63  }
0xc8: {  	_ =	swait.ge [sflag:s23], $0x4000  }
0xc9: {  	[sflag:s23] =	ssyncset.done $0x0  }
0xca: {  	[sflag:s23] =	ssyncadd.s32 $0xFFFFC000  }
0xcb: {  	_ =	swait.ge [sflag:s23], $0x4000  }
0xcc: {  	[sflag:s23] =	ssyncset.done $0x0  }
0xcd: {  	[sflag:s23] =	ssyncadd.s32 $0xFFFFC000  }
0xce: {  	[tilespmem:s3], [sflag:$0x2] =	stream.linear.gather [hbm4b:s9+s3], $0x1400, $0x38;
	[tilespmem:$0x1E800] =	vst v63  }
0xcf: {  	_ =	swait.ge [sflag:s17], $0x1400  }
0xd0: {  	[sflag:s17] =	ssyncset.done $0x0  }
0xd1: {  	[sflag:s17] =	ssyncadd.s32 $0xFFFFEC00  }
0xd2: {  	[tilespmem:s18], [sflag:$0x2] =	stream.linear.gather [hbm4b:s10+s3], $0x1400, $0x38;
	[tilespmem:$0x1E800] =	vst v63  }
0xd3: {  	_ =	swait.ge [sflag:s17], $0x1400  }
0xd4: {  	[sflag:s17] =	ssyncset.done $0x0  }
0xd5: {  	[sflag:s17] =	ssyncadd.s32 $0xFFFFEC00  }
0xd6: {  	[tilespmem:s20], [sflag:$0x2] =	stream.indirect.gather [hbm4b:s4+s19], $0x80, s3, s19, $0xb8;
	[tilespmem:$0x1E800] =	vst v63  }
0xd7: {  	_ =	swait.ge [sflag:s17], $0x4000  }
0xd8: {  	[sflag:s17] =	ssyncset.done $0x0  }
0xd9: {  	[sflag:s17] =	ssyncadd.s32 $0xFFFFC000  }
0xda: {  	[spmem:s2] =	stream.indirect.scatter.add.f32 [tilespmem:s20], [sflag:$0x1], $0x80, s18, s19, $0xb8;
	[tilespmem:$0x1E800] =	vst v63  }
0xdb: {  	_ = 	snop  }
0xdc: {  	[tilespmem:s21], [sflag:$0x2] =	stream.indirect.gather [hbm4b:s4+s19], $0x80, s19, s19, $0xb8;
	[tilespmem:$0x1E800] =	vst v63  }
0xdd: {  	_ =	swait.ge [sflag:s17], $0x4000  }
0xde: {  	[sflag:s17] =	ssyncset.done $0x0  }
0xdf: {  	[sflag:s17] =	ssyncadd.s32 $0xFFFFC000  }
0xe0: {  	[spmem:s2] =	stream.indirect.scatter.add.f32 [tilespmem:s21], [sflag:$0x1], $0x80, s22, s19, $0xb8;
	[tilespmem:$0x1E800] =	vst v63  }
0xe1: {  	_ =	swait.ge [sflag:s23], $0x4000  }
0xe2: {  	[sflag:s23] =	ssyncset.done $0x0  }
0xe3: {  	s26 =	simm.s32 $0x100;
	[sflag:s23] =	ssyncadd.s32 $0xFFFFC000  }
0xe4: {  	[tilespmem:s20], [sflag:$0x2] =	stream.indirect.gather [hbm4b:s4+s19], $0x80, s26, s19, $0xb8;
	[tilespmem:$0x1E800] =	vst v63  }
0xe5: {  	_ =	swait.ge [sflag:s17], $0x4000  }
0xe6: {  	[sflag:s17] =	ssyncset.done $0x0  }
0xe7: {  	s30 =	simm.s32 $0x1500;
	[sflag:s17] =	ssyncadd.s32 $0xFFFFC000  }
0xe8: {  	[spmem:s2] =	stream.indirect.scatter.add.f32 [tilespmem:s20], [sflag:$0x1], $0x80, s30, s19, $0xb8;
	[tilespmem:$0x1E800] =	vst v63  }
0xe9: {  	_ =	swait.ge [sflag:s23], $0x4000  }
0xea: {  	[sflag:s23] =	ssyncset.done $0x0  }
0xeb: {  	s31 =	simm.s32 $0x180;
	[sflag:s23] =	ssyncadd.s32 $0xFFFFC000  }
0xec: {  	[tilespmem:s21], [sflag:$0x2] =	stream.indirect.gather [hbm4b:s4+s19], $0x80, s31, s19, $0xb8;
	[tilespmem:$0x1E800] =	vst v63  }
0xed: {  	_ =	swait.ge [sflag:s17], $0x4000  }
0xee: {  	[sflag:s17] =	ssyncset.done $0x0  }
0xef: {  	s28 =	simm.s32 $0x1580;
	s26 =	simm.s32 $0xFFFFB800;
	[sflag:s17] =	ssyncadd.s32 $0xFFFFC000  }
.LBB2_5:
0xf0: {  	[spmem:s2] =	stream.indirect.scatter.add.f32 [tilespmem:s21], [sflag:$0x1], $0x80, s28, s19, $0xb8;
	[tilespmem:$0x1E800] =	vst v63  }
0xf1: {  	s28 =	smov.u32 s26  }
0xf2: {  	p1 =	seq.s32 s26, $0xFFFFFC00;
	s26 =	sadd.s32 $0x400, s26;
	_ =	swait.ge [sflag:s23], $0x4000  }
0xf3: {  	s28 =	sshra.s32 s28, $0x2;
	[sflag:s23] =	ssyncset.done $0x0  }
0xf4: {  	s29 =	sadd.s32 $0x1400, s28;
	[sflag:s23] =	ssyncadd.s32 $0xFFFFC000  }
0xf5: {  	[tilespmem:s20], [sflag:$0x2] =	stream.indirect.gather [hbm4b:s4+s19], $0x80, s29, s19, $0xb8;
	[tilespmem:$0x1E800] =	vst v63  }
0xf6: {  	_ =	swait.ge [sflag:s17], $0x4000  }
0xf7: {  	[sflag:s17] =	ssyncset.done $0x0  }
0xf8: {  	s29 =	sadd.s32 $0x2800, s28;
	[sflag:s17] =	ssyncadd.s32 $0xFFFFC000  }
0xf9: {  	[spmem:s2] =	stream.indirect.scatter.add.f32 [tilespmem:s20], [sflag:$0x1], $0x80, s29, s19, $0xb8;
	[tilespmem:$0x1E800] =	vst v63  }
0xfa: {  	_ =	swait.ge [sflag:s23], $0x4000  }
0xfb: {  	[sflag:s23] =	ssyncset.done $0x0  }
.Ltmp7:
0xfc: {  	s29 =	sadd.s32 $0x1480, s28;
	[sflag:s23] =	ssyncadd.s32 $0xFFFFC000;
	(pc) =	sbr.rel @!p1 .LBB2_5-.Ltmp7, $4  }
0xfd: {  	[tilespmem:s21], [sflag:$0x2] =	stream.indirect.gather [hbm4b:s4+s19], $0x80, s29, s19, $0xb8;
	[tilespmem:$0x1E800] =	vst v63  }
0xfe: {  	_ =	swait.ge [sflag:s17], $0x4000  }
0xff: {  	[sflag:s17] =	ssyncset.done $0x0  }
0x100: {  	s28 =	sadd.s32 $0x2880, s28;
	[sflag:s17] =	ssyncadd.s32 $0xFFFFC000  }
.Ltmp8:
0x101: {  	(pc) =	sbr.rel .LBB2_12-.Ltmp8, $2  }
0x102: {  	_ =	sdelay $0x2  }
0x103: {  	[spmem:s2] =	stream.indirect.scatter.add.f32 [tilespmem:s21], [sflag:$0x1], $0x80, s28, s19, $0xb8;
	[tilespmem:$0x1E800] =	vst v63  }
.LBB2_13:
0x104: {  	_ =	sfence.sel $0x180000  }
0x105: {  	[bflag:$0x0] =	sbarrier.arrive $0xFFFF  }
0x106: {  	p0 =	sne.s32 s1, $0x0;
	_ =	strace $0x9000004A  }
0x107: {  	s0 =	sadd.s32 @!p0 $0x100000, s0;
	[bflag:$0x2] =	sbarrier.arrive $0xFFFF  }
0x108: {  	[sflag:s0] =	ssyncadd.tile.s32 @!p0 $0x1;
	_ =	shalt  }
.Lfunc_end2:
_tile_overlayer_lowered:
.L_overlay_start_2:
0x109: {  	(tag) =	ssettag $0x2  }
0x10a: {  	s0 =	rddreg [dreg:$0x0];
	s2 =	stileid.u32  }
0x10b: {  	s1 =	rddreg [dreg:$0x1];
	p0 =	sne.s32 s2, $0x0  }
0x10c: {  	s3 =	rddreg [dreg:$0x2];
	[bflag:$0x3] =	sbarrier.arrive $0xFFFF;
	s2 =	simm.s32 @!p0 $0x1C02  }
0x10d: {  	[timem:s3], [sflag:s2] =	dma.local @!p0 [hbm:s0], s1  }
0x10e: {  	s0 =	simm.s32 @!p0 $0x2  }
0x10f: {  	_ =	swait.ge @!p0 [sflag:s0], s1  }
0x110: {  	s1 =	ssub.s32 @!p0 $0x0, s1;
	[sflag:s0] =	ssyncset.done @!p0 $0x0  }
0x111: {  	[sflag:s0] =	ssyncadd.s32 @!p0 s1  }
0x112: {  	[bflag:$0x3] =	sbarrier.arrive $0xFFFF  }
0x113: {  	_ =	shalt  }

// kernel: kernel.15.cloned.1.call-start
scs
__scs_entry_jumppad:
0x0: {  	(pc) =	sbr.rel $0x88, $3  }
0x1: {  	(tag) =	ssettag $0x0;
	lr =	simm.s32 $0x1  }
0x2: {  	[smem:$0x3F9B] =	sst lr;
	_ =	strace $0xD0000000  }
0x3: {  	_ = 	snop  }
0x4: {  	_ = 	snop  }
0x5: {  	_ = 	snop  }
0x6: {  	_ = 	snop  }
0x7: {  	_ = 	snop  }
__scs_overlays_trampoline_lowered:
0x8: {  	[smem:$0x3FAA] =	sst s0  }
0x9: {  	[smem:$0x3FAB] =	sst s1  }
0xa: {  	[smem:$0x3FAC] =	sst s2  }
0xb: {  	[smem:$0x3FAD] =	sst s3  }
0xc: {  	[smem:$0x3FAE] =	sst s4  }
0xd: {  	[smem:$0x3FAF] =	sst s5  }
0xe: {  	[smem:$0x3FB0] =	sst s6  }
0xf: {  	[smem:$0x3FB1] =	sst s7  }
0x10: {  	[smem:$0x3FB2] =	sst s8  }
0x11: {  	[smem:$0x3FB3] =	sst s9;
	s0 =	simm.s32 @!p0 $0x0  }
0x12: {  	s1 =	sld [smem:$0x3F99];
	s0 =	simm.s32 @p0 $0x1  }
0x13: {  	[smem:$0x3FB4] =	sst s0;
	s0 =	simm.s32 @!p1 $0x0  }
0x14: {  	s2 =	sld [smem:$0x3F98];
	s0 =	simm.s32 @p1 $0x1  }
0x15: {  	[smem:$0x3FB5] =	sst s0;
	s0 =	simm.s32 @!p2 $0x0  }
0x16: {  	s3 =	sld [smem:$0x3FDB];
	s0 =	simm.s32 @p2 $0x1  }
0x17: {  	s4 =	simm.s32 $0x1BF5;
	[smem:$0x3FB7] =	sst s0  }
0x18: {  	s0 =	sld [smem:$0x3F9A];
	_ =	swait.ge [sflag:s4], $0x0  }
0x19: {  	s7 =	sld [smem:$0x3F9B]  }
0x1a: {  	s8 =	sadd.s32 $0xFFFFE003, lr  }
0x1b: {  	s9 =	sadd.s32 $0xFFFFFEF7, lr;
	s5 =	simm.s32 $0xFFFFFFFF;
	p2 =	slt.u32 s8, $0xFFFFF086  }
0x1c: {  	p1 =	slt.u32 s9, $0xF7A;
	s5 =	simm.s32 @!p2 $0x0  }
0x1d: {  	s5 =	simm.s32 @p1 $0x1;
	p0 =	seq.s32 s7, s2  }
0x1e: {  	s7 =	smul.u32 @!p0 $0xF7A, s2;
	p2 =	seq.s32 @!p0 s5, $0x0  }
0x1f: {  	s9 =	smul.u32 $0xF7A, s1;
	s8 =	simm.s32 @!p0 $0x1BF5;
	p2 =	por !p2, p0  }
0x20: {  	[sflag:s8] =	ssyncset.s32 @!p0 $0xFFFFF086;
	s6 =	sadd.s32 @!p0 s3, s7;
	s7 =	simm.s32 @!p0 $0x108  }
0x21: {  	s3 =	sadd.s32 s3, s9;
	s6 =	sadd.s32 @!p0 $0x88, s6;
	s7 =	simm.s32 @p2 $0x1082  }
0x22: {  	[simem:s7], [sflag:s8] =	dma.local @!p0 [hbm:s6], $0xF7A  }
0x23: {  	s9 =	sor.u32 $0xD0000000, s2;
	s6 =	simm.s32 $0x108;
	_ =	swait.ge @!p0 [sflag:s8], $0x0  }
0x24: {  	s3 =	sadd.s32 $0x88, s3;
	s6 =	simm.s32 @!p1 $0x1082;
	[sflag:s4] =	ssyncset.s32 $0xFFFFF086  }
0x25: {  	[simem:s6], [sflag:s4] =	dma.local [hbm:s3], $0xF7A  }
0x26: {  	[smem:$0x3F9B] =	sst s1;
	(tag) =	ssettag s2;
	_ =	strace s9  }
0x27: {  	s1 =	sld [smem:$0x3FAB]  }
0x28: {  	s2 =	sld [smem:$0x3FAC]  }
0x29: {  	s4 =	sld [smem:$0x3FAE]  }
0x2a: {  	p0 =	seq.s32 s5, $0x0;
	s5 =	sld [smem:$0x3FAF]  }
0x2b: {  	s6 =	sld [smem:$0x3FB0]  }
0x2c: {  	s7 =	sld [smem:$0x3FB1]  }
0x2d: {  	s3 =	simm.s32 $0x108;
	s8 =	sld [smem:$0x3FB2]  }
0x2e: {  	s3 =	simm.s32 @!p0 $0x1082;
	s9 =	sld [smem:$0x3FB3]  }
0x2f: {  	lr =	sadd.s32 s0, s3;
	s0 =	sld [smem:$0x3FAA]  }
0x30: {  	s3 =	sld [smem:$0x3FAD]  }
0x31: {  	[smem:$0x3FB6] =	sst s10  }
0x32: {  	s10 =	sld [smem:$0x3FB4];
	_ =	sdelay $0x3  }
0x33: {  	p0 =	seq.s32 s10, $0x1;
	s10 =	sld [smem:$0x3FB6];
	_ =	sdelay $0x3  }
0x34: {  	[smem:$0x3FB6] =	sst s10  }
0x35: {  	s10 =	sld [smem:$0x3FB5];
	_ =	sdelay $0x3  }
0x36: {  	p1 =	seq.s32 s10, $0x1;
	s10 =	sld [smem:$0x3FB6];
	_ =	sdelay $0x3  }
0x37: {  	[smem:$0x3FB6] =	sst s10  }
0x38: {  	s10 =	sld [smem:$0x3FB7]  }
0x39: {  	_ = 	snop;
	(pc) =	sbr.ind lr, $3  }
0x3a: {  	_ = 	snop  }
0x3b: {  	_ = 	snop  }
0x3c: {  	p2 =	seq.s32 s10, $0x1;
	s10 =	sld [smem:$0x3FB6]  }
0x3d: {  	_ =	shalt  }
0x3e: {  	_ =	shalt  }
0x3f: {  	_ =	shalt  }
0x40: {  	_ =	shalt  }
0x41: {  	_ =	shalt  }
0x42: {  	_ =	shalt  }
0x43: {  	_ =	shalt  }
0x44: {  	_ =	shalt  }
0x45: {  	_ =	shalt  }
0x46: {  	_ =	shalt  }
0x47: {  	_ =	shalt  }
0x48: {  	_ =	shalt  }
0x49: {  	_ =	shalt  }
0x4a: {  	_ =	shalt  }
0x4b: {  	_ =	shalt  }
0x4c: {  	_ =	shalt  }
0x4d: {  	_ =	shalt  }
0x4e: {  	_ =	shalt  }
0x4f: {  	_ =	shalt  }
0x50: {  	_ =	shalt  }
0x51: {  	_ =	shalt  }
0x52: {  	_ =	shalt  }
0x53: {  	_ =	shalt  }
0x54: {  	_ =	shalt  }
0x55: {  	_ =	shalt  }
0x56: {  	_ =	shalt  }
0x57: {  	_ =	shalt  }
0x58: {  	_ =	shalt  }
0x59: {  	_ =	shalt  }
0x5a: {  	_ =	shalt  }
0x5b: {  	_ =	shalt  }
0x5c: {  	_ =	shalt  }
0x5d: {  	_ =	shalt  }
0x5e: {  	_ =	shalt  }
0x5f: {  	_ =	shalt  }
0x60: {  	_ =	shalt  }
0x61: {  	_ =	shalt  }
0x62: {  	_ =	shalt  }
0x63: {  	_ =	shalt  }
0x64: {  	_ =	shalt  }
0x65: {  	_ =	shalt  }
0x66: {  	_ =	shalt  }
0x67: {  	_ =	shalt  }
0x68: {  	_ =	shalt  }
0x69: {  	_ =	shalt  }
0x6a: {  	_ =	shalt  }
0x6b: {  	_ =	shalt  }
0x6c: {  	_ =	shalt  }
0x6d: {  	_ =	shalt  }
0x6e: {  	_ =	shalt  }
0x6f: {  	_ =	shalt  }
0x70: {  	_ =	shalt  }
0x71: {  	_ =	shalt  }
0x72: {  	_ =	shalt  }
0x73: {  	_ =	shalt  }
0x74: {  	_ =	shalt  }
0x75: {  	_ =	shalt  }
0x76: {  	_ =	shalt  }
0x77: {  	_ =	shalt  }
0x78: {  	_ =	shalt  }
0x79: {  	_ =	shalt  }
0x7a: {  	_ =	shalt  }
0x7b: {  	_ =	shalt  }
0x7c: {  	_ =	shalt  }
0x7d: {  	_ =	shalt  }
0x7e: {  	_ =	shalt  }
0x7f: {  	_ =	shalt  }
0x80: {  	_ =	shalt  }
0x81: {  	_ =	shalt  }
0x82: {  	_ =	shalt  }
0x83: {  	_ =	shalt  }
0x84: {  	_ =	shalt  }
0x85: {  	_ =	shalt  }
0x86: {  	_ =	shalt  }
0x87: {  	_ =	shalt  }
.Lfunc_end0:
.L_simem_size_0:
called_computation.2_lowered:
.L_overlay_start_0:
0x88: {  	s2 =	sld [smem:$0x3FD9]  }
0x89: {  	s3 =	sld [smem:$0x3FFE];
	_ =	sdelay $0x1  }
0x8a: {  	s1 =	srdreg.scid  }
0x8b: {  	s0 =	sand.u32 $0x1, s1  }
0x8c: {  	s16 =	sshll.u32 s0, $0xA;
	s2 =	sadd.s32 s3, s2  }
0x8d: {  	s2 =	sadd.s32 s2, s16  }
0x8e: {  	[smem:$0x3FC2] =	sst s2  }
0x8f: {  	_ = 	snop  }
0x90: {  	(tm) =	ssettm $0x1  }
0x91: {  	s17 =	sld [smem:$0x3FFB];
	_ =	sdelay $0x3  }
0x92: {  	_ =	strace s17  }
0x93: {  	s2 =	sld [smem:$0x3FFC];
	_ =	sdelay $0x3  }
0x94: {  	_ =	strace s2  }
0x95: {  	s2 =	sld [smem:$0x3FFD];
	_ =	sdelay $0x3  }
0x96: {  	_ =	strace s2  }
0x97: {  	_ =	strace $0x8FFFFFFF  }
0x98: {  	s18 =	sld [smem:$0x3FDB];
	_ =	sdelay $0x1  }
0x99: {  	s19 =	simm.s32 $_scs_section_size  }
0x9a: {  	s4 =	simm.s32 $_size__tile_overlayer_lowered;
	s5 =	simm.s32 $_tile_overlayer_lowered  }
0x9b: {  	s22 =	simm.s32 $0x1BFF;
	s21 =	sshll.u32 s5, $0x1;
	s2 =	sadd.s32 s19, s18  }
0x9c: {  	s6 =	simm.s32 $0x0;
	s20 =	sshll.u32 s4, $0x1;
	s4 =	sadd.s32 s21, s2  }
0x9d: {  	[timem:s6], [sflag:s22] =	dma.local [hbm:s4], s20  }
0x9e: {  	_ =	swait.ge [sflag:s22], s20  }
0x9f: {  	s3 =	ssub.s32 $0x0, s20;
	[sflag:s22] =	ssyncset.done $0x0  }
0xa0: {  	[sflag:s22] =	ssyncadd.s32 s3;
	_ =	sdelay $0x1  }
0xa1: {  	s23 =	simm.s32 $0x1B8B  }
0xa2: {  	_ =	swait.ge [sflag:s23], $0x1  }
0xa3: {  	[sflag:s23] =	ssyncset.done $0x0  }
0xa4: {  	s25 =	simm.s32 $0x1B8E;
	s24 =	sld [smem:$0x3FFE];
	[sflag:s23] =	ssyncadd.s32 $0xFFFFFFFF  }
0xa5: {  	s26 =	simm.s32 $execute0_lowered;
	[smem:$0x3FD2] =	sst s25  }
0xa6: {  	s4 =	sshll.u32 s26, $0x1;
	_ =	strace $0x8000004C;
	[dreg:$0x1] =	wrdreg $0xFFFFFFFF  }
0xa7: {  	s28 =	simm.s32 $_size_execute0_lowered;
	s2 =	sadd.s32 s2, s4;
	[dreg:$0x0] =	wrdreg $0x0  }
0xa8: {  	s4 =	sshll.u32 s28, $0x1;
	[dreg:$0x2] =	wrdreg s2  }
0xa9: {  	[dreg:$0x3] =	wrdreg s4  }
0xaa: {  	[dreg:$0x4] =	wrdreg $0xC0  }
0xab: {  	_ =	task [dreg:s6], $0x5FFFF  }
0xac: {  	[dreg:$0x1] =	wrdreg $0xFFFFFFFF  }
0xad: {  	[dreg:$0x0] =	wrdreg $0x60  }
0xae: {  	[dreg:$0x2] =	wrdreg s24  }
0xaf: {  	[dreg:$0x3] =	wrdreg $0x51000  }
0xb0: {  	[dreg:$0x4] =	wrdreg $0x53800  }
0xb1: {  	[dreg:$0x5] =	wrdreg $0x9  }
0xb2: {  	_ =	task.clear_ibuf [dreg:s6], $0x6FFFF;
	_ =	strace $0x9000004C  }
0xb3: {  	s29 =	simm.s32 $0x9;
	_ =	strace $0x8000004E  }
0xb4: {  	_ =	swait.ge [sflag:s29], $0x1  }
0xb5: {  	[sflag:s29] =	ssyncadd.s32 $0xFFFFFFFF  }
0xb6: {  	_ =	strace $0x9000004E  }
0xb7: {  	_ =	sfence  }
0xb8: {  	s30 =	sld [smem:$0x0];
	_ =	sdelay $0x2  }
0xb9: {  	s31 =	sshll.u32 s1, $0xD;
	s1 =	sshrl.u32 s1, $0x2  }
0xba: {  	s3 =	sand.u32 $0x4000, s31;
	s1 =	sadd.s32 s1, s30  }
0xbb: {  	s0 =	sor.u32 s3, s0;
	s1 =	sshll.u32 s1, $0x11  }
0xbc: {  	s0 =	sor.u32 s1, s0  }
0xbd: {  	s0 =	sadd.s32 $0x8F2B, s0  }
0xbe: {  	[sflag:s0] =	ssyncadd.remote.s32 $0x1  }
0xbf: {  	_ =	sfence.sel $0xFFFF  }
0xc0: {  	[dreg:$0x0] =	wrdreg $0xFFFFFFFF;
	(pc) =	sbr.abs _section_cstart, $3  }
0xc1: {  	[dreg:$0x1] =	wrdreg $0xFFFFFFFF  }
0xc2: {  	_ =	task.clear_ibuf [dreg:s6], $0x2FFFF;
	_ =	strace $0x9FFFFFFF  }
0xc3: {  	(tm) =	ssettm $0x7FFFFFFF  }
tec
execute0_lowered:
.L_overlay_start_1:
0x0: {  	(tag) =	ssettag $0x1  }
0x1: {  	s5 =	rddreg [dreg:$0x0]  }
0x2: {  	s2 =	rddreg [dreg:$0x1]  }
0x3: {  	s3 =	rddreg [dreg:$0x2]  }
0x4: {  	s0 =	rddreg [dreg:$0x3]  }
0x5: {  	s4 =	simm.s32 $0x0;
	s1 =	stileid.u32;
	s6 =	srdreg.scid  }
0x6: {  	s16 =	simm.s32 $0x5000;
	s17 =	simm.s32 $0x1;
	s18 =	simm.s32 $0x5080  }
0x7: {  	s19 =	simm.s32 $0x2880;
	s20 =	simm.s32 $0x2;
	s21 =	simm.s32 $0x100  }
0x8: {  	s24 =	simm.s32 $0x10;
	s25 =	simm.s32 $0x0;
	s9 =	smul.u32 $0x280, s1  }
0x9: {  	s6 =	sand.u32 $0x1, s6;
	s7 =	sshll.u32 s1, $0x1;
	[smem:$0x7FF] =	sst s4  }
0xa: {  	s31 =	sshll.u32 s1, $0x6;
	s23 =	smul.u32 $0xA0, s1;
	s7 =	sor.u32 s6, s7  }
0xb: {  	_ =	strace $0x8000004D;
	s29 =	sshll.u32 s6, $0x4;
	s6 =	ssub.s32 $0x2, s6  }
0xc: {  	s8 =	sshrl.u32 s9, $0x3;
	s7 =	smul.u32 $0x500, s7;
	s12 =	sadd.s32 s29, s5  }
0xd: {  	s30 =	sshrl.u32 s6, $0x1;
	s14 =	sadd.s32 s9, s2;
	s15 =	sadd.s32 s9, s3  }
0xe: {  	s10 =	sadd.s32 s8, s5;
	s13 =	ssub.s32 s6, s30;
	s6 =	sor.u32 $0x1C03, s31  }
.Ltmp0:
0xf: {  	s22 =	sadd.s32 $0x16000, s12;
	s12 =	simm.s32 $0x3;
	(pc) =	sbr.rel .LBB2_1-.Ltmp0, $4  }
0x10: {  	s11 =	sadd.s32 s7, s5;
	s5 =	sadd.s32 $0x15400, s10;
	s9 =	sadd.s32 $0x15A00, s10  }
0x11: {  	s10 =	smax.u32 s13, $0x1;
	s13 =	simm.s32 $0x2800;
	s22 =	sadd.s32 s23, s22  }
0x12: {  	s23 =	simm.s32 $0x20;
	s7 =	sadd.s32 $0xB400, s11;
	s8 =	sadd.s32 $0x1400, s11  }
0x13: {  	s11 =	sshrl.u32 s14, $0x3;
	s14 =	sshrl.u32 s15, $0x3;
	s15 =	simm.s32 $0x80  }
.LBB2_4:
0x14: {  	_ =	swait.ge [sflag:s20], $0x80  }
0x15: {  	s25 =	sadd.s32 $0x1, s25;
	[sflag:s20] =	ssyncset.done $0x0  }
0x16: {  	p0 =	sne.s32 s25, s10;
	[sflag:s20] =	ssyncadd.s32 $0xFFFFFF80  }
.Ltmp1:
0x17: {  	[bflag:$0x0] =	sbarrier.arrive $0xFFFF;
	(pc) =	sbr.rel @!p0 .LBB2_5-.Ltmp1, $4  }
0x18: {  	[hbm:s22@s23], [sflag:s6] =	dma.strided [spmem:s11@s24], $0x50, s17, $0x10   }
0x19: {  	_ =	swait.ge [sflag:s12], $0x50  }
0x1a: {  	[sflag:s12] =	ssyncset.done $0x0  }
0x1b: {  	[sflag:s12] =	ssyncadd.s32 $0xFFFFFFB0  }
.LBB2_1:
0x1c: {  	[spmem:s11], [sflag:s6] =	dma.local [hbm:s5], $0x50  }
0x1d: {  	_ =	swait.ge [sflag:s12], $0x50  }
0x1e: {  	[sflag:s12] =	ssyncset.done $0x0  }
0x1f: {  	[sflag:s12] =	ssyncadd.s32 $0xFFFFFFB0  }
0x20: {  	[tilespmem:s13], [sflag:$0x3] =	stream.linear.gather [hbm4b:s7+s4], $0x2800, $0x38;
	[tilespmem:$0x5600] =	vst v63  }
0x21: {  	_ =	swait.ge [sflag:s12], $0x2800  }
0x22: {  	[sflag:s12] =	ssyncset.done $0x0  }
0x23: {  	[sflag:s12] =	ssyncadd.s32 $0xFFFFD800  }
0x24: {  	[tilespmem:s4], [sflag:$0x3] =	stream.linear.gather [hbm4b:s8+s4], $0x2800, $0x38;
	[tilespmem:$0x5600] =	vst v63  }
0x25: {  	_ =	swait.ge [sflag:s12], $0x2800  }
0x26: {  	[sflag:s12] =	ssyncset.done $0x0  }
0x27: {  	[sflag:s12] =	ssyncadd.s32 $0xFFFFD800  }
0x28: {  	[spmem:s14], [sflag:s6] =	dma.local [hbm:s9], $0x50  }
0x29: {  	_ =	swait.ge [sflag:s12], $0x50  }
0x2a: {  	[sflag:s12] =	ssyncset.done $0x0  }
0x2b: {  	[sflag:s12] =	ssyncadd.s32 $0xFFFFFFB0  }
0x2c: {  	[bflag:$0x0] =	sbarrier.arrive $0xFFFF  }
0x2d: {  	[tilespmem:s16], [sflag:$0x1] =	stream.indirect.gather [spmem:s3], $0x1, s4, s15, $0xb8;
	[tilespmem:$0x5600] =	vst v63  }
0x2e: {  	_ =	swait.ge [sflag:s17], $0x80  }
0x2f: {  	[sflag:s17] =	ssyncset.done $0x0  }
0x30: {  	[sflag:s17] =	ssyncadd.s32 $0xFFFFFF80  }
0x31: {  	[spmem:s2] =	stream.indirect.scatter.add.f32 [tilespmem:s16], [sflag:$0x2], $0x1, s13, s15, $0xb8;
	[tilespmem:$0x5600] =	vst v63  }
0x32: {  	_ = 	snop  }
0x33: {  	[tilespmem:s18], [sflag:$0x1] =	stream.indirect.gather [spmem:s3], $0x1, s15, s15, $0xb8;
	[tilespmem:$0x5600] =	vst v63  }
0x34: {  	_ =	swait.ge [sflag:s17], $0x80  }
0x35: {  	[sflag:s17] =	ssyncset.done $0x0  }
0x36: {  	[sflag:s17] =	ssyncadd.s32 $0xFFFFFF80  }
0x37: {  	[spmem:s2] =	stream.indirect.scatter.add.f32 [tilespmem:s18], [sflag:$0x2], $0x1, s19, s15, $0xb8;
	[tilespmem:$0x5600] =	vst v63  }
0x38: {  	_ =	swait.ge [sflag:s20], $0x80  }
0x39: {  	[sflag:s20] =	ssyncset.done $0x0  }
0x3a: {  	s26 =	simm.s32 $0xFFFF6800;
	[sflag:s20] =	ssyncadd.s32 $0xFFFFFF80  }
0x3b: {  	[tilespmem:s16], [sflag:$0x1] =	stream.indirect.gather [spmem:s3], $0x1, s21, s15, $0xb8;
	[tilespmem:$0x5600] =	vst v63  }
.LBB2_2:
0x3c: {  	_ =	swait.ge [sflag:s17], $0x80  }
0x3d: {  	s28 =	sshra.s32 s26, $0x2;
	[sflag:s17] =	ssyncset.done $0x0  }
0x3e: {  	s29 =	sadd.s32 $0x4F00, s28;
	[sflag:s17] =	ssyncadd.s32 $0xFFFFFF80  }
0x3f: {  	[spmem:s2] =	stream.indirect.scatter.add.f32 [tilespmem:s16], [sflag:$0x2], $0x1, s29, s15, $0xb8;
	[tilespmem:$0x5600] =	vst v63  }
0x40: {  	_ =	swait.ge [sflag:s20], $0x80  }
0x41: {  	[sflag:s20] =	ssyncset.done $0x0  }
0x42: {  	s30 =	sadd.s32 $0x2780, s28;
	[sflag:s20] =	ssyncadd.s32 $0xFFFFFF80  }
0x43: {  	[tilespmem:s18], [sflag:$0x1] =	stream.indirect.gather [spmem:s3], $0x1, s30, s15, $0xb8;
	[tilespmem:$0x5600] =	vst v63  }
0x44: {  	_ =	swait.ge [sflag:s17], $0x80  }
0x45: {  	p0 =	seq.s32 s26, $0x0;
	[sflag:s17] =	ssyncset.done $0x0  }
.Ltmp2:
0x46: {  	s31 =	sadd.s32 $0x4F80, s28;
	[sflag:s17] =	ssyncadd.s32 $0xFFFFFF80;
	(pc) =	sbr.rel @p0 .LBB2_4-.Ltmp2, $4  }
0x47: {  	[spmem:s2] =	stream.indirect.scatter.add.f32 [tilespmem:s18], [sflag:$0x2], $0x1, s31, s15, $0xb8;
	[tilespmem:$0x5600] =	vst v63  }
0x48: {  	_ =	swait.ge [sflag:s20], $0x80  }
0x49: {  	[sflag:s20] =	ssyncset.done $0x0  }
0x4a: {  	[sflag:s20] =	ssyncadd.s32 $0xFFFFFF80  }
.Ltmp3:
0x4b: {  	(pc) =	sbr.rel .LBB2_2-.Ltmp3, $3  }
0x4c: {  	_ =	sdelay $0x1  }
0x4d: {  	s28 =	sadd.s32 $0x2800, s28;
	s26 =	sadd.s32 $0x400, s26  }
0x4e: {  	[tilespmem:s16], [sflag:$0x1] =	stream.indirect.gather [spmem:s3], $0x1, s28, s15, $0xb8;
	[tilespmem:$0x5600] =	vst v63  }
.LBB2_5:
0x4f: {  	_ =	sfence.sel $0x180000  }
0x50: {  	[bflag:$0x0] =	sbarrier.arrive $0xFFFF  }
0x51: {  	p0 =	sne.s32 s1, $0x0;
	_ =	strace $0x9000004D  }
0x52: {  	s0 =	sadd.s32 @!p0 $0x100000, s0;
	[bflag:$0x2] =	sbarrier.arrive $0xFFFF  }
0x53: {  	[sflag:s0] =	ssyncadd.tile.s32 @!p0 $0x1;
	_ =	shalt  }
.Lfunc_end2:
_tile_overlayer_lowered:
.L_overlay_start_2:
0x54: {  	(tag) =	ssettag $0x2  }
0x55: {  	s0 =	rddreg [dreg:$0x0];
	s2 =	stileid.u32  }
0x56: {  	s1 =	rddreg [dreg:$0x1];
	p0 =	sne.s32 s2, $0x0  }
0x57: {  	s3 =	rddreg [dreg:$0x2];
	[bflag:$0x3] =	sbarrier.arrive $0xFFFF;
	s2 =	simm.s32 @!p0 $0x1C03  }
0x58: {  	[timem:s3], [sflag:s2] =	dma.local @!p0 [hbm:s0], s1  }
0x59: {  	s0 =	simm.s32 @!p0 $0x3  }
0x5a: {  	_ =	swait.ge @!p0 [sflag:s0], s1  }
0x5b: {  	s1 =	ssub.s32 @!p0 $0x0, s1;
	[sflag:s0] =	ssyncset.done @!p0 $0x0  }
0x5c: {  	[sflag:s0] =	ssyncadd.s32 @!p0 s1  }
0x5d: {  	[bflag:$0x3] =	sbarrier.arrive $0xFFFF  }
0x5e: {  	_ =	shalt  }

// kernel: kernel.9.cloned.1.call-start
scs
__scs_entry_jumppad:
0x0: {  	(pc) =	sbr.rel $0x88, $3  }
0x1: {  	(tag) =	ssettag $0x0;
	lr =	simm.s32 $0x1  }
0x2: {  	[smem:$0x3F9B] =	sst lr;
	_ =	strace $0xD0000000  }
0x3: {  	_ = 	snop  }
0x4: {  	_ = 	snop  }
0x5: {  	_ = 	snop  }
0x6: {  	_ = 	snop  }
0x7: {  	_ = 	snop  }
__scs_overlays_trampoline_lowered:
0x8: {  	[smem:$0x3FAA] =	sst s0  }
0x9: {  	[smem:$0x3FAB] =	sst s1  }
0xa: {  	[smem:$0x3FAC] =	sst s2  }
0xb: {  	[smem:$0x3FAD] =	sst s3  }
0xc: {  	[smem:$0x3FAE] =	sst s4  }
0xd: {  	[smem:$0x3FAF] =	sst s5  }
0xe: {  	[smem:$0x3FB0] =	sst s6  }
0xf: {  	[smem:$0x3FB1] =	sst s7  }
0x10: {  	[smem:$0x3FB2] =	sst s8  }
0x11: {  	[smem:$0x3FB3] =	sst s9;
	s0 =	simm.s32 @!p0 $0x0  }
0x12: {  	s1 =	sld [smem:$0x3F99];
	s0 =	simm.s32 @p0 $0x1  }
0x13: {  	[smem:$0x3FB4] =	sst s0;
	s0 =	simm.s32 @!p1 $0x0  }
0x14: {  	s2 =	sld [smem:$0x3F98];
	s0 =	simm.s32 @p1 $0x1  }
0x15: {  	[smem:$0x3FB5] =	sst s0;
	s0 =	simm.s32 @!p2 $0x0  }
0x16: {  	s3 =	sld [smem:$0x3FDB];
	s0 =	simm.s32 @p2 $0x1  }
0x17: {  	s4 =	simm.s32 $0x1BF5;
	[smem:$0x3FB7] =	sst s0  }
0x18: {  	s0 =	sld [smem:$0x3F9A];
	_ =	swait.ge [sflag:s4], $0x0  }
0x19: {  	s7 =	sld [smem:$0x3F9B]  }
0x1a: {  	s8 =	sadd.s32 $0xFFFFE003, lr  }
0x1b: {  	s9 =	sadd.s32 $0xFFFFFEF7, lr;
	s5 =	simm.s32 $0xFFFFFFFF;
	p2 =	slt.u32 s8, $0xFFFFF086  }
0x1c: {  	p1 =	slt.u32 s9, $0xF7A;
	s5 =	simm.s32 @!p2 $0x0  }
0x1d: {  	s5 =	simm.s32 @p1 $0x1;
	p0 =	seq.s32 s7, s2  }
0x1e: {  	s7 =	smul.u32 @!p0 $0xF7A, s2;
	p2 =	seq.s32 @!p0 s5, $0x0  }
0x1f: {  	s9 =	smul.u32 $0xF7A, s1;
	s8 =	simm.s32 @!p0 $0x1BF5;
	p2 =	por !p2, p0  }
0x20: {  	[sflag:s8] =	ssyncset.s32 @!p0 $0xFFFFF086;
	s6 =	sadd.s32 @!p0 s3, s7;
	s7 =	simm.s32 @!p0 $0x108  }
0x21: {  	s3 =	sadd.s32 s3, s9;
	s6 =	sadd.s32 @!p0 $0x88, s6;
	s7 =	simm.s32 @p2 $0x1082  }
0x22: {  	[simem:s7], [sflag:s8] =	dma.local @!p0 [hbm:s6], $0xF7A  }
0x23: {  	s9 =	sor.u32 $0xD0000000, s2;
	s6 =	simm.s32 $0x108;
	_ =	swait.ge @!p0 [sflag:s8], $0x0  }
0x24: {  	s3 =	sadd.s32 $0x88, s3;
	s6 =	simm.s32 @!p1 $0x1082;
	[sflag:s4] =	ssyncset.s32 $0xFFFFF086  }
0x25: {  	[simem:s6], [sflag:s4] =	dma.local [hbm:s3], $0xF7A  }
0x26: {  	[smem:$0x3F9B] =	sst s1;
	(tag) =	ssettag s2;
	_ =	strace s9  }
0x27: {  	s1 =	sld [smem:$0x3FAB]  }
0x28: {  	s2 =	sld [smem:$0x3FAC]  }
0x29: {  	s4 =	sld [smem:$0x3FAE]  }
0x2a: {  	p0 =	seq.s32 s5, $0x0;
	s5 =	sld [smem:$0x3FAF]  }
0x2b: {  	s6 =	sld [smem:$0x3FB0]  }
0x2c: {  	s7 =	sld [smem:$0x3FB1]  }
0x2d: {  	s3 =	simm.s32 $0x108;
	s8 =	sld [smem:$0x3FB2]  }
0x2e: {  	s3 =	simm.s32 @!p0 $0x1082;
	s9 =	sld [smem:$0x3FB3]  }
0x2f: {  	lr =	sadd.s32 s0, s3;
	s0 =	sld [smem:$0x3FAA]  }
0x30: {  	s3 =	sld [smem:$0x3FAD]  }
0x31: {  	[smem:$0x3FB6] =	sst s10  }
0x32: {  	s10 =	sld [smem:$0x3FB4];
	_ =	sdelay $0x3  }
0x33: {  	p0 =	seq.s32 s10, $0x1;
	s10 =	sld [smem:$0x3FB6];
	_ =	sdelay $0x3  }
0x34: {  	[smem:$0x3FB6] =	sst s10  }
0x35: {  	s10 =	sld [smem:$0x3FB5];
	_ =	sdelay $0x3  }
0x36: {  	p1 =	seq.s32 s10, $0x1;
	s10 =	sld [smem:$0x3FB6];
	_ =	sdelay $0x3  }
0x37: {  	[smem:$0x3FB6] =	sst s10  }
0x38: {  	s10 =	sld [smem:$0x3FB7]  }
0x39: {  	_ = 	snop;
	(pc) =	sbr.ind lr, $3  }
0x3a: {  	_ = 	snop  }
0x3b: {  	_ = 	snop  }
0x3c: {  	p2 =	seq.s32 s10, $0x1;
	s10 =	sld [smem:$0x3FB6]  }
0x3d: {  	_ =	shalt  }
0x3e: {  	_ =	shalt  }
0x3f: {  	_ =	shalt  }
0x40: {  	_ =	shalt  }
0x41: {  	_ =	shalt  }
0x42: {  	_ =	shalt  }
0x43: {  	_ =	shalt  }
0x44: {  	_ =	shalt  }
0x45: {  	_ =	shalt  }
0x46: {  	_ =	shalt  }
0x47: {  	_ =	shalt  }
0x48: {  	_ =	shalt  }
0x49: {  	_ =	shalt  }
0x4a: {  	_ =	shalt  }
0x4b: {  	_ =	shalt  }
0x4c: {  	_ =	shalt  }
0x4d: {  	_ =	shalt  }
0x4e: {  	_ =	shalt  }
0x4f: {  	_ =	shalt  }
0x50: {  	_ =	shalt  }
0x51: {  	_ =	shalt  }
0x52: {  	_ =	shalt  }
0x53: {  	_ =	shalt  }
0x54: {  	_ =	shalt  }
0x55: {  	_ =	shalt  }
0x56: {  	_ =	shalt  }
0x57: {  	_ =	shalt  }
0x58: {  	_ =	shalt  }
0x59: {  	_ =	shalt  }
0x5a: {  	_ =	shalt  }
0x5b: {  	_ =	shalt  }
0x5c: {  	_ =	shalt  }
0x5d: {  	_ =	shalt  }
0x5e: {  	_ =	shalt  }
0x5f: {  	_ =	shalt  }
0x60: {  	_ =	shalt  }
0x61: {  	_ =	shalt  }
0x62: {  	_ =	shalt  }
0x63: {  	_ =	shalt  }
0x64: {  	_ =	shalt  }
0x65: {  	_ =	shalt  }
0x66: {  	_ =	shalt  }
0x67: {  	_ =	shalt  }
0x68: {  	_ =	shalt  }
0x69: {  	_ =	shalt  }
0x6a: {  	_ =	shalt  }
0x6b: {  	_ =	shalt  }
0x6c: {  	_ =	shalt  }
0x6d: {  	_ =	shalt  }
0x6e: {  	_ =	shalt  }
0x6f: {  	_ =	shalt  }
0x70: {  	_ =	shalt  }
0x71: {  	_ =	shalt  }
0x72: {  	_ =	shalt  }
0x73: {  	_ =	shalt  }
0x74: {  	_ =	shalt  }
0x75: {  	_ =	shalt  }
0x76: {  	_ =	shalt  }
0x77: {  	_ =	shalt  }
0x78: {  	_ =	shalt  }
0x79: {  	_ =	shalt  }
0x7a: {  	_ =	shalt  }
0x7b: {  	_ =	shalt  }
0x7c: {  	_ =	shalt  }
0x7d: {  	_ =	shalt  }
0x7e: {  	_ =	shalt  }
0x7f: {  	_ =	shalt  }
0x80: {  	_ =	shalt  }
0x81: {  	_ =	shalt  }
0x82: {  	_ =	shalt  }
0x83: {  	_ =	shalt  }
0x84: {  	_ =	shalt  }
0x85: {  	_ =	shalt  }
0x86: {  	_ =	shalt  }
0x87: {  	_ =	shalt  }
.Lfunc_end0:
.L_simem_size_0:
called_computation_lowered:
.L_overlay_start_0:
0x88: {  	s2 =	sld [smem:$0x3FD9]  }
0x89: {  	s3 =	sld [smem:$0x3FFE];
	_ =	sdelay $0x1  }
0x8a: {  	s1 =	srdreg.scid  }
0x8b: {  	s0 =	sand.u32 $0x1, s1  }
0x8c: {  	s16 =	sshll.u32 s0, $0xA;
	s2 =	sadd.s32 s3, s2  }
0x8d: {  	s2 =	sadd.s32 s2, s16  }
0x8e: {  	[smem:$0x3FC2] =	sst s2  }
0x8f: {  	_ = 	snop  }
0x90: {  	(tm) =	ssettm $0x1  }
0x91: {  	s17 =	sld [smem:$0x3FFB];
	_ =	sdelay $0x3  }
0x92: {  	_ =	strace s17  }
0x93: {  	s2 =	sld [smem:$0x3FFC];
	_ =	sdelay $0x3  }
0x94: {  	_ =	strace s2  }
0x95: {  	s2 =	sld [smem:$0x3FFD];
	_ =	sdelay $0x3  }
0x96: {  	_ =	strace s2  }
0x97: {  	_ =	strace $0x8FFFFFFF  }
0x98: {  	s18 =	sld [smem:$0x3FDB];
	_ =	sdelay $0x1  }
0x99: {  	s19 =	simm.s32 $_scs_section_size  }
0x9a: {  	s4 =	simm.s32 $_size__tile_overlayer_lowered;
	s5 =	simm.s32 $_tile_overlayer_lowered  }
0x9b: {  	s22 =	simm.s32 $0x1BFF;
	s21 =	sshll.u32 s5, $0x1;
	s2 =	sadd.s32 s19, s18  }
0x9c: {  	s6 =	simm.s32 $0x0;
	s20 =	sshll.u32 s4, $0x1;
	s4 =	sadd.s32 s21, s2  }
0x9d: {  	[timem:s6], [sflag:s22] =	dma.local [hbm:s4], s20  }
0x9e: {  	_ =	swait.ge [sflag:s22], s20  }
0x9f: {  	s3 =	ssub.s32 $0x0, s20;
	[sflag:s22] =	ssyncset.done $0x0  }
0xa0: {  	[sflag:s22] =	ssyncadd.s32 s3;
	_ =	sdelay $0x1  }
0xa1: {  	s23 =	simm.s32 $0x1B8B  }
0xa2: {  	_ =	swait.ge [sflag:s23], $0x1  }
0xa3: {  	[sflag:s23] =	ssyncset.done $0x0  }
0xa4: {  	s25 =	simm.s32 $0x1B8E;
	s24 =	sld [smem:$0x3FFE];
	[sflag:s23] =	ssyncadd.s32 $0xFFFFFFFF  }
0xa5: {  	s26 =	simm.s32 $execute0_lowered;
	[smem:$0x3FD2] =	sst s25  }
0xa6: {  	s4 =	sshll.u32 s26, $0x1;
	_ =	strace $0x80000046;
	[dreg:$0x1] =	wrdreg $0xFFFFFFFF  }
0xa7: {  	s28 =	simm.s32 $_size_execute0_lowered;
	s2 =	sadd.s32 s2, s4;
	[dreg:$0x0] =	wrdreg $0x0  }
0xa8: {  	s4 =	sshll.u32 s28, $0x1;
	[dreg:$0x2] =	wrdreg s2  }
0xa9: {  	[dreg:$0x3] =	wrdreg s4  }
0xaa: {  	[dreg:$0x4] =	wrdreg $0xC0  }
0xab: {  	_ =	task [dreg:s6], $0x5FFFF  }
0xac: {  	[dreg:$0x1] =	wrdreg $0xFFFFFFFF  }
0xad: {  	[dreg:$0x0] =	wrdreg $0x60  }
0xae: {  	[dreg:$0x2] =	wrdreg s24  }
0xaf: {  	[dreg:$0x3] =	wrdreg $0x29000  }
0xb0: {  	[dreg:$0x4] =	wrdreg $0x9  }
0xb1: {  	_ =	task.clear_ibuf [dreg:s6], $0x5FFFF;
	_ =	strace $0x90000046  }
0xb2: {  	s29 =	simm.s32 $0x9;
	_ =	strace $0x80000048  }
0xb3: {  	_ =	swait.ge [sflag:s29], $0x1  }
0xb4: {  	[sflag:s29] =	ssyncadd.s32 $0xFFFFFFFF  }
0xb5: {  	_ =	strace $0x90000048  }
0xb6: {  	_ =	sfence  }
0xb7: {  	s30 =	sld [smem:$0x0];
	_ =	sdelay $0x2  }
0xb8: {  	s31 =	sshll.u32 s1, $0xD;
	s1 =	sshrl.u32 s1, $0x2  }
0xb9: {  	s3 =	sand.u32 $0x4000, s31;
	s1 =	sadd.s32 s1, s30  }
0xba: {  	s0 =	sor.u32 s3, s0;
	s1 =	sshll.u32 s1, $0x11  }
0xbb: {  	s0 =	sor.u32 s1, s0  }
0xbc: {  	s0 =	sadd.s32 $0x8F2B, s0  }
0xbd: {  	[sflag:s0] =	ssyncadd.remote.s32 $0x1  }
0xbe: {  	_ =	sfence.sel $0xFFFF  }
0xbf: {  	[dreg:$0x0] =	wrdreg $0xFFFFFFFF;
	(pc) =	sbr.abs _section_cstart, $3  }
0xc0: {  	[dreg:$0x1] =	wrdreg $0xFFFFFFFF  }
0xc1: {  	_ =	task.clear_ibuf [dreg:s6], $0x2FFFF;
	_ =	strace $0x9FFFFFFF  }
0xc2: {  	(tm) =	ssettm $0x7FFFFFFF  }
0xc3: {  	_ =	shalt  }
tec
execute0_lowered:
.L_overlay_start_1:
0x0: {  	(tag) =	ssettag $0x1  }
0x1: {  	s4 =	rddreg [dreg:$0x0]  }
0x2: {  	s2 =	rddreg [dreg:$0x1]  }
0x3: {  	s0 =	rddreg [dreg:$0x2];
	s3 =	simm.s32 $0x0;
	s1 =	stileid.u32  }
0x4: {  	s5 =	srdreg.scid;
	s12 =	simm.s32 $0x1;
	s15 =	simm.s32 $0x10  }
0x5: {  	s16 =	simm.s32 $0x0;
	s6 =	smul.u32 $0x280, s1;
	s5 =	sand.u32 $0x1, s5  }
0x6: {  	s7 =	sshll.u32 s1, $0x1;
	[smem:$0x7FF] =	sst s3;
	s31 =	sshll.u32 s1, $0x6  }
0x7: {  	s14 =	smul.u32 $0xA0, s1;
	s7 =	sor.u32 s5, s7;
	_ =	strace $0x80000047  }
0x8: {  	s9 =	sshll.u32 s5, $0x4;
	s5 =	ssub.s32 $0x2, s5;
	s8 =	sshrl.u32 s6, $0x3  }
0x9: {  	s7 =	smul.u32 $0x500, s7;
	s9 =	sadd.s32 s9, s4;
	s30 =	sshrl.u32 s5, $0x1  }
0xa: {  	s11 =	sadd.s32 s6, s2;
	s8 =	sadd.s32 s8, s4;
	s10 =	ssub.s32 s5, s30  }
0xb: {  	s5 =	sor.u32 $0x1C02, s31;
	s13 =	sadd.s32 $0x15A00, s9;
	s9 =	simm.s32 $0x2  }
0xc: {  	s7 =	sadd.s32 s7, s4;
	s4 =	sadd.s32 $0x15400, s8;
	s8 =	sshrl.u32 s11, $0x3  }
0xd: {  	s11 =	simm.s32 $0x2800;
	s13 =	sadd.s32 s14, s13;
	s14 =	simm.s32 $0x20  }
0xe: {  	v0 =	vimm.f32 $1.000000000e+00;
	s6 =	sadd.s32 $0xB400, s7;
	s7 =	smax.u32 s10, $0x1;
	s10 =	simm.s32 $0x80  }
.LBB2_1:
0xf: {  	[spmem:s8], [sflag:s5] =	dma.local [hbm:s4], $0x50  }
0x10: {  	_ =	swait.ge [sflag:s9], $0x50  }
0x11: {  	[sflag:s9] =	ssyncset.done $0x0  }
0x12: {  	[sflag:s9] =	ssyncadd.s32 $0xFFFFFFB0  }
0x13: {  	[tilespmem:s3], [sflag:$0x2] =	stream.linear.gather [hbm4b:s6+s3], $0x2800, $0x38;
	[tilespmem:$0x2B80] =	vst v63  }
0x14: {  	_ =	swait.ge [sflag:s9], $0x2800  }
0x15: {  	[sflag:s9] =	ssyncset.done $0x0  }
0x16: {  	[sflag:s9] =	ssyncadd.s32 $0xFFFFD800  }
0x17: {  	[tilespmem:$0x2800] =	vst v0  }
0x18: {  	[tilespmem:$0x2810] =	vst v0  }
0x19: {  	[tilespmem:$0x2820] =	vst v0  }
0x1a: {  	[tilespmem:$0x2830] =	vst v0  }
0x1b: {  	[tilespmem:$0x2840] =	vst v0  }
0x1c: {  	[tilespmem:$0x2850] =	vst v0  }
0x1d: {  	[tilespmem:$0x2860] =	vst v0  }
0x1e: {  	p0 =	por $0x1, $0x1;
	[tilespmem:$0x2870] =	vst v0  }
0x1f: {  	s18 =	simm.s32 @!p0 $0x1;
	[bflag:$0x0] =	sbarrier.arrive $0xFFFF  }
0x20: {  	_ =	swait.ge @!p0 [sflag:s18], $0x80  }
0x21: {  	s17 =	simm.s32 $0x1;
	[sflag:s18] =	ssyncset.done @!p0 $0x0  }
0x22: {  	s19 =	simm.s32 $0x0;
	[sflag:s18] =	ssyncadd.s32 @!p0 $0xFFFFFF80;
	s18 =	simm.s32 $0x80  }
.LBB2_2:
0x23: {  	[spmem:s2] =	stream.indirect.scatter.add.f32 [tilespmem:s11], [sflag:$0x1], $0x1, s19, s10, $0xb8;
	[tilespmem:$0x2B80] =	vst v63  }
0x24: {  	p0 =	slt.u32 s17, $0x8;
	s17 =	sadd.s32 $0x1, s17  }
0x25: {  	p1 =	sne.s32 s17, $0x50  }
.Ltmp0:
0x26: {  	(pc) =	sbr.rel @p1 .LBB2_2-.Ltmp0, $4  }
0x27: {  	s19 =	smov.u32 s18;
	s20 =	simm.s32 @!p0 $0x1  }
0x28: {  	_ =	swait.ge @!p0 [sflag:s20], $0x80  }
0x29: {  	[sflag:s20] =	ssyncset.done @!p0 $0x0  }
0x2a: {  	s18 =	sadd.s32 $0x80, s18;
	[sflag:s20] =	ssyncadd.s32 @!p0 $0xFFFFFF80  }
0x2b: {  	[spmem:s2] =	stream.indirect.scatter.add.f32 [tilespmem:s11], [sflag:$0x1], $0x1, s19, s10, $0xb8;
	[tilespmem:$0x2B80] =	vst v63  }
0x2c: {  	_ =	swait.ge [sflag:s12], $0x80  }
0x2d: {  	[sflag:s12] =	ssyncset.done $0x0  }
0x2e: {  	[sflag:s12] =	ssyncadd.s32 $0xFFFFFF80  }
0x2f: {  	_ =	swait.ge [sflag:s12], $0x80  }
0x30: {  	[sflag:s12] =	ssyncset.done $0x0  }
0x31: {  	[sflag:s12] =	ssyncadd.s32 $0xFFFFFF80  }
0x32: {  	_ =	swait.ge [sflag:s12], $0x80  }
0x33: {  	[sflag:s12] =	ssyncset.done $0x0  }
0x34: {  	[sflag:s12] =	ssyncadd.s32 $0xFFFFFF80  }
0x35: {  	_ =	swait.ge [sflag:s12], $0x80  }
0x36: {  	[sflag:s12] =	ssyncset.done $0x0  }
0x37: {  	[sflag:s12] =	ssyncadd.s32 $0xFFFFFF80  }
0x38: {  	_ =	swait.ge [sflag:s12], $0x80  }
0x39: {  	[sflag:s12] =	ssyncset.done $0x0  }
0x3a: {  	[sflag:s12] =	ssyncadd.s32 $0xFFFFFF80  }
0x3b: {  	_ =	swait.ge [sflag:s12], $0x80  }
0x3c: {  	[sflag:s12] =	ssyncset.done $0x0  }
0x3d: {  	[sflag:s12] =	ssyncadd.s32 $0xFFFFFF80  }
0x3e: {  	_ =	swait.ge [sflag:s12], $0x80  }
0x3f: {  	[sflag:s12] =	ssyncset.done $0x0  }
0x40: {  	[sflag:s12] =	ssyncadd.s32 $0xFFFFFF80  }
0x41: {  	_ =	swait.ge [sflag:s12], $0x80  }
0x42: {  	s16 =	sadd.s32 $0x1, s16;
	[sflag:s12] =	ssyncset.done $0x0  }
0x43: {  	p0 =	sne.s32 s16, s7;
	[sflag:s12] =	ssyncadd.s32 $0xFFFFFF80  }
.Ltmp1:
0x44: {  	[bflag:$0x0] =	sbarrier.arrive $0xFFFF;
	(pc) =	sbr.rel @p0 .LBB2_1-.Ltmp1, $4  }
0x45: {  	[hbm:s13@s14], [sflag:s5] =	dma.strided [spmem:s8@s15], $0x50, s12, $0x10   }
0x46: {  	_ =	swait.ge [sflag:s9], $0x50  }
0x47: {  	[sflag:s9] =	ssyncset.done $0x0  }
0x48: {  	[sflag:s9] =	ssyncadd.s32 $0xFFFFFFB0  }
0x49: {  	_ =	sfence.sel $0x180000  }
0x4a: {  	[bflag:$0x0] =	sbarrier.arrive $0xFFFF  }
0x4b: {  	p0 =	sne.s32 s1, $0x0;
	_ =	strace $0x90000047  }
0x4c: {  	s0 =	sadd.s32 @!p0 $0x100000, s0;
	[bflag:$0x2] =	sbarrier.arrive $0xFFFF  }
0x4d: {  	[sflag:s0] =	ssyncadd.tile.s32 @!p0 $0x1;
	_ =	shalt  }
.Lfunc_end2:
_tile_overlayer_lowered:
.L_overlay_start_2:
0x4e: {  	(tag) =	ssettag $0x2  }
0x4f: {  	s0 =	rddreg [dreg:$0x0];
	s2 =	stileid.u32  }
0x50: {  	s1 =	rddreg [dreg:$0x1];
	p0 =	sne.s32 s2, $0x0  }
0x51: {  	s3 =	rddreg [dreg:$0x2];
	[bflag:$0x3] =	sbarrier.arrive $0xFFFF;
	s2 =	simm.s32 @!p0 $0x1C02  }
0x52: {  	[timem:s3], [sflag:s2] =	dma.local @!p0 [hbm:s0], s1  }
0x53: {  	s0 =	simm.s32 @!p0 $0x2  }
0x54: {  	_ =	swait.ge @!p0 [sflag:s0], s1  }
0x55: {  	s1 =	ssub.s32 @!p0 $0x0, s1;
	[sflag:s0] =	ssyncset.done @!p0 $0x0  }
0x56: {  	[sflag:s0] =	ssyncadd.s32 @!p0 s1  }
0x57: {  	[bflag:$0x3] =	sbarrier.arrive $0xFFFF  }
0x58: {  	_ =	shalt  }

</sc_bundles>
